<compile_context>
chip_gen: v7x
topology: tpu7x:2x2x1
jax: 0.10.2.dev20260603
libtpu: 0.0.44.dev20260713+nightly
codegen_flags: <defaults>
</compile_context>

<pallas_src>
import functools

import jax
import jax.numpy as jnp
from jax import lax
from jax.experimental import pallas as pl
from jax.experimental.pallas import tpu as pltpu
from jax.experimental.pallas import tpu_sc as plsc

BATCH = 4096
MAXLEN = 200
EMBED = 32
VOCAB_ = 100000

_NC = 2
_NS = 16
_NW = _NC * _NS
_TT = MAXLEN // 8
_TCH = 4
_NCH = MAXLEN // _TCH
_NBLK = _TCH * (EMBED // 8)
_PSTR = 129


def _issue_gather(tok_hbm, idx_all, rows_b, sem, t0):
    for tl in range(_TCH):
        pltpu.async_copy(
            tok_hbm.at[idx_all.at[pl.ds((t0 + tl) * 128, 128)]],
            rows_b.at[pl.ds(tl * 128, 128)],
            sem,
        )


def _wait_gather(tok_hbm, rows_b, sem):
    pltpu.make_async_copy(tok_hbm.at[pl.ds(0, _TCH * 128)], rows_b, sem).wait()


def _transpose_add(rows_b, pos_v, outb, t0):
    lanes = lax.iota(jnp.int32, 16)
    ev = lanes % 8
    zeros = lanes * 0
    for tl in range(_TCH):
        t = t0 + tl
        p0 = pos_v[t, pl.ds(0, 16)]
        p1 = pos_v[t, pl.ds(16, 16)]
        blk0 = tl * 4 + lanes // 8
        blk1 = blk0 + 2

        @plsc.parallel_loop(0, 128, unroll=8)
        def _(b):
            r0 = rows_b[tl * 128 + b, pl.ds(0, 16)]
            r1 = rows_b[tl * 128 + b, pl.ds(16, 16)]
            bv = zeros + b
            plsc.store_scatter(outb, [blk0, ev, bv], r0 + p0)
            plsc.store_scatter(outb, [blk1, ev, bv], r1 + p1)


def _emb_body(x_hbm, tok_hbm, pos_hbm, out_hbm,
              idx_all, pos_v, rows2, out2, gsem0, gsem1, osem0, osem1):
    w = lax.axis_index("s") * _NC + lax.axis_index("c")

    rows_b0 = rows2.at[0]
    rows_b1 = rows2.at[1]
    outb0 = out2.at[0]
    outb1 = out2.at[1]

    pltpu.async_copy(pos_hbm, pos_v, osem0)
    for tt in range(_TT):
        pltpu.async_copy(
            x_hbm.at[tt, w], idx_all.at[pl.ds(tt * 1024, 1024)], gsem0
        )
    for tt in range(_TT):
        pltpu.make_async_copy(
            x_hbm.at[tt, w], idx_all.at[pl.ds(tt * 1024, 1024)], gsem0
        ).wait()
    pltpu.make_async_copy(pos_hbm, pos_v, osem0).wait()

    @plsc.parallel_loop(0, _TT * 1024, step=16, unroll=8)
    def _(i):
        idx_all[pl.ds(i, 16)] = idx_all[pl.ds(i, 16)] * 4

    _issue_gather(tok_hbm, idx_all, rows_b0, gsem0, 0)

    def outer(j, carry):
        ta = 2 * j * _TCH
        tb = ta + _TCH

        _wait_gather(tok_hbm, rows_b0, gsem0)

        @pl.when(j > 0)
        def _():
            pltpu.make_async_copy(
                outb1.at[:, :, pl.ds(0, 128)],
                out_hbm.at[pl.ds(0, _NBLK), w],
                osem1,
            ).wait()

        _issue_gather(tok_hbm, idx_all, rows_b1, gsem1, tb)
        _transpose_add(rows_b0, pos_v, outb0, ta)
        pltpu.async_copy(
            outb0.at[:, :, pl.ds(0, 128)],
            out_hbm.at[pl.ds(ta * 4, _NBLK), w],
            osem0,
        )

        _wait_gather(tok_hbm, rows_b1, gsem1)
        pltpu.make_async_copy(
            outb0.at[:, :, pl.ds(0, 128)],
            out_hbm.at[pl.ds(0, _NBLK), w],
            osem0,
        ).wait()

        @pl.when(j < _NCH // 2 - 1)
        def _():
            _issue_gather(tok_hbm, idx_all, rows_b0, gsem0, tb + _TCH)

        _transpose_add(rows_b1, pos_v, outb1, tb)
        pltpu.async_copy(
            outb1.at[:, :, pl.ds(0, 128)],
            out_hbm.at[pl.ds(tb * 4, _NBLK), w],
            osem1,
        )
        return carry

    lax.fori_loop(0, _NCH // 2, outer, 0)

    pltpu.make_async_copy(
        outb1.at[:, :, pl.ds(0, 128)],
        out_hbm.at[pl.ds(0, _NBLK), w],
        osem1,
    ).wait()


@jax.jit
def _emb_call(x4, tok_pad, pos_emb):
    mesh = plsc.VectorSubcoreMesh(core_axis_name="c", subcore_axis_name="s")
    k = functools.partial(
        pl.kernel,
        mesh=mesh,
        out_type=jax.ShapeDtypeStruct((MAXLEN * 4, _NW, 8, 128), jnp.float32),
        scratch_types=[
            pltpu.VMEM((MAXLEN * 128, ), jnp.int32),
            pltpu.VMEM((MAXLEN, EMBED), jnp.float32),
            pltpu.VMEM((2, _TCH * 128, EMBED), jnp.float32),
            pltpu.VMEM((2, _NBLK, 8, _PSTR), jnp.float32),
            pltpu.SemaphoreType.DMA,
            pltpu.SemaphoreType.DMA,
            pltpu.SemaphoreType.DMA,
            pltpu.SemaphoreType.DMA,
        ],
        compiler_params=pltpu.CompilerParams(
            use_tc_tiling_on_sc=False, needs_layout_passes=False
        ),
    )(_emb_body)
    return k(x4, tok_pad, pos_emb)


def kernel(x, token_emb, pos_emb):
    x4 = (
        x.astype(jnp.int32)
        .reshape(_NW, 128, _TT, 8)
        .transpose(2, 0, 3, 1)
        .reshape(_TT, _NW, 1024)
    )
    tok_pad = jnp.pad(token_emb, ((0, 0), (0, 96))).reshape(4 * VOCAB_, EMBED)
    out = _emb_call(x4, tok_pad, pos_emb)
    return (
        out.reshape(MAXLEN, 4, _NW, 8, 128)
        .transpose(2, 4, 0, 1, 3)
        .reshape(BATCH, MAXLEN, EMBED)
    )

# --- scband reference (transcript-rebuilt; emitter-appended) ---
"""Pipeline reference for scband-token-and-position-embedding-68006512165232 (READ-ONLY COPY).

The authoritative reference and input builder live on the scoring server;
editing this copy changes nothing except your own understanding.
"""

import jax, jax.numpy as jnp
import numpy as np

VOCAB = 100000
MAXLEN = 200
EMBED = 32
BATCH = 4096

def setup_inputs(seed: int = 0) -> dict:
    key = jax.random.key(seed)
    k1, k2, k3 = jax.random.split(key, 3)
    x = jax.random.randint(k1, (BATCH, MAXLEN), 0, VOCAB, dtype=jnp.int64) if jax.config.jax_enable_x64 else jax.random.randint(k1, (BATCH, MAXLEN), 0, VOCAB, dtype=jnp.int32)
    token_emb = jax.random.normal(k2, (VOCAB, EMBED), dtype=jnp.float32) * 0.05
    pos_emb = jax.random.normal(k3, (MAXLEN, EMBED), dtype=jnp.float32) * 0.05
    return {"x": x, "token_emb": token_emb, "pos_emb": pos_emb}

def reference(x, token_emb, pos_emb):
    # Faithful translation of TokenAndPositionEmbedding.call
    maxlen = x.shape[-1]
    positions = jnp.arange(0, maxlen)
    pos = jnp.take(pos_emb, positions, axis=0)        # [maxlen, embed]
    tok = jnp.take(token_emb, x, axis=0)              # [B, maxlen, embed]
    return tok + pos

if __name__ == "__main__":
    import jax
    _d = setup_inputs()
    print(jax.jit(kernel)(*tuple(_d.values())))

</pallas_src>

<mosaic_0001>
#map = affine_map<(d0, d1) -> (0, 0, 0)>
#map1 = affine_map<(d0, d1) -> (0, 0)>
#map2 = affine_map<(d0, d1) -> (0, 0, 0, 0)>
module attributes {stable_mosaic.version = 14 : i64} {
  func.func @_emb_body(%arg0: i32, %arg1: i32, %arg2: memref<25x32x1024xi32, #tpu.memory_space<hbm>>, %arg3: memref<400000x32xf32, #tpu.memory_space<hbm>>, %arg4: memref<200x32xf32, #tpu.memory_space<hbm>>, %arg5: memref<800x32x8x128xf32, #tpu.memory_space<hbm>>, %arg6: memref<25600xi32, #tpu.memory_space<vmem>>, %arg7: memref<200x32xf32, #tpu.memory_space<vmem>>, %arg8: memref<2x512x32xf32, #tpu.memory_space<vmem>>, %arg9: memref<2x16x8x129xf32, #tpu.memory_space<vmem>>, %arg10: memref<!tpu.dma_semaphore, #tpu.memory_space<semaphore_mem>>, %arg11: memref<!tpu.dma_semaphore, #tpu.memory_space<semaphore_mem>>, %arg12: memref<!tpu.dma_semaphore, #tpu.memory_space<semaphore_mem>>, %arg13: memref<!tpu.dma_semaphore, #tpu.memory_space<semaphore_mem>>) attributes {dimension_semantics = [#tpu.dimension_semantics<core_parallel>, #tpu.dimension_semantics<subcore_parallel>], iteration_bounds = array<i64: 2, 16>, scalar_prefetch = 0 : i64, scratch_operands = 8 : i64, tpu.core_type = #tpu.core_type<sc_vector_subcore>, window_params = [{transform_indices = #map}, {transform_indices = #map1}, {transform_indices = #map1}, {transform_indices = #map2}]} {
    %mul3A = arith.constant 2 : i32
    %mul3A_0 = arith.muli %arg1, %mul3A : i32
    %add3A = arith.addi %mul3A_0, %arg0 : i32
    tpu.enqueue_dma source(%arg4 : memref<200x32xf32, #tpu.memory_space<hbm>>) target(%arg7 : memref<200x32xf32, #tpu.memory_space<vmem>>) target_semaphore(%arg12 : memref<!tpu.dma_semaphore, #tpu.memory_space<semaphore_mem>>)
    %dma_start3A = arith.constant 0 : i32
    %dma_start3A_1 = arith.constant 0 : i32
    %dma_start3A_2 = tpu.memref_slice %arg6[%dma_start3A_1] : memref<25600xi32, #tpu.memory_space<vmem>> -> memref<1024xi32, #tpu.memory_space<vmem>>
    %dma_start3A_3 = arith.constant 0 : i32
    %dma_start3A_4 = tpu.memref_slice %arg2[%dma_start3A, %add3A, %dma_start3A_3] : memref<25x32x1024xi32, #tpu.memory_space<hbm>> -> memref<1x1x1024xi32, #tpu.memory_space<hbm>>
    %dma_start3A_5 = tpu.memref_squeeze %dma_start3A_4 : memref<1x1x1024xi32, #tpu.memory_space<hbm>> -> memref<1024xi32, #tpu.memory_space<hbm>>
    %dma_start3A_6 = arith.constant 0 : i32
    %dma_start3A_7 = tpu.memref_slice %arg6[%dma_start3A_6] : memref<25600xi32, #tpu.memory_space<vmem>> -> memref<1024xi32, #tpu.memory_space<vmem>>
    %dma_start3A_8 = arith.constant 0 : i32
    %dma_start3A_9 = tpu.memref_slice %arg2[%dma_start3A, %add3A, %dma_start3A_8] : memref<25x32x1024xi32, #tpu.memory_space<hbm>> -> memref<1x1x1024xi32, #tpu.memory_space<hbm>>
    %dma_start3A_10 = tpu.memref_squeeze %dma_start3A_9 : memref<1x1x1024xi32, #tpu.memory_space<hbm>> -> memref<1024xi32, #tpu.memory_space<hbm>>
    tpu.enqueue_dma source(%dma_start3A_10 : memref<1024xi32, #tpu.memory_space<hbm>>) target(%dma_start3A_7 : memref<1024xi32, #tpu.memory_space<vmem>>) target_semaphore(%arg10 : memref<!tpu.dma_semaphore, #tpu.memory_space<semaphore_mem>>)
    %dma_start3A_11 = arith.constant 1 : i32
    %dma_start3A_12 = arith.constant 1024 : i32
    %dma_start3A_13 = tpu.memref_slice %arg6[%dma_start3A_12] : memref<25600xi32, #tpu.memory_space<vmem>> -> memref<1024xi32, #tpu.memory_space<vmem>>
    %dma_start3A_14 = arith.constant 0 : i32
    %dma_start3A_15 = tpu.memref_slice %arg2[%dma_start3A_11, %add3A, %dma_start3A_14] : memref<25x32x1024xi32, #tpu.memory_space<hbm>> -> memref<1x1x1024xi32, #tpu.memory_space<hbm>>
    %dma_start3A_16 = tpu.memref_squeeze %dma_start3A_15 : memref<1x1x1024xi32, #tpu.memory_space<hbm>> -> memref<1024xi32, #tpu.memory_space<hbm>>
    %dma_start3A_17 = arith.constant 1024 : i32
    %dma_start3A_18 = tpu.memref_slice %arg6[%dma_start3A_17] : memref<25600xi32, #tpu.memory_space<vmem>> -> memref<1024xi32, #tpu.memory_space<vmem>>
    %dma_start3A_19 = arith.constant 0 : i32
    %dma_start3A_20 = tpu.memref_slice %arg2[%dma_start3A_11, %add3A, %dma_start3A_19] : memref<25x32x1024xi32, #tpu.memory_space<hbm>> -> memref<1x1x1024xi32, #tpu.memory_space<hbm>>
    %dma_start3A_21 = tpu.memref_squeeze %dma_start3A_20 : memref<1x1x1024xi32, #tpu.memory_space<hbm>> -> memref<1024xi32, #tpu.memory_space<hbm>>
    tpu.enqueue_dma source(%dma_start3A_21 : memref<1024xi32, #tpu.memory_space<hbm>>) target(%dma_start3A_18 : memref<1024xi32, #tpu.memory_space<vmem>>) target_semaphore(%arg10 : memref<!tpu.dma_semaphore, #tpu.memory_space<semaphore_mem>>)
    %dma_start3A_22 = arith.constant 2 : i32
    %dma_start3A_23 = arith.constant 2048 : i32
    %dma_start3A_24 = tpu.memref_slice %arg6[%dma_start3A_23] : memref<25600xi32, #tpu.memory_space<vmem>> -> memref<1024xi32, #tpu.memory_space<vmem>>
    %dma_start3A_25 = arith.constant 0 : i32
    %dma_start3A_26 = tpu.memref_slice %arg2[%dma_start3A_22, %add3A, %dma_start3A_25] : memref<25x32x1024xi32, #tpu.memory_space<hbm>> -> memref<1x1x1024xi32, #tpu.memory_space<hbm>>
    %dma_start3A_27 = tpu.memref_squeeze %dma_start3A_26 : memref<1x1x1024xi32, #tpu.memory_space<hbm>> -> memref<1024xi32, #tpu.memory_space<hbm>>
    %dma_start3A_28 = arith.constant 2048 : i32
    %dma_start3A_29 = tpu.memref_slice %arg6[%dma_start3A_28] : memref<25600xi32, #tpu.memory_space<vmem>> -> memref<1024xi32, #tpu.memory_space<vmem>>
    %dma_start3A_30 = arith.constant 0 : i32
    %dma_start3A_31 = tpu.memref_slice %arg2[%dma_start3A_22, %add3A, %dma_start3A_30] : memref<25x32x1024xi32, #tpu.memory_space<hbm>> -> memref<1x1x1024xi32, #tpu.memory_space<hbm>>
    %dma_start3A_32 = tpu.memref_squeeze %dma_start3A_31 : memref<1x1x1024xi32, #tpu.memory_space<hbm>> -> memref<1024xi32, #tpu.memory_space<hbm>>
    tpu.enqueue_dma source(%dma_start3A_32 : memref<1024xi32, #tpu.memory_space<hbm>>) target(%dma_start3A_29 : memref<1024xi32, #tpu.memory_space<vmem>>) target_semaphore(%arg10 : memref<!tpu.dma_semaphore, #tpu.memory_space<semaphore_mem>>)
    %dma_start3A_33 = arith.constant 3 : i32
    %dma_start3A_34 = arith.constant 3072 : i32
    %dma_start3A_35 = tpu.memref_slice %arg6[%dma_start3A_34] : memref<25600xi32, #tpu.memory_space<vmem>> -> memref<1024xi32, #tpu.memory_space<vmem>>
    %dma_start3A_36 = arith.constant 0 : i32
    %dma_start3A_37 = tpu.memref_slice %arg2[%dma_start3A_33, %add3A, %dma_start3A_36] : memref<25x32x1024xi32, #tpu.memory_space<hbm>> -> memref<1x1x1024xi32, #tpu.memory_space<hbm>>
    %dma_start3A_38 = tpu.memref_squeeze %dma_start3A_37 : memref<1x1x1024xi32, #tpu.memory_space<hbm>> -> memref<1024xi32, #tpu.memory_space<hbm>>
    %dma_start3A_39 = arith.constant 3072 : i32
    %dma_start3A_40 = tpu.memref_slice %arg6[%dma_start3A_39] : memref<25600xi32, #tpu.memory_space<vmem>> -> memref<1024xi32, #tpu.memory_space<vmem>>
    %dma_start3A_41 = arith.constant 0 : i32
    %dma_start3A_42 = tpu.memref_slice %arg2[%dma_start3A_33, %add3A, %dma_start3A_41] : memref<25x32x1024xi32, #tpu.memory_space<hbm>> -> memref<1x1x1024xi32, #tpu.memory_space<hbm>>
    %dma_start3A_43 = tpu.memref_squeeze %dma_start3A_42 : memref<1x1x1024xi32, #tpu.memory_space<hbm>> -> memref<1024xi32, #tpu.memory_space<hbm>>
    tpu.enqueue_dma source(%dma_start3A_43 : memref<1024xi32, #tpu.memory_space<hbm>>) target(%dma_start3A_40 : memref<1024xi32, #tpu.memory_space<vmem>>) target_semaphore(%arg10 : memref<!tpu.dma_semaphore, #tpu.memory_space<semaphore_mem>>)
    %dma_start3A_44 = arith.constant 4 : i32
    %dma_start3A_45 = arith.constant 4096 : i32
    %dma_start3A_46 = tpu.memref_slice %arg6[%dma_start3A_45] : memref<25600xi32, #tpu.memory_space<vmem>> -> memref<1024xi32, #tpu.memory_space<vmem>>
    %dma_start3A_47 = arith.constant 0 : i32
    %dma_start3A_48 = tpu.memref_slice %arg2[%dma_start3A_44, %add3A, %dma_start3A_47] : memref<25x32x1024xi32, #tpu.memory_space<hbm>> -> memref<1x1x1024xi32, #tpu.memory_space<hbm>>
    %dma_start3A_49 = tpu.memref_squeeze %dma_start3A_48 : memref<1x1x1024xi32, #tpu.memory_space<hbm>> -> memref<1024xi32, #tpu.memory_space<hbm>>
    %dma_start3A_50 = arith.constant 4096 : i32
    %dma_start3A_51 = tpu.memref_slice %arg6[%dma_start3A_50] : memref<25600xi32, #tpu.memory_space<vmem>> -> memref<1024xi32, #tpu.memory_space<vmem>>
    %dma_start3A_52 = arith.constant 0 : i32
    %dma_start3A_53 = tpu.memref_slice %arg2[%dma_start3A_44, %add3A, %dma_start3A_52] : memref<25x32x1024xi32, #tpu.memory_space<hbm>> -> memref<1x1x1024xi32, #tpu.memory_space<hbm>>
    %dma_start3A_54 = tpu.memref_squeeze %dma_start3A_53 : memref<1x1x1024xi32, #tpu.memory_space<hbm>> -> memref<1024xi32, #tpu.memory_space<hbm>>
    tpu.enqueue_dma source(%dma_start3A_54 : memref<1024xi32, #tpu.memory_space<hbm>>) target(%dma_start3A_51 : memref<1024xi32, #tpu.memory_space<vmem>>) target_semaphore(%arg10 : memref<!tpu.dma_semaphore, #tpu.memory_space<semaphore_mem>>)
    %dma_start3A_55 = arith.constant 5 : i32
    %dma_start3A_56 = arith.constant 5120 : i32
    %dma_start3A_57 = tpu.memref_slice %arg6[%dma_start3A_56] : memref<25600xi32, #tpu.memory_space<vmem>> -> memref<1024xi32, #tpu.memory_space<vmem>>
    %dma_start3A_58 = arith.constant 0 : i32
    %dma_start3A_59 = tpu.memref_slice %arg2[%dma_start3A_55, %add3A, %dma_start3A_58] : memref<25x32x1024xi32, #tpu.memory_space<hbm>> -> memref<1x1x1024xi32, #tpu.memory_space<hbm>>
    %dma_start3A_60 = tpu.memref_squeeze %dma_start3A_59 : memref<1x1x1024xi32, #tpu.memory_space<hbm>> -> memref<1024xi32, #tpu.memory_space<hbm>>
    %dma_start3A_61 = arith.constant 5120 : i32
    %dma_start3A_62 = tpu.memref_slice %arg6[%dma_start3A_61] : memref<25600xi32, #tpu.memory_space<vmem>> -> memref<1024xi32, #tpu.memory_space<vmem>>
    %dma_start3A_63 = arith.constant 0 : i32
    %dma_start3A_64 = tpu.memref_slice %arg2[%dma_start3A_55, %add3A, %dma_start3A_63] : memref<25x32x1024xi32, #tpu.memory_space<hbm>> -> memref<1x1x1024xi32, #tpu.memory_space<hbm>>
    %dma_start3A_65 = tpu.memref_squeeze %dma_start3A_64 : memref<1x1x1024xi32, #tpu.memory_space<hbm>> -> memref<1024xi32, #tpu.memory_space<hbm>>
    tpu.enqueue_dma source(%dma_start3A_65 : memref<1024xi32, #tpu.memory_space<hbm>>) target(%dma_start3A_62 : memref<1024xi32, #tpu.memory_space<vmem>>) target_semaphore(%arg10 : memref<!tpu.dma_semaphore, #tpu.memory_space<semaphore_mem>>)
    %dma_start3A_66 = arith.constant 6 : i32
    %dma_start3A_67 = arith.constant 6144 : i32
    %dma_start3A_68 = tpu.memref_slice %arg6[%dma_start3A_67] : memref<25600xi32, #tpu.memory_space<vmem>> -> memref<1024xi32, #tpu.memory_space<vmem>>
    %dma_start3A_69 = arith.constant 0 : i32
    %dma_start3A_70 = tpu.memref_slice %arg2[%dma_start3A_66, %add3A, %dma_start3A_69] : memref<25x32x1024xi32, #tpu.memory_space<hbm>> -> memref<1x1x1024xi32, #tpu.memory_space<hbm>>
    %dma_start3A_71 = tpu.memref_squeeze %dma_start3A_70 : memref<1x1x1024xi32, #tpu.memory_space<hbm>> -> memref<1024xi32, #tpu.memory_space<hbm>>
    %dma_start3A_72 = arith.constant 6144 : i32
    %dma_start3A_73 = tpu.memref_slice %arg6[%dma_start3A_72] : memref<25600xi32, #tpu.memory_space<vmem>> -> memref<1024xi32, #tpu.memory_space<vmem>>
    %dma_start3A_74 = arith.constant 0 : i32
    %dma_start3A_75 = tpu.memref_slice %arg2[%dma_start3A_66, %add3A, %dma_start3A_74] : memref<25x32x1024xi32, #tpu.memory_space<hbm>> -> memref<1x1x1024xi32, #tpu.memory_space<hbm>>
    %dma_start3A_76 = tpu.memref_squeeze %dma_start3A_75 : memref<1x1x1024xi32, #tpu.memory_space<hbm>> -> memref<1024xi32, #tpu.memory_space<hbm>>
    tpu.enqueue_dma source(%dma_start3A_76 : memref<1024xi32, #tpu.memory_space<hbm>>) target(%dma_start3A_73 : memref<1024xi32, #tpu.memory_space<vmem>>) target_semaphore(%arg10 : memref<!tpu.dma_semaphore, #tpu.memory_space<semaphore_mem>>)
    %dma_start3A_77 = arith.constant 7 : i32
    %dma_start3A_78 = arith.constant 7168 : i32
    %dma_start3A_79 = tpu.memref_slice %arg6[%dma_start3A_78] : memref<25600xi32, #tpu.memory_space<vmem>> -> memref<1024xi32, #tpu.memory_space<vmem>>
    %dma_start3A_80 = arith.constant 0 : i32
    %dma_start3A_81 = tpu.memref_slice %arg2[%dma_start3A_77, %add3A, %dma_start3A_80] : memref<25x32x1024xi32, #tpu.memory_space<hbm>> -> memref<1x1x1024xi32, #tpu.memory_space<hbm>>
    %dma_start3A_82 = tpu.memref_squeeze %dma_start3A_81 : memref<1x1x1024xi32, #tpu.memory_space<hbm>> -> memref<1024xi32, #tpu.memory_space<hbm>>
    %dma_start3A_83 = arith.constant 7168 : i32
    %dma_start3A_84 = tpu.memref_slice %arg6[%dma_start3A_83] : memref<25600xi32, #tpu.memory_space<vmem>> -> memref<1024xi32, #tpu.memory_space<vmem>>
    %dma_start3A_85 = arith.constant 0 : i32
    %dma_start3A_86 = tpu.memref_slice %arg2[%dma_start3A_77, %add3A, %dma_start3A_85] : memref<25x32x1024xi32, #tpu.memory_space<hbm>> -> memref<1x1x1024xi32, #tpu.memory_space<hbm>>
    %dma_start3A_87 = tpu.memref_squeeze %dma_start3A_86 : memref<1x1x1024xi32, #tpu.memory_space<hbm>> -> memref<1024xi32, #tpu.memory_space<hbm>>
    tpu.enqueue_dma source(%dma_start3A_87 : memref<1024xi32, #tpu.memory_space<hbm>>) target(%dma_start3A_84 : memref<1024xi32, #tpu.memory_space<vmem>>) target_semaphore(%arg10 : memref<!tpu.dma_semaphore, #tpu.memory_space<semaphore_mem>>)
    %dma_start3A_88 = arith.constant 8 : i32
    %dma_start3A_89 = arith.constant 8192 : i32
    %dma_start3A_90 = tpu.memref_slice %arg6[%dma_start3A_89] : memref<25600xi32, #tpu.memory_space<vmem>> -> memref<1024xi32, #tpu.memory_space<vmem>>
    %dma_start3A_91 = arith.constant 0 : i32
    %dma_start3A_92 = tpu.memref_slice %arg2[%dma_start3A_88, %add3A, %dma_start3A_91] : memref<25x32x1024xi32, #tpu.memory_space<hbm>> -> memref<1x1x1024xi32, #tpu.memory_space<hbm>>
    %dma_start3A_93 = tpu.memref_squeeze %dma_start3A_92 : memref<1x1x1024xi32, #tpu.memory_space<hbm>> -> memref<1024xi32, #tpu.memory_space<hbm>>
    %dma_start3A_94 = arith.constant 8192 : i32
    %dma_start3A_95 = tpu.memref_slice %arg6[%dma_start3A_94] : memref<25600xi32, #tpu.memory_space<vmem>> -> memref<1024xi32, #tpu.memory_space<vmem>>
    %dma_start3A_96 = arith.constant 0 : i32
    %dma_start3A_97 = tpu.memref_slice %arg2[%dma_start3A_88, %add3A, %dma_start3A_96] : memref<25x32x1024xi32, #tpu.memory_space<hbm>> -> memref<1x1x1024xi32, #tpu.memory_space<hbm>>
    %dma_start3A_98 = tpu.memref_squeeze %dma_start3A_97 : memref<1x1x1024xi32, #tpu.memory_space<hbm>> -> memref<1024xi32, #tpu.memory_space<hbm>>
    tpu.enqueue_dma source(%dma_start3A_98 : memref<1024xi32, #tpu.memory_space<hbm>>) target(%dma_start3A_95 : memref<1024xi32, #tpu.memory_space<vmem>>) target_semaphore(%arg10 : memref<!tpu.dma_semaphore, #tpu.memory_space<semaphore_mem>>)
    %dma_start3A_99 = arith.constant 9 : i32
    %dma_start3A_100 = arith.constant 9216 : i32
    %dma_start3A_101 = tpu.memref_slice %arg6[%dma_start3A_100] : memref<25600xi32, #tpu.memory_space<vmem>> -> memref<1024xi32, #tpu.memory_space<vmem>>
    %dma_start3A_102 = arith.constant 0 : i32
    %dma_start3A_103 = tpu.memref_slice %arg2[%dma_start3A_99, %add3A, %dma_start3A_102] : memref<25x32x1024xi32, #tpu.memory_space<hbm>> -> memref<1x1x1024xi32, #tpu.memory_space<hbm>>
    %dma_start3A_104 = tpu.memref_squeeze %dma_start3A_103 : memref<1x1x1024xi32, #tpu.memory_space<hbm>> -> memref<1024xi32, #tpu.memory_space<hbm>>
    %dma_start3A_105 = arith.constant 9216 : i32
    %dma_start3A_106 = tpu.memref_slice %arg6[%dma_start3A_105] : memref<25600xi32, #tpu.memory_space<vmem>> -> memref<1024xi32, #tpu.memory_space<vmem>>
    %dma_start3A_107 = arith.constant 0 : i32
    %dma_start3A_108 = tpu.memref_slice %arg2[%dma_start3A_99, %add3A, %dma_start3A_107] : memref<25x32x1024xi32, #tpu.memory_space<hbm>> -> memref<1x1x1024xi32, #tpu.memory_space<hbm>>
    %dma_start3A_109 = tpu.memref_squeeze %dma_start3A_108 : memref<1x1x1024xi32, #tpu.memory_space<hbm>> -> memref<1024xi32, #tpu.memory_space<hbm>>
    tpu.enqueue_dma source(%dma_start3A_109 : memref<1024xi32, #tpu.memory_space<hbm>>) target(%dma_start3A_106 : memref<1024xi32, #tpu.memory_space<vmem>>) target_semaphore(%arg10 : memref<!tpu.dma_semaphore, #tpu.memory_space<semaphore_mem>>)
    %dma_start3A_110 = arith.constant 10 : i32
    %dma_start3A_111 = arith.constant 10240 : i32
    %dma_start3A_112 = tpu.memref_slice %arg6[%dma_start3A_111] : memref<25600xi32, #tpu.memory_space<vmem>> -> memref<1024xi32, #tpu.memory_space<vmem>>
    %dma_start3A_113 = arith.constant 0 : i32
    %dma_start3A_114 = tpu.memref_slice %arg2[%dma_start3A_110, %add3A, %dma_start3A_113] : memref<25x32x1024xi32, #tpu.memory_space<hbm>> -> memref<1x1x1024xi32, #tpu.memory_space<hbm>>
    %dma_start3A_115 = tpu.memref_squeeze %dma_start3A_114 : memref<1x1x1024xi32, #tpu.memory_space<hbm>> -> memref<1024xi32, #tpu.memory_space<hbm>>
    %dma_start3A_116 = arith.constant 10240 : i32
    %dma_start3A_117 = tpu.memref_slice %arg6[%dma_start3A_116] : memref<25600xi32, #tpu.memory_space<vmem>> -> memref<1024xi32, #tpu.memory_space<vmem>>
    %dma_start3A_118 = arith.constant 0 : i32
    %dma_start3A_119 = tpu.memref_slice %arg2[%dma_start3A_110, %add3A, %dma_start3A_118] : memref<25x32x1024xi32, #tpu.memory_space<hbm>> -> memref<1x1x1024xi32, #tpu.memory_space<hbm>>
    %dma_start3A_120 = tpu.memref_squeeze %dma_start3A_119 : memref<1x1x1024xi32, #tpu.memory_space<hbm>> -> memref<1024xi32, #tpu.memory_space<hbm>>
    tpu.enqueue_dma source(%dma_start3A_120 : memref<1024xi32, #tpu.memory_space<hbm>>) target(%dma_start3A_117 : memref<1024xi32, #tpu.memory_space<vmem>>) target_semaphore(%arg10 : memref<!tpu.dma_semaphore, #tpu.memory_space<semaphore_mem>>)
    %dma_start3A_121 = arith.constant 11 : i32
    %dma_start3A_122 = arith.constant 11264 : i32
    %dma_start3A_123 = tpu.memref_slice %arg6[%dma_start3A_122] : memref<25600xi32, #tpu.memory_space<vmem>> -> memref<1024xi32, #tpu.memory_space<vmem>>
    %dma_start3A_124 = arith.constant 0 : i32
    %dma_start3A_125 = tpu.memref_slice %arg2[%dma_start3A_121, %add3A, %dma_start3A_124] : memref<25x32x1024xi32, #tpu.memory_space<hbm>> -> memref<1x1x1024xi32, #tpu.memory_space<hbm>>
    %dma_start3A_126 = tpu.memref_squeeze %dma_start3A_125 : memref<1x1x1024xi32, #tpu.memory_space<hbm>> -> memref<1024xi32, #tpu.memory_space<hbm>>
    %dma_start3A_127 = arith.constant 11264 : i32
    %dma_start3A_128 = tpu.memref_slice %arg6[%dma_start3A_127] : memref<25600xi32, #tpu.memory_space<vmem>> -> memref<1024xi32, #tpu.memory_space<vmem>>
    %dma_start3A_129 = arith.constant 0 : i32
    %dma_start3A_130 = tpu.memref_slice %arg2[%dma_start3A_121, %add3A, %dma_start3A_129] : memref<25x32x1024xi32, #tpu.memory_space<hbm>> -> memref<1x1x1024xi32, #tpu.memory_space<hbm>>
    %dma_start3A_131 = tpu.memref_squeeze %dma_start3A_130 : memref<1x1x1024xi32, #tpu.memory_space<hbm>> -> memref<1024xi32, #tpu.memory_space<hbm>>
    tpu.enqueue_dma source(%dma_start3A_131 : memref<1024xi32, #tpu.memory_space<hbm>>) target(%dma_start3A_128 : memref<1024xi32, #tpu.memory_space<vmem>>) target_semaphore(%arg10 : memref<!tpu.dma_semaphore, #tpu.memory_space<semaphore_mem>>)
    %dma_start3A_132 = arith.constant 12 : i32
    %dma_start3A_133 = arith.constant 12288 : i32
    %dma_start3A_134 = tpu.memref_slice %arg6[%dma_start3A_133] : memref<25600xi32, #tpu.memory_space<vmem>> -> memref<1024xi32, #tpu.memory_space<vmem>>
    %dma_start3A_135 = arith.constant 0 : i32
    %dma_start3A_136 = tpu.memref_slice %arg2[%dma_start3A_132, %add3A, %dma_start3A_135] : memref<25x32x1024xi32, #tpu.memory_space<hbm>> -> memref<1x1x1024xi32, #tpu.memory_space<hbm>>
    %dma_start3A_137 = tpu.memref_squeeze %dma_start3A_136 : memref<1x1x1024xi32, #tpu.memory_space<hbm>> -> memref<1024xi32, #tpu.memory_space<hbm>>
    %dma_start3A_138 = arith.constant 12288 : i32
    %dma_start3A_139 = tpu.memref_slice %arg6[%dma_start3A_138] : memref<25600xi32, #tpu.memory_space<vmem>> -> memref<1024xi32, #tpu.memory_space<vmem>>
    %dma_start3A_140 = arith.constant 0 : i32
    %dma_start3A_141 = tpu.memref_slice %arg2[%dma_start3A_132, %add3A, %dma_start3A_140] : memref<25x32x1024xi32, #tpu.memory_space<hbm>> -> memref<1x1x1024xi32, #tpu.memory_space<hbm>>
    %dma_start3A_142 = tpu.memref_squeeze %dma_start3A_141 : memref<1x1x1024xi32, #tpu.memory_space<hbm>> -> memref<1024xi32, #tpu.memory_space<hbm>>
    tpu.enqueue_dma source(%dma_start3A_142 : memref<1024xi32, #tpu.memory_space<hbm>>) target(%dma_start3A_139 : memref<1024xi32, #tpu.memory_space<vmem>>) target_semaphore(%arg10 : memref<!tpu.dma_semaphore, #tpu.memory_space<semaphore_mem>>)
    %dma_start3A_143 = arith.constant 13 : i32
    %dma_start3A_144 = arith.constant 13312 : i32
    %dma_start3A_145 = tpu.memref_slice %arg6[%dma_start3A_144] : memref<25600xi32, #tpu.memory_space<vmem>> -> memref<1024xi32, #tpu.memory_space<vmem>>
    %dma_start3A_146 = arith.constant 0 : i32
    %dma_start3A_147 = tpu.memref_slice %arg2[%dma_start3A_143, %add3A, %dma_start3A_146] : memref<25x32x1024xi32, #tpu.memory_space<hbm>> -> memref<1x1x1024xi32, #tpu.memory_space<hbm>>
    %dma_start3A_148 = tpu.memref_squeeze %dma_start3A_147 : memref<1x1x1024xi32, #tpu.memory_space<hbm>> -> memref<1024xi32, #tpu.memory_space<hbm>>
    %dma_start3A_149 = arith.constant 13312 : i32
    %dma_start3A_150 = tpu.memref_slice %arg6[%dma_start3A_149] : memref<25600xi32, #tpu.memory_space<vmem>> -> memref<1024xi32, #tpu.memory_space<vmem>>
    %dma_start3A_151 = arith.constant 0 : i32
    %dma_start3A_152 = tpu.memref_slice %arg2[%dma_start3A_143, %add3A, %dma_start3A_151] : memref<25x32x1024xi32, #tpu.memory_space<hbm>> -> memref<1x1x1024xi32, #tpu.memory_space<hbm>>
    %dma_start3A_153 = tpu.memref_squeeze %dma_start3A_152 : memref<1x1x1024xi32, #tpu.memory_space<hbm>> -> memref<1024xi32, #tpu.memory_space<hbm>>
    tpu.enqueue_dma source(%dma_start3A_153 : memref<1024xi32, #tpu.memory_space<hbm>>) target(%dma_start3A_150 : memref<1024xi32, #tpu.memory_space<vmem>>) target_semaphore(%arg10 : memref<!tpu.dma_semaphore, #tpu.memory_space<semaphore_mem>>)
    %dma_start3A_154 = arith.constant 14 : i32
    %dma_start3A_155 = arith.constant 14336 : i32
    %dma_start3A_156 = tpu.memref_slice %arg6[%dma_start3A_155] : memref<25600xi32, #tpu.memory_space<vmem>> -> memref<1024xi32, #tpu.memory_space<vmem>>
    %dma_start3A_157 = arith.constant 0 : i32
    %dma_start3A_158 = tpu.memref_slice %arg2[%dma_start3A_154, %add3A, %dma_start3A_157] : memref<25x32x1024xi32, #tpu.memory_space<hbm>> -> memref<1x1x1024xi32, #tpu.memory_space<hbm>>
    %dma_start3A_159 = tpu.memref_squeeze %dma_start3A_158 : memref<1x1x1024xi32, #tpu.memory_space<hbm>> -> memref<1024xi32, #tpu.memory_space<hbm>>
    %dma_start3A_160 = arith.constant 14336 : i32
    %dma_start3A_161 = tpu.memref_slice %arg6[%dma_start3A_160] : memref<25600xi32, #tpu.memory_space<vmem>> -> memref<1024xi32, #tpu.memory_space<vmem>>
    %dma_start3A_162 = arith.constant 0 : i32
    %dma_start3A_163 = tpu.memref_slice %arg2[%dma_start3A_154, %add3A, %dma_start3A_162] : memref<25x32x1024xi32, #tpu.memory_space<hbm>> -> memref<1x1x1024xi32, #tpu.memory_space<hbm>>
    %dma_start3A_164 = tpu.memref_squeeze %dma_start3A_163 : memref<1x1x1024xi32, #tpu.memory_space<hbm>> -> memref<1024xi32, #tpu.memory_space<hbm>>
    tpu.enqueue_dma source(%dma_start3A_164 : memref<1024xi32, #tpu.memory_space<hbm>>) target(%dma_start3A_161 : memref<1024xi32, #tpu.memory_space<vmem>>) target_semaphore(%arg10 : memref<!tpu.dma_semaphore, #tpu.memory_space<semaphore_mem>>)
    %dma_start3A_165 = arith.constant 15 : i32
    %dma_start3A_166 = arith.constant 15360 : i32
    %dma_start3A_167 = tpu.memref_slice %arg6[%dma_start3A_166] : memref<25600xi32, #tpu.memory_space<vmem>> -> memref<1024xi32, #tpu.memory_space<vmem>>
    %dma_start3A_168 = arith.constant 0 : i32
    %dma_start3A_169 = tpu.memref_slice %arg2[%dma_start3A_165, %add3A, %dma_start3A_168] : memref<25x32x1024xi32, #tpu.memory_space<hbm>> -> memref<1x1x1024xi32, #tpu.memory_space<hbm>>
    %dma_start3A_170 = tpu.memref_squeeze %dma_start3A_169 : memref<1x1x1024xi32, #tpu.memory_space<hbm>> -> memref<1024xi32, #tpu.memory_space<hbm>>
    %dma_start3A_171 = arith.constant 15360 : i32
    %dma_start3A_172 = tpu.memref_slice %arg6[%dma_start3A_171] : memref<25600xi32, #tpu.memory_space<vmem>> -> memref<1024xi32, #tpu.memory_space<vmem>>
    %dma_start3A_173 = arith.constant 0 : i32
    %dma_start3A_174 = tpu.memref_slice %arg2[%dma_start3A_165, %add3A, %dma_start3A_173] : memref<25x32x1024xi32, #tpu.memory_space<hbm>> -> memref<1x1x1024xi32, #tpu.memory_space<hbm>>
    %dma_start3A_175 = tpu.memref_squeeze %dma_start3A_174 : memref<1x1x1024xi32, #tpu.memory_space<hbm>> -> memref<1024xi32, #tpu.memory_space<hbm>>
    tpu.enqueue_dma source(%dma_start3A_175 : memref<1024xi32, #tpu.memory_space<hbm>>) target(%dma_start3A_172 : memref<1024xi32, #tpu.memory_space<vmem>>) target_semaphore(%arg10 : memref<!tpu.dma_semaphore, #tpu.memory_space<semaphore_mem>>)
    %dma_start3A_176 = arith.constant 16 : i32
    %dma_start3A_177 = arith.constant 16384 : i32
    %dma_start3A_178 = tpu.memref_slice %arg6[%dma_start3A_177] : memref<25600xi32, #tpu.memory_space<vmem>> -> memref<1024xi32, #tpu.memory_space<vmem>>
    %dma_start3A_179 = arith.constant 0 : i32
    %dma_start3A_180 = tpu.memref_slice %arg2[%dma_start3A_176, %add3A, %dma_start3A_179] : memref<25x32x1024xi32, #tpu.memory_space<hbm>> -> memref<1x1x1024xi32, #tpu.memory_space<hbm>>
    %dma_start3A_181 = tpu.memref_squeeze %dma_start3A_180 : memref<1x1x1024xi32, #tpu.memory_space<hbm>> -> memref<1024xi32, #tpu.memory_space<hbm>>
    %dma_start3A_182 = arith.constant 16384 : i32
    %dma_start3A_183 = tpu.memref_slice %arg6[%dma_start3A_182] : memref<25600xi32, #tpu.memory_space<vmem>> -> memref<1024xi32, #tpu.memory_space<vmem>>
    %dma_start3A_184 = arith.constant 0 : i32
    %dma_start3A_185 = tpu.memref_slice %arg2[%dma_start3A_176, %add3A, %dma_start3A_184] : memref<25x32x1024xi32, #tpu.memory_space<hbm>> -> memref<1x1x1024xi32, #tpu.memory_space<hbm>>
    %dma_start3A_186 = tpu.memref_squeeze %dma_start3A_185 : memref<1x1x1024xi32, #tpu.memory_space<hbm>> -> memref<1024xi32, #tpu.memory_space<hbm>>
    tpu.enqueue_dma source(%dma_start3A_186 : memref<1024xi32, #tpu.memory_space<hbm>>) target(%dma_start3A_183 : memref<1024xi32, #tpu.memory_space<vmem>>) target_semaphore(%arg10 : memref<!tpu.dma_semaphore, #tpu.memory_space<semaphore_mem>>)
    %dma_start3A_187 = arith.constant 17 : i32
    %dma_start3A_188 = arith.constant 17408 : i32
    %dma_start3A_189 = tpu.memref_slice %arg6[%dma_start3A_188] : memref<25600xi32, #tpu.memory_space<vmem>> -> memref<1024xi32, #tpu.memory_space<vmem>>
    %dma_start3A_190 = arith.constant 0 : i32
    %dma_start3A_191 = tpu.memref_slice %arg2[%dma_start3A_187, %add3A, %dma_start3A_190] : memref<25x32x1024xi32, #tpu.memory_space<hbm>> -> memref<1x1x1024xi32, #tpu.memory_space<hbm>>
    %dma_start3A_192 = tpu.memref_squeeze %dma_start3A_191 : memref<1x1x1024xi32, #tpu.memory_space<hbm>> -> memref<1024xi32, #tpu.memory_space<hbm>>
    %dma_start3A_193 = arith.constant 17408 : i32
    %dma_start3A_194 = tpu.memref_slice %arg6[%dma_start3A_193] : memref<25600xi32, #tpu.memory_space<vmem>> -> memref<1024xi32, #tpu.memory_space<vmem>>
    %dma_start3A_195 = arith.constant 0 : i32
    %dma_start3A_196 = tpu.memref_slice %arg2[%dma_start3A_187, %add3A, %dma_start3A_195] : memref<25x32x1024xi32, #tpu.memory_space<hbm>> -> memref<1x1x1024xi32, #tpu.memory_space<hbm>>
    %dma_start3A_197 = tpu.memref_squeeze %dma_start3A_196 : memref<1x1x1024xi32, #tpu.memory_space<hbm>> -> memref<1024xi32, #tpu.memory_space<hbm>>
    tpu.enqueue_dma source(%dma_start3A_197 : memref<1024xi32, #tpu.memory_space<hbm>>) target(%dma_start3A_194 : memref<1024xi32, #tpu.memory_space<vmem>>) target_semaphore(%arg10 : memref<!tpu.dma_semaphore, #tpu.memory_space<semaphore_mem>>)
    %dma_start3A_198 = arith.constant 18 : i32
    %dma_start3A_199 = arith.constant 18432 : i32
    %dma_start3A_200 = tpu.memref_slice %arg6[%dma_start3A_199] : memref<25600xi32, #tpu.memory_space<vmem>> -> memref<1024xi32, #tpu.memory_space<vmem>>
    %dma_start3A_201 = arith.constant 0 : i32
    %dma_start3A_202 = tpu.memref_slice %arg2[%dma_start3A_198, %add3A, %dma_start3A_201] : memref<25x32x1024xi32, #tpu.memory_space<hbm>> -> memref<1x1x1024xi32, #tpu.memory_space<hbm>>
    %dma_start3A_203 = tpu.memref_squeeze %dma_start3A_202 : memref<1x1x1024xi32, #tpu.memory_space<hbm>> -> memref<1024xi32, #tpu.memory_space<hbm>>
    %dma_start3A_204 = arith.constant 18432 : i32
    %dma_start3A_205 = tpu.memref_slice %arg6[%dma_start3A_204] : memref<25600xi32, #tpu.memory_space<vmem>> -> memref<1024xi32, #tpu.memory_space<vmem>>
    %dma_start3A_206 = arith.constant 0 : i32
    %dma_start3A_207 = tpu.memref_slice %arg2[%dma_start3A_198, %add3A, %dma_start3A_206] : memref<25x32x1024xi32, #tpu.memory_space<hbm>> -> memref<1x1x1024xi32, #tpu.memory_space<hbm>>
    %dma_start3A_208 = tpu.memref_squeeze %dma_start3A_207 : memref<1x1x1024xi32, #tpu.memory_space<hbm>> -> memref<1024xi32, #tpu.memory_space<hbm>>
    tpu.enqueue_dma source(%dma_start3A_208 : memref<1024xi32, #tpu.memory_space<hbm>>) target(%dma_start3A_205 : memref<1024xi32, #tpu.memory_space<vmem>>) target_semaphore(%arg10 : memref<!tpu.dma_semaphore, #tpu.memory_space<semaphore_mem>>)
    %dma_start3A_209 = arith.constant 19 : i32
    %dma_start3A_210 = arith.constant 19456 : i32
    %dma_start3A_211 = tpu.memref_slice %arg6[%dma_start3A_210] : memref<25600xi32, #tpu.memory_space<vmem>> -> memref<1024xi32, #tpu.memory_space<vmem>>
    %dma_start3A_212 = arith.constant 0 : i32
    %dma_start3A_213 = tpu.memref_slice %arg2[%dma_start3A_209, %add3A, %dma_start3A_212] : memref<25x32x1024xi32, #tpu.memory_space<hbm>> -> memref<1x1x1024xi32, #tpu.memory_space<hbm>>
    %dma_start3A_214 = tpu.memref_squeeze %dma_start3A_213 : memref<1x1x1024xi32, #tpu.memory_space<hbm>> -> memref<1024xi32, #tpu.memory_space<hbm>>
    %dma_start3A_215 = arith.constant 19456 : i32
    %dma_start3A_216 = tpu.memref_slice %arg6[%dma_start3A_215] : memref<25600xi32, #tpu.memory_space<vmem>> -> memref<1024xi32, #tpu.memory_space<vmem>>
    %dma_start3A_217 = arith.constant 0 : i32
    %dma_start3A_218 = tpu.memref_slice %arg2[%dma_start3A_209, %add3A, %dma_start3A_217] : memref<25x32x1024xi32, #tpu.memory_space<hbm>> -> memref<1x1x1024xi32, #tpu.memory_space<hbm>>
    %dma_start3A_219 = tpu.memref_squeeze %dma_start3A_218 : memref<1x1x1024xi32, #tpu.memory_space<hbm>> -> memref<1024xi32, #tpu.memory_space<hbm>>
    tpu.enqueue_dma source(%dma_start3A_219 : memref<1024xi32, #tpu.memory_space<hbm>>) target(%dma_start3A_216 : memref<1024xi32, #tpu.memory_space<vmem>>) target_semaphore(%arg10 : memref<!tpu.dma_semaphore, #tpu.memory_space<semaphore_mem>>)
    %dma_start3A_220 = arith.constant 20 : i32
    %dma_start3A_221 = arith.constant 20480 : i32
    %dma_start3A_222 = tpu.memref_slice %arg6[%dma_start3A_221] : memref<25600xi32, #tpu.memory_space<vmem>> -> memref<1024xi32, #tpu.memory_space<vmem>>
    %dma_start3A_223 = arith.constant 0 : i32
    %dma_start3A_224 = tpu.memref_slice %arg2[%dma_start3A_220, %add3A, %dma_start3A_223] : memref<25x32x1024xi32, #tpu.memory_space<hbm>> -> memref<1x1x1024xi32, #tpu.memory_space<hbm>>
    %dma_start3A_225 = tpu.memref_squeeze %dma_start3A_224 : memref<1x1x1024xi32, #tpu.memory_space<hbm>> -> memref<1024xi32, #tpu.memory_space<hbm>>
    %dma_start3A_226 = arith.constant 20480 : i32
    %dma_start3A_227 = tpu.memref_slice %arg6[%dma_start3A_226] : memref<25600xi32, #tpu.memory_space<vmem>> -> memref<1024xi32, #tpu.memory_space<vmem>>
    %dma_start3A_228 = arith.constant 0 : i32
    %dma_start3A_229 = tpu.memref_slice %arg2[%dma_start3A_220, %add3A, %dma_start3A_228] : memref<25x32x1024xi32, #tpu.memory_space<hbm>> -> memref<1x1x1024xi32, #tpu.memory_space<hbm>>
    %dma_start3A_230 = tpu.memref_squeeze %dma_start3A_229 : memref<1x1x1024xi32, #tpu.memory_space<hbm>> -> memref<1024xi32, #tpu.memory_space<hbm>>
    tpu.enqueue_dma source(%dma_start3A_230 : memref<1024xi32, #tpu.memory_space<hbm>>) target(%dma_start3A_227 : memref<1024xi32, #tpu.memory_space<vmem>>) target_semaphore(%arg10 : memref<!tpu.dma_semaphore, #tpu.memory_space<semaphore_mem>>)
    %dma_start3A_231 = arith.constant 21 : i32
    %dma_start3A_232 = arith.constant 21504 : i32
    %dma_start3A_233 = tpu.memref_slice %arg6[%dma_start3A_232] : memref<25600xi32, #tpu.memory_space<vmem>> -> memref<1024xi32, #tpu.memory_space<vmem>>
    %dma_start3A_234 = arith.constant 0 : i32
    %dma_start3A_235 = tpu.memref_slice %arg2[%dma_start3A_231, %add3A, %dma_start3A_234] : memref<25x32x1024xi32, #tpu.memory_space<hbm>> -> memref<1x1x1024xi32, #tpu.memory_space<hbm>>
    %dma_start3A_236 = tpu.memref_squeeze %dma_start3A_235 : memref<1x1x1024xi32, #tpu.memory_space<hbm>> -> memref<1024xi32, #tpu.memory_space<hbm>>
    %dma_start3A_237 = arith.constant 21504 : i32
    %dma_start3A_238 = tpu.memref_slice %arg6[%dma_start3A_237] : memref<25600xi32, #tpu.memory_space<vmem>> -> memref<1024xi32, #tpu.memory_space<vmem>>
    %dma_start3A_239 = arith.constant 0 : i32
    %dma_start3A_240 = tpu.memref_slice %arg2[%dma_start3A_231, %add3A, %dma_start3A_239] : memref<25x32x1024xi32, #tpu.memory_space<hbm>> -> memref<1x1x1024xi32, #tpu.memory_space<hbm>>
    %dma_start3A_241 = tpu.memref_squeeze %dma_start3A_240 : memref<1x1x1024xi32, #tpu.memory_space<hbm>> -> memref<1024xi32, #tpu.memory_space<hbm>>
    tpu.enqueue_dma source(%dma_start3A_241 : memref<1024xi32, #tpu.memory_space<hbm>>) target(%dma_start3A_238 : memref<1024xi32, #tpu.memory_space<vmem>>) target_semaphore(%arg10 : memref<!tpu.dma_semaphore, #tpu.memory_space<semaphore_mem>>)
    %dma_start3A_242 = arith.constant 22 : i32
    %dma_start3A_243 = arith.constant 22528 : i32
    %dma_start3A_244 = tpu.memref_slice %arg6[%dma_start3A_243] : memref<25600xi32, #tpu.memory_space<vmem>> -> memref<1024xi32, #tpu.memory_space<vmem>>
    %dma_start3A_245 = arith.constant 0 : i32
    %dma_start3A_246 = tpu.memref_slice %arg2[%dma_start3A_242, %add3A, %dma_start3A_245] : memref<25x32x1024xi32, #tpu.memory_space<hbm>> -> memref<1x1x1024xi32, #tpu.memory_space<hbm>>
    %dma_start3A_247 = tpu.memref_squeeze %dma_start3A_246 : memref<1x1x1024xi32, #tpu.memory_space<hbm>> -> memref<1024xi32, #tpu.memory_space<hbm>>
    %dma_start3A_248 = arith.constant 22528 : i32
    %dma_start3A_249 = tpu.memref_slice %arg6[%dma_start3A_248] : memref<25600xi32, #tpu.memory_space<vmem>> -> memref<1024xi32, #tpu.memory_space<vmem>>
    %dma_start3A_250 = arith.constant 0 : i32
    %dma_start3A_251 = tpu.memref_slice %arg2[%dma_start3A_242, %add3A, %dma_start3A_250] : memref<25x32x1024xi32, #tpu.memory_space<hbm>> -> memref<1x1x1024xi32, #tpu.memory_space<hbm>>
    %dma_start3A_252 = tpu.memref_squeeze %dma_start3A_251 : memref<1x1x1024xi32, #tpu.memory_space<hbm>> -> memref<1024xi32, #tpu.memory_space<hbm>>
    tpu.enqueue_dma source(%dma_start3A_252 : memref<1024xi32, #tpu.memory_space<hbm>>) target(%dma_start3A_249 : memref<1024xi32, #tpu.memory_space<vmem>>) target_semaphore(%arg10 : memref<!tpu.dma_semaphore, #tpu.memory_space<semaphore_mem>>)
    %dma_start3A_253 = arith.constant 23 : i32
    %dma_start3A_254 = arith.constant 23552 : i32
    %dma_start3A_255 = tpu.memref_slice %arg6[%dma_start3A_254] : memref<25600xi32, #tpu.memory_space<vmem>> -> memref<1024xi32, #tpu.memory_space<vmem>>
    %dma_start3A_256 = arith.constant 0 : i32
    %dma_start3A_257 = tpu.memref_slice %arg2[%dma_start3A_253, %add3A, %dma_start3A_256] : memref<25x32x1024xi32, #tpu.memory_space<hbm>> -> memref<1x1x1024xi32, #tpu.memory_space<hbm>>
    %dma_start3A_258 = tpu.memref_squeeze %dma_start3A_257 : memref<1x1x1024xi32, #tpu.memory_space<hbm>> -> memref<1024xi32, #tpu.memory_space<hbm>>
    %dma_start3A_259 = arith.constant 23552 : i32
    %dma_start3A_260 = tpu.memref_slice %arg6[%dma_start3A_259] : memref<25600xi32, #tpu.memory_space<vmem>> -> memref<1024xi32, #tpu.memory_space<vmem>>
    %dma_start3A_261 = arith.constant 0 : i32
    %dma_start3A_262 = tpu.memref_slice %arg2[%dma_start3A_253, %add3A, %dma_start3A_261] : memref<25x32x1024xi32, #tpu.memory_space<hbm>> -> memref<1x1x1024xi32, #tpu.memory_space<hbm>>
    %dma_start3A_263 = tpu.memref_squeeze %dma_start3A_262 : memref<1x1x1024xi32, #tpu.memory_space<hbm>> -> memref<1024xi32, #tpu.memory_space<hbm>>
    tpu.enqueue_dma source(%dma_start3A_263 : memref<1024xi32, #tpu.memory_space<hbm>>) target(%dma_start3A_260 : memref<1024xi32, #tpu.memory_space<vmem>>) target_semaphore(%arg10 : memref<!tpu.dma_semaphore, #tpu.memory_space<semaphore_mem>>)
    %dma_start3A_264 = arith.constant 24 : i32
    %dma_start3A_265 = arith.constant 24576 : i32
    %dma_start3A_266 = tpu.memref_slice %arg6[%dma_start3A_265] : memref<25600xi32, #tpu.memory_space<vmem>> -> memref<1024xi32, #tpu.memory_space<vmem>>
    %dma_start3A_267 = arith.constant 0 : i32
    %dma_start3A_268 = tpu.memref_slice %arg2[%dma_start3A_264, %add3A, %dma_start3A_267] : memref<25x32x1024xi32, #tpu.memory_space<hbm>> -> memref<1x1x1024xi32, #tpu.memory_space<hbm>>
    %dma_start3A_269 = tpu.memref_squeeze %dma_start3A_268 : memref<1x1x1024xi32, #tpu.memory_space<hbm>> -> memref<1024xi32, #tpu.memory_space<hbm>>
    %dma_start3A_270 = arith.constant 24576 : i32
    %dma_start3A_271 = tpu.memref_slice %arg6[%dma_start3A_270] : memref<25600xi32, #tpu.memory_space<vmem>> -> memref<1024xi32, #tpu.memory_space<vmem>>
    %dma_start3A_272 = arith.constant 0 : i32
    %dma_start3A_273 = tpu.memref_slice %arg2[%dma_start3A_264, %add3A, %dma_start3A_272] : memref<25x32x1024xi32, #tpu.memory_space<hbm>> -> memref<1x1x1024xi32, #tpu.memory_space<hbm>>
    %dma_start3A_274 = tpu.memref_squeeze %dma_start3A_273 : memref<1x1x1024xi32, #tpu.memory_space<hbm>> -> memref<1024xi32, #tpu.memory_space<hbm>>
    tpu.enqueue_dma source(%dma_start3A_274 : memref<1024xi32, #tpu.memory_space<hbm>>) target(%dma_start3A_271 : memref<1024xi32, #tpu.memory_space<vmem>>) target_semaphore(%arg10 : memref<!tpu.dma_semaphore, #tpu.memory_space<semaphore_mem>>)
    %dma_wait3A = arith.constant 0 : i32
    %dma_wait3A_275 = arith.constant 0 : i32
    %dma_wait3A_276 = tpu.memref_slice %arg6[%dma_wait3A_275] : memref<25600xi32, #tpu.memory_space<vmem>> -> memref<1024xi32, #tpu.memory_space<vmem>>
    %dma_wait3A_277 = arith.constant 0 : i32
    %dma_wait3A_278 = tpu.memref_slice %arg2[%dma_wait3A, %add3A, %dma_wait3A_277] : memref<25x32x1024xi32, #tpu.memory_space<hbm>> -> memref<1x1x1024xi32, #tpu.memory_space<hbm>>
    %dma_wait3A_279 = tpu.memref_squeeze %dma_wait3A_278 : memref<1x1x1024xi32, #tpu.memory_space<hbm>> -> memref<1024xi32, #tpu.memory_space<hbm>>
    %dma_wait3A_280 = arith.constant 0 : i32
    %dma_wait3A_281 = tpu.memref_slice %arg6[%dma_wait3A_280] : memref<25600xi32, #tpu.memory_space<vmem>> -> memref<1024xi32, #tpu.memory_space<vmem>>
    %dma_wait3A_282 = arith.constant 0 : i32
    %dma_wait3A_283 = tpu.memref_slice %arg2[%dma_wait3A, %add3A, %dma_wait3A_282] : memref<25x32x1024xi32, #tpu.memory_space<hbm>> -> memref<1x1x1024xi32, #tpu.memory_space<hbm>>
    %dma_wait3A_284 = tpu.memref_squeeze %dma_wait3A_283 : memref<1x1x1024xi32, #tpu.memory_space<hbm>> -> memref<1024xi32, #tpu.memory_space<hbm>>
    tpu.wait_dma2 semaphore(%arg10 : memref<!tpu.dma_semaphore, #tpu.memory_space<semaphore_mem>>) src(%dma_wait3A_284 : memref<1024xi32, #tpu.memory_space<hbm>>) dst(%dma_wait3A_281 : memref<1024xi32, #tpu.memory_space<vmem>>)
    %dma_wait3A_285 = arith.constant 1 : i32
    %dma_wait3A_286 = arith.constant 1024 : i32
    %dma_wait3A_287 = tpu.memref_slice %arg6[%dma_wait3A_286] : memref<25600xi32, #tpu.memory_space<vmem>> -> memref<1024xi32, #tpu.memory_space<vmem>>
    %dma_wait3A_288 = arith.constant 0 : i32
    %dma_wait3A_289 = tpu.memref_slice %arg2[%dma_wait3A_285, %add3A, %dma_wait3A_288] : memref<25x32x1024xi32, #tpu.memory_space<hbm>> -> memref<1x1x1024xi32, #tpu.memory_space<hbm>>
    %dma_wait3A_290 = tpu.memref_squeeze %dma_wait3A_289 : memref<1x1x1024xi32, #tpu.memory_space<hbm>> -> memref<1024xi32, #tpu.memory_space<hbm>>
    %dma_wait3A_291 = arith.constant 1024 : i32
    %dma_wait3A_292 = tpu.memref_slice %arg6[%dma_wait3A_291] : memref<25600xi32, #tpu.memory_space<vmem>> -> memref<1024xi32, #tpu.memory_space<vmem>>
    %dma_wait3A_293 = arith.constant 0 : i32
    %dma_wait3A_294 = tpu.memref_slice %arg2[%dma_wait3A_285, %add3A, %dma_wait3A_293] : memref<25x32x1024xi32, #tpu.memory_space<hbm>> -> memref<1x1x1024xi32, #tpu.memory_space<hbm>>
    %dma_wait3A_295 = tpu.memref_squeeze %dma_wait3A_294 : memref<1x1x1024xi32, #tpu.memory_space<hbm>> -> memref<1024xi32, #tpu.memory_space<hbm>>
    tpu.wait_dma2 semaphore(%arg10 : memref<!tpu.dma_semaphore, #tpu.memory_space<semaphore_mem>>) src(%dma_wait3A_295 : memref<1024xi32, #tpu.memory_space<hbm>>) dst(%dma_wait3A_292 : memref<1024xi32, #tpu.memory_space<vmem>>)
    %dma_wait3A_296 = arith.constant 2 : i32
    %dma_wait3A_297 = arith.constant 2048 : i32
    %dma_wait3A_298 = tpu.memref_slice %arg6[%dma_wait3A_297] : memref<25600xi32, #tpu.memory_space<vmem>> -> memref<1024xi32, #tpu.memory_space<vmem>>
    %dma_wait3A_299 = arith.constant 0 : i32
    %dma_wait3A_300 = tpu.memref_slice %arg2[%dma_wait3A_296, %add3A, %dma_wait3A_299] : memref<25x32x1024xi32, #tpu.memory_space<hbm>> -> memref<1x1x1024xi32, #tpu.memory_space<hbm>>
    %dma_wait3A_301 = tpu.memref_squeeze %dma_wait3A_300 : memref<1x1x1024xi32, #tpu.memory_space<hbm>> -> memref<1024xi32, #tpu.memory_space<hbm>>
    %dma_wait3A_302 = arith.constant 2048 : i32
    %dma_wait3A_303 = tpu.memref_slice %arg6[%dma_wait3A_302] : memref<25600xi32, #tpu.memory_space<vmem>> -> memref<1024xi32, #tpu.memory_space<vmem>>
    %dma_wait3A_304 = arith.constant 0 : i32
    %dma_wait3A_305 = tpu.memref_slice %arg2[%dma_wait3A_296, %add3A, %dma_wait3A_304] : memref<25x32x1024xi32, #tpu.memory_space<hbm>> -> memref<1x1x1024xi32, #tpu.memory_space<hbm>>
    %dma_wait3A_306 = tpu.memref_squeeze %dma_wait3A_305 : memref<1x1x1024xi32, #tpu.memory_space<hbm>> -> memref<1024xi32, #tpu.memory_space<hbm>>
    tpu.wait_dma2 semaphore(%arg10 : memref<!tpu.dma_semaphore, #tpu.memory_space<semaphore_mem>>) src(%dma_wait3A_306 : memref<1024xi32, #tpu.memory_space<hbm>>) dst(%dma_wait3A_303 : memref<1024xi32, #tpu.memory_space<vmem>>)
    %dma_wait3A_307 = arith.constant 3 : i32
    %dma_wait3A_308 = arith.constant 3072 : i32
    %dma_wait3A_309 = tpu.memref_slice %arg6[%dma_wait3A_308] : memref<25600xi32, #tpu.memory_space<vmem>> -> memref<1024xi32, #tpu.memory_space<vmem>>
    %dma_wait3A_310 = arith.constant 0 : i32
    %dma_wait3A_311 = tpu.memref_slice %arg2[%dma_wait3A_307, %add3A, %dma_wait3A_310] : memref<25x32x1024xi32, #tpu.memory_space<hbm>> -> memref<1x1x1024xi32, #tpu.memory_space<hbm>>
    %dma_wait3A_312 = tpu.memref_squeeze %dma_wait3A_311 : memref<1x1x1024xi32, #tpu.memory_space<hbm>> -> memref<1024xi32, #tpu.memory_space<hbm>>
    %dma_wait3A_313 = arith.constant 3072 : i32
    %dma_wait3A_314 = tpu.memref_slice %arg6[%dma_wait3A_313] : memref<25600xi32, #tpu.memory_space<vmem>> -> memref<1024xi32, #tpu.memory_space<vmem>>
    %dma_wait3A_315 = arith.constant 0 : i32
    %dma_wait3A_316 = tpu.memref_slice %arg2[%dma_wait3A_307, %add3A, %dma_wait3A_315] : memref<25x32x1024xi32, #tpu.memory_space<hbm>> -> memref<1x1x1024xi32, #tpu.memory_space<hbm>>
    %dma_wait3A_317 = tpu.memref_squeeze %dma_wait3A_316 : memref<1x1x1024xi32, #tpu.memory_space<hbm>> -> memref<1024xi32, #tpu.memory_space<hbm>>
    tpu.wait_dma2 semaphore(%arg10 : memref<!tpu.dma_semaphore, #tpu.memory_space<semaphore_mem>>) src(%dma_wait3A_317 : memref<1024xi32, #tpu.memory_space<hbm>>) dst(%dma_wait3A_314 : memref<1024xi32, #tpu.memory_space<vmem>>)
    %dma_wait3A_318 = arith.constant 4 : i32
    %dma_wait3A_319 = arith.constant 4096 : i32
    %dma_wait3A_320 = tpu.memref_slice %arg6[%dma_wait3A_319] : memref<25600xi32, #tpu.memory_space<vmem>> -> memref<1024xi32, #tpu.memory_space<vmem>>
    %dma_wait3A_321 = arith.constant 0 : i32
    %dma_wait3A_322 = tpu.memref_slice %arg2[%dma_wait3A_318, %add3A, %dma_wait3A_321] : memref<25x32x1024xi32, #tpu.memory_space<hbm>> -> memref<1x1x1024xi32, #tpu.memory_space<hbm>>
    %dma_wait3A_323 = tpu.memref_squeeze %dma_wait3A_322 : memref<1x1x1024xi32, #tpu.memory_space<hbm>> -> memref<1024xi32, #tpu.memory_space<hbm>>
    %dma_wait3A_324 = arith.constant 4096 : i32
    %dma_wait3A_325 = tpu.memref_slice %arg6[%dma_wait3A_324] : memref<25600xi32, #tpu.memory_space<vmem>> -> memref<1024xi32, #tpu.memory_space<vmem>>
    %dma_wait3A_326 = arith.constant 0 : i32
    %dma_wait3A_327 = tpu.memref_slice %arg2[%dma_wait3A_318, %add3A, %dma_wait3A_326] : memref<25x32x1024xi32, #tpu.memory_space<hbm>> -> memref<1x1x1024xi32, #tpu.memory_space<hbm>>
    %dma_wait3A_328 = tpu.memref_squeeze %dma_wait3A_327 : memref<1x1x1024xi32, #tpu.memory_space<hbm>> -> memref<1024xi32, #tpu.memory_space<hbm>>
    tpu.wait_dma2 semaphore(%arg10 : memref<!tpu.dma_semaphore, #tpu.memory_space<semaphore_mem>>) src(%dma_wait3A_328 : memref<1024xi32, #tpu.memory_space<hbm>>) dst(%dma_wait3A_325 : memref<1024xi32, #tpu.memory_space<vmem>>)
    %dma_wait3A_329 = arith.constant 5 : i32
    %dma_wait3A_330 = arith.constant 5120 : i32
    %dma_wait3A_331 = tpu.memref_slice %arg6[%dma_wait3A_330] : memref<25600xi32, #tpu.memory_space<vmem>> -> memref<1024xi32, #tpu.memory_space<vmem>>
    %dma_wait3A_332 = arith.constant 0 : i32
    %dma_wait3A_333 = tpu.memref_slice %arg2[%dma_wait3A_329, %add3A, %dma_wait3A_332] : memref<25x32x1024xi32, #tpu.memory_space<hbm>> -> memref<1x1x1024xi32, #tpu.memory_space<hbm>>
    %dma_wait3A_334 = tpu.memref_squeeze %dma_wait3A_333 : memref<1x1x1024xi32, #tpu.memory_space<hbm>> -> memref<1024xi32, #tpu.memory_space<hbm>>
    %dma_wait3A_335 = arith.constant 5120 : i32
    %dma_wait3A_336 = tpu.memref_slice %arg6[%dma_wait3A_335] : memref<25600xi32, #tpu.memory_space<vmem>> -> memref<1024xi32, #tpu.memory_space<vmem>>
    %dma_wait3A_337 = arith.constant 0 : i32
    %dma_wait3A_338 = tpu.memref_slice %arg2[%dma_wait3A_329, %add3A, %dma_wait3A_337] : memref<25x32x1024xi32, #tpu.memory_space<hbm>> -> memref<1x1x1024xi32, #tpu.memory_space<hbm>>
    %dma_wait3A_339 = tpu.memref_squeeze %dma_wait3A_338 : memref<1x1x1024xi32, #tpu.memory_space<hbm>> -> memref<1024xi32, #tpu.memory_space<hbm>>
    tpu.wait_dma2 semaphore(%arg10 : memref<!tpu.dma_semaphore, #tpu.memory_space<semaphore_mem>>) src(%dma_wait3A_339 : memref<1024xi32, #tpu.memory_space<hbm>>) dst(%dma_wait3A_336 : memref<1024xi32, #tpu.memory_space<vmem>>)
    %dma_wait3A_340 = arith.constant 6 : i32
    %dma_wait3A_341 = arith.constant 6144 : i32
    %dma_wait3A_342 = tpu.memref_slice %arg6[%dma_wait3A_341] : memref<25600xi32, #tpu.memory_space<vmem>> -> memref<1024xi32, #tpu.memory_space<vmem>>
    %dma_wait3A_343 = arith.constant 0 : i32
    %dma_wait3A_344 = tpu.memref_slice %arg2[%dma_wait3A_340, %add3A, %dma_wait3A_343] : memref<25x32x1024xi32, #tpu.memory_space<hbm>> -> memref<1x1x1024xi32, #tpu.memory_space<hbm>>
    %dma_wait3A_345 = tpu.memref_squeeze %dma_wait3A_344 : memref<1x1x1024xi32, #tpu.memory_space<hbm>> -> memref<1024xi32, #tpu.memory_space<hbm>>
    %dma_wait3A_346 = arith.constant 6144 : i32
    %dma_wait3A_347 = tpu.memref_slice %arg6[%dma_wait3A_346] : memref<25600xi32, #tpu.memory_space<vmem>> -> memref<1024xi32, #tpu.memory_space<vmem>>
    %dma_wait3A_348 = arith.constant 0 : i32
    %dma_wait3A_349 = tpu.memref_slice %arg2[%dma_wait3A_340, %add3A, %dma_wait3A_348] : memref<25x32x1024xi32, #tpu.memory_space<hbm>> -> memref<1x1x1024xi32, #tpu.memory_space<hbm>>
    %dma_wait3A_350 = tpu.memref_squeeze %dma_wait3A_349 : memref<1x1x1024xi32, #tpu.memory_space<hbm>> -> memref<1024xi32, #tpu.memory_space<hbm>>
    tpu.wait_dma2 semaphore(%arg10 : memref<!tpu.dma_semaphore, #tpu.memory_space<semaphore_mem>>) src(%dma_wait3A_350 : memref<1024xi32, #tpu.memory_space<hbm>>) dst(%dma_wait3A_347 : memref<1024xi32, #tpu.memory_space<vmem>>)
    %dma_wait3A_351 = arith.constant 7 : i32
    %dma_wait3A_352 = arith.constant 7168 : i32
    %dma_wait3A_353 = tpu.memref_slice %arg6[%dma_wait3A_352] : memref<25600xi32, #tpu.memory_space<vmem>> -> memref<1024xi32, #tpu.memory_space<vmem>>
    %dma_wait3A_354 = arith.constant 0 : i32
    %dma_wait3A_355 = tpu.memref_slice %arg2[%dma_wait3A_351, %add3A, %dma_wait3A_354] : memref<25x32x1024xi32, #tpu.memory_space<hbm>> -> memref<1x1x1024xi32, #tpu.memory_space<hbm>>
    %dma_wait3A_356 = tpu.memref_squeeze %dma_wait3A_355 : memref<1x1x1024xi32, #tpu.memory_space<hbm>> -> memref<1024xi32, #tpu.memory_space<hbm>>
    %dma_wait3A_357 = arith.constant 7168 : i32
    %dma_wait3A_358 = tpu.memref_slice %arg6[%dma_wait3A_357] : memref<25600xi32, #tpu.memory_space<vmem>> -> memref<1024xi32, #tpu.memory_space<vmem>>
    %dma_wait3A_359 = arith.constant 0 : i32
    %dma_wait3A_360 = tpu.memref_slice %arg2[%dma_wait3A_351, %add3A, %dma_wait3A_359] : memref<25x32x1024xi32, #tpu.memory_space<hbm>> -> memref<1x1x1024xi32, #tpu.memory_space<hbm>>
    %dma_wait3A_361 = tpu.memref_squeeze %dma_wait3A_360 : memref<1x1x1024xi32, #tpu.memory_space<hbm>> -> memref<1024xi32, #tpu.memory_space<hbm>>
    tpu.wait_dma2 semaphore(%arg10 : memref<!tpu.dma_semaphore, #tpu.memory_space<semaphore_mem>>) src(%dma_wait3A_361 : memref<1024xi32, #tpu.memory_space<hbm>>) dst(%dma_wait3A_358 : memref<1024xi32, #tpu.memory_space<vmem>>)
    %dma_wait3A_362 = arith.constant 8 : i32
    %dma_wait3A_363 = arith.constant 8192 : i32
    %dma_wait3A_364 = tpu.memref_slice %arg6[%dma_wait3A_363] : memref<25600xi32, #tpu.memory_space<vmem>> -> memref<1024xi32, #tpu.memory_space<vmem>>
    %dma_wait3A_365 = arith.constant 0 : i32
    %dma_wait3A_366 = tpu.memref_slice %arg2[%dma_wait3A_362, %add3A, %dma_wait3A_365] : memref<25x32x1024xi32, #tpu.memory_space<hbm>> -> memref<1x1x1024xi32, #tpu.memory_space<hbm>>
    %dma_wait3A_367 = tpu.memref_squeeze %dma_wait3A_366 : memref<1x1x1024xi32, #tpu.memory_space<hbm>> -> memref<1024xi32, #tpu.memory_space<hbm>>
    %dma_wait3A_368 = arith.constant 8192 : i32
    %dma_wait3A_369 = tpu.memref_slice %arg6[%dma_wait3A_368] : memref<25600xi32, #tpu.memory_space<vmem>> -> memref<1024xi32, #tpu.memory_space<vmem>>
    %dma_wait3A_370 = arith.constant 0 : i32
    %dma_wait3A_371 = tpu.memref_slice %arg2[%dma_wait3A_362, %add3A, %dma_wait3A_370] : memref<25x32x1024xi32, #tpu.memory_space<hbm>> -> memref<1x1x1024xi32, #tpu.memory_space<hbm>>
    %dma_wait3A_372 = tpu.memref_squeeze %dma_wait3A_371 : memref<1x1x1024xi32, #tpu.memory_space<hbm>> -> memref<1024xi32, #tpu.memory_space<hbm>>
    tpu.wait_dma2 semaphore(%arg10 : memref<!tpu.dma_semaphore, #tpu.memory_space<semaphore_mem>>) src(%dma_wait3A_372 : memref<1024xi32, #tpu.memory_space<hbm>>) dst(%dma_wait3A_369 : memref<1024xi32, #tpu.memory_space<vmem>>)
    %dma_wait3A_373 = arith.constant 9 : i32
    %dma_wait3A_374 = arith.constant 9216 : i32
    %dma_wait3A_375 = tpu.memref_slice %arg6[%dma_wait3A_374] : memref<25600xi32, #tpu.memory_space<vmem>> -> memref<1024xi32, #tpu.memory_space<vmem>>
    %dma_wait3A_376 = arith.constant 0 : i32
    %dma_wait3A_377 = tpu.memref_slice %arg2[%dma_wait3A_373, %add3A, %dma_wait3A_376] : memref<25x32x1024xi32, #tpu.memory_space<hbm>> -> memref<1x1x1024xi32, #tpu.memory_space<hbm>>
    %dma_wait3A_378 = tpu.memref_squeeze %dma_wait3A_377 : memref<1x1x1024xi32, #tpu.memory_space<hbm>> -> memref<1024xi32, #tpu.memory_space<hbm>>
    %dma_wait3A_379 = arith.constant 9216 : i32
    %dma_wait3A_380 = tpu.memref_slice %arg6[%dma_wait3A_379] : memref<25600xi32, #tpu.memory_space<vmem>> -> memref<1024xi32, #tpu.memory_space<vmem>>
    %dma_wait3A_381 = arith.constant 0 : i32
    %dma_wait3A_382 = tpu.memref_slice %arg2[%dma_wait3A_373, %add3A, %dma_wait3A_381] : memref<25x32x1024xi32, #tpu.memory_space<hbm>> -> memref<1x1x1024xi32, #tpu.memory_space<hbm>>
    %dma_wait3A_383 = tpu.memref_squeeze %dma_wait3A_382 : memref<1x1x1024xi32, #tpu.memory_space<hbm>> -> memref<1024xi32, #tpu.memory_space<hbm>>
    tpu.wait_dma2 semaphore(%arg10 : memref<!tpu.dma_semaphore, #tpu.memory_space<semaphore_mem>>) src(%dma_wait3A_383 : memref<1024xi32, #tpu.memory_space<hbm>>) dst(%dma_wait3A_380 : memref<1024xi32, #tpu.memory_space<vmem>>)
    %dma_wait3A_384 = arith.constant 10 : i32
    %dma_wait3A_385 = arith.constant 10240 : i32
    %dma_wait3A_386 = tpu.memref_slice %arg6[%dma_wait3A_385] : memref<25600xi32, #tpu.memory_space<vmem>> -> memref<1024xi32, #tpu.memory_space<vmem>>
    %dma_wait3A_387 = arith.constant 0 : i32
    %dma_wait3A_388 = tpu.memref_slice %arg2[%dma_wait3A_384, %add3A, %dma_wait3A_387] : memref<25x32x1024xi32, #tpu.memory_space<hbm>> -> memref<1x1x1024xi32, #tpu.memory_space<hbm>>
    %dma_wait3A_389 = tpu.memref_squeeze %dma_wait3A_388 : memref<1x1x1024xi32, #tpu.memory_space<hbm>> -> memref<1024xi32, #tpu.memory_space<hbm>>
    %dma_wait3A_390 = arith.constant 10240 : i32
    %dma_wait3A_391 = tpu.memref_slice %arg6[%dma_wait3A_390] : memref<25600xi32, #tpu.memory_space<vmem>> -> memref<1024xi32, #tpu.memory_space<vmem>>
    %dma_wait3A_392 = arith.constant 0 : i32
    %dma_wait3A_393 = tpu.memref_slice %arg2[%dma_wait3A_384, %add3A, %dma_wait3A_392] : memref<25x32x1024xi32, #tpu.memory_space<hbm>> -> memref<1x1x1024xi32, #tpu.memory_space<hbm>>
    %dma_wait3A_394 = tpu.memref_squeeze %dma_wait3A_393 : memref<1x1x1024xi32, #tpu.memory_space<hbm>> -> memref<1024xi32, #tpu.memory_space<hbm>>
    tpu.wait_dma2 semaphore(%arg10 : memref<!tpu.dma_semaphore, #tpu.memory_space<semaphore_mem>>) src(%dma_wait3A_394 : memref<1024xi32, #tpu.memory_space<hbm>>) dst(%dma_wait3A_391 : memref<1024xi32, #tpu.memory_space<vmem>>)
    %dma_wait3A_395 = arith.constant 11 : i32
    %dma_wait3A_396 = arith.constant 11264 : i32
    %dma_wait3A_397 = tpu.memref_slice %arg6[%dma_wait3A_396] : memref<25600xi32, #tpu.memory_space<vmem>> -> memref<1024xi32, #tpu.memory_space<vmem>>
    %dma_wait3A_398 = arith.constant 0 : i32
    %dma_wait3A_399 = tpu.memref_slice %arg2[%dma_wait3A_395, %add3A, %dma_wait3A_398] : memref<25x32x1024xi32, #tpu.memory_space<hbm>> -> memref<1x1x1024xi32, #tpu.memory_space<hbm>>
    %dma_wait3A_400 = tpu.memref_squeeze %dma_wait3A_399 : memref<1x1x1024xi32, #tpu.memory_space<hbm>> -> memref<1024xi32, #tpu.memory_space<hbm>>
    %dma_wait3A_401 = arith.constant 11264 : i32
    %dma_wait3A_402 = tpu.memref_slice %arg6[%dma_wait3A_401] : memref<25600xi32, #tpu.memory_space<vmem>> -> memref<1024xi32, #tpu.memory_space<vmem>>
    %dma_wait3A_403 = arith.constant 0 : i32
    %dma_wait3A_404 = tpu.memref_slice %arg2[%dma_wait3A_395, %add3A, %dma_wait3A_403] : memref<25x32x1024xi32, #tpu.memory_space<hbm>> -> memref<1x1x1024xi32, #tpu.memory_space<hbm>>
    %dma_wait3A_405 = tpu.memref_squeeze %dma_wait3A_404 : memref<1x1x1024xi32, #tpu.memory_space<hbm>> -> memref<1024xi32, #tpu.memory_space<hbm>>
    tpu.wait_dma2 semaphore(%arg10 : memref<!tpu.dma_semaphore, #tpu.memory_space<semaphore_mem>>) src(%dma_wait3A_405 : memref<1024xi32, #tpu.memory_space<hbm>>) dst(%dma_wait3A_402 : memref<1024xi32, #tpu.memory_space<vmem>>)
    %dma_wait3A_406 = arith.constant 12 : i32
    %dma_wait3A_407 = arith.constant 12288 : i32
    %dma_wait3A_408 = tpu.memref_slice %arg6[%dma_wait3A_407] : memref<25600xi32, #tpu.memory_space<vmem>> -> memref<1024xi32, #tpu.memory_space<vmem>>
    %dma_wait3A_409 = arith.constant 0 : i32
    %dma_wait3A_410 = tpu.memref_slice %arg2[%dma_wait3A_406, %add3A, %dma_wait3A_409] : memref<25x32x1024xi32, #tpu.memory_space<hbm>> -> memref<1x1x1024xi32, #tpu.memory_space<hbm>>
    %dma_wait3A_411 = tpu.memref_squeeze %dma_wait3A_410 : memref<1x1x1024xi32, #tpu.memory_space<hbm>> -> memref<1024xi32, #tpu.memory_space<hbm>>
    %dma_wait3A_412 = arith.constant 12288 : i32
    %dma_wait3A_413 = tpu.memref_slice %arg6[%dma_wait3A_412] : memref<25600xi32, #tpu.memory_space<vmem>> -> memref<1024xi32, #tpu.memory_space<vmem>>
    %dma_wait3A_414 = arith.constant 0 : i32
    %dma_wait3A_415 = tpu.memref_slice %arg2[%dma_wait3A_406, %add3A, %dma_wait3A_414] : memref<25x32x1024xi32, #tpu.memory_space<hbm>> -> memref<1x1x1024xi32, #tpu.memory_space<hbm>>
    %dma_wait3A_416 = tpu.memref_squeeze %dma_wait3A_415 : memref<1x1x1024xi32, #tpu.memory_space<hbm>> -> memref<1024xi32, #tpu.memory_space<hbm>>
    tpu.wait_dma2 semaphore(%arg10 : memref<!tpu.dma_semaphore, #tpu.memory_space<semaphore_mem>>) src(%dma_wait3A_416 : memref<1024xi32, #tpu.memory_space<hbm>>) dst(%dma_wait3A_413 : memref<1024xi32, #tpu.memory_space<vmem>>)
    %dma_wait3A_417 = arith.constant 13 : i32
    %dma_wait3A_418 = arith.constant 13312 : i32
    %dma_wait3A_419 = tpu.memref_slice %arg6[%dma_wait3A_418] : memref<25600xi32, #tpu.memory_space<vmem>> -> memref<1024xi32, #tpu.memory_space<vmem>>
    %dma_wait3A_420 = arith.constant 0 : i32
    %dma_wait3A_421 = tpu.memref_slice %arg2[%dma_wait3A_417, %add3A, %dma_wait3A_420] : memref<25x32x1024xi32, #tpu.memory_space<hbm>> -> memref<1x1x1024xi32, #tpu.memory_space<hbm>>
    %dma_wait3A_422 = tpu.memref_squeeze %dma_wait3A_421 : memref<1x1x1024xi32, #tpu.memory_space<hbm>> -> memref<1024xi32, #tpu.memory_space<hbm>>
    %dma_wait3A_423 = arith.constant 13312 : i32
    %dma_wait3A_424 = tpu.memref_slice %arg6[%dma_wait3A_423] : memref<25600xi32, #tpu.memory_space<vmem>> -> memref<1024xi32, #tpu.memory_space<vmem>>
    %dma_wait3A_425 = arith.constant 0 : i32
    %dma_wait3A_426 = tpu.memref_slice %arg2[%dma_wait3A_417, %add3A, %dma_wait3A_425] : memref<25x32x1024xi32, #tpu.memory_space<hbm>> -> memref<1x1x1024xi32, #tpu.memory_space<hbm>>
    %dma_wait3A_427 = tpu.memref_squeeze %dma_wait3A_426 : memref<1x1x1024xi32, #tpu.memory_space<hbm>> -> memref<1024xi32, #tpu.memory_space<hbm>>
    tpu.wait_dma2 semaphore(%arg10 : memref<!tpu.dma_semaphore, #tpu.memory_space<semaphore_mem>>) src(%dma_wait3A_427 : memref<1024xi32, #tpu.memory_space<hbm>>) dst(%dma_wait3A_424 : memref<1024xi32, #tpu.memory_space<vmem>>)
    %dma_wait3A_428 = arith.constant 14 : i32
    %dma_wait3A_429 = arith.constant 14336 : i32
    %dma_wait3A_430 = tpu.memref_slice %arg6[%dma_wait3A_429] : memref<25600xi32, #tpu.memory_space<vmem>> -> memref<1024xi32, #tpu.memory_space<vmem>>
    %dma_wait3A_431 = arith.constant 0 : i32
    %dma_wait3A_432 = tpu.memref_slice %arg2[%dma_wait3A_428, %add3A, %dma_wait3A_431] : memref<25x32x1024xi32, #tpu.memory_space<hbm>> -> memref<1x1x1024xi32, #tpu.memory_space<hbm>>
    %dma_wait3A_433 = tpu.memref_squeeze %dma_wait3A_432 : memref<1x1x1024xi32, #tpu.memory_space<hbm>> -> memref<1024xi32, #tpu.memory_space<hbm>>
    %dma_wait3A_434 = arith.constant 14336 : i32
    %dma_wait3A_435 = tpu.memref_slice %arg6[%dma_wait3A_434] : memref<25600xi32, #tpu.memory_space<vmem>> -> memref<1024xi32, #tpu.memory_space<vmem>>
    %dma_wait3A_436 = arith.constant 0 : i32
    %dma_wait3A_437 = tpu.memref_slice %arg2[%dma_wait3A_428, %add3A, %dma_wait3A_436] : memref<25x32x1024xi32, #tpu.memory_space<hbm>> -> memref<1x1x1024xi32, #tpu.memory_space<hbm>>
    %dma_wait3A_438 = tpu.memref_squeeze %dma_wait3A_437 : memref<1x1x1024xi32, #tpu.memory_space<hbm>> -> memref<1024xi32, #tpu.memory_space<hbm>>
    tpu.wait_dma2 semaphore(%arg10 : memref<!tpu.dma_semaphore, #tpu.memory_space<semaphore_mem>>) src(%dma_wait3A_438 : memref<1024xi32, #tpu.memory_space<hbm>>) dst(%dma_wait3A_435 : memref<1024xi32, #tpu.memory_space<vmem>>)
    %dma_wait3A_439 = arith.constant 15 : i32
    %dma_wait3A_440 = arith.constant 15360 : i32
    %dma_wait3A_441 = tpu.memref_slice %arg6[%dma_wait3A_440] : memref<25600xi32, #tpu.memory_space<vmem>> -> memref<1024xi32, #tpu.memory_space<vmem>>
    %dma_wait3A_442 = arith.constant 0 : i32
    %dma_wait3A_443 = tpu.memref_slice %arg2[%dma_wait3A_439, %add3A, %dma_wait3A_442] : memref<25x32x1024xi32, #tpu.memory_space<hbm>> -> memref<1x1x1024xi32, #tpu.memory_space<hbm>>
    %dma_wait3A_444 = tpu.memref_squeeze %dma_wait3A_443 : memref<1x1x1024xi32, #tpu.memory_space<hbm>> -> memref<1024xi32, #tpu.memory_space<hbm>>
    %dma_wait3A_445 = arith.constant 15360 : i32
    %dma_wait3A_446 = tpu.memref_slice %arg6[%dma_wait3A_445] : memref<25600xi32, #tpu.memory_space<vmem>> -> memref<1024xi32, #tpu.memory_space<vmem>>
    %dma_wait3A_447 = arith.constant 0 : i32
    %dma_wait3A_448 = tpu.memref_slice %arg2[%dma_wait3A_439, %add3A, %dma_wait3A_447] : memref<25x32x1024xi32, #tpu.memory_space<hbm>> -> memref<1x1x1024xi32, #tpu.memory_space<hbm>>
    %dma_wait3A_449 = tpu.memref_squeeze %dma_wait3A_448 : memref<1x1x1024xi32, #tpu.memory_space<hbm>> -> memref<1024xi32, #tpu.memory_space<hbm>>
    tpu.wait_dma2 semaphore(%arg10 : memref<!tpu.dma_semaphore, #tpu.memory_space<semaphore_mem>>) src(%dma_wait3A_449 : memref<1024xi32, #tpu.memory_space<hbm>>) dst(%dma_wait3A_446 : memref<1024xi32, #tpu.memory_space<vmem>>)
    %dma_wait3A_450 = arith.constant 16 : i32
    %dma_wait3A_451 = arith.constant 16384 : i32
    %dma_wait3A_452 = tpu.memref_slice %arg6[%dma_wait3A_451] : memref<25600xi32, #tpu.memory_space<vmem>> -> memref<1024xi32, #tpu.memory_space<vmem>>
    %dma_wait3A_453 = arith.constant 0 : i32
    %dma_wait3A_454 = tpu.memref_slice %arg2[%dma_wait3A_450, %add3A, %dma_wait3A_453] : memref<25x32x1024xi32, #tpu.memory_space<hbm>> -> memref<1x1x1024xi32, #tpu.memory_space<hbm>>
    %dma_wait3A_455 = tpu.memref_squeeze %dma_wait3A_454 : memref<1x1x1024xi32, #tpu.memory_space<hbm>> -> memref<1024xi32, #tpu.memory_space<hbm>>
    %dma_wait3A_456 = arith.constant 16384 : i32
    %dma_wait3A_457 = tpu.memref_slice %arg6[%dma_wait3A_456] : memref<25600xi32, #tpu.memory_space<vmem>> -> memref<1024xi32, #tpu.memory_space<vmem>>
    %dma_wait3A_458 = arith.constant 0 : i32
    %dma_wait3A_459 = tpu.memref_slice %arg2[%dma_wait3A_450, %add3A, %dma_wait3A_458] : memref<25x32x1024xi32, #tpu.memory_space<hbm>> -> memref<1x1x1024xi32, #tpu.memory_space<hbm>>
    %dma_wait3A_460 = tpu.memref_squeeze %dma_wait3A_459 : memref<1x1x1024xi32, #tpu.memory_space<hbm>> -> memref<1024xi32, #tpu.memory_space<hbm>>
    tpu.wait_dma2 semaphore(%arg10 : memref<!tpu.dma_semaphore, #tpu.memory_space<semaphore_mem>>) src(%dma_wait3A_460 : memref<1024xi32, #tpu.memory_space<hbm>>) dst(%dma_wait3A_457 : memref<1024xi32, #tpu.memory_space<vmem>>)
    %dma_wait3A_461 = arith.constant 17 : i32
    %dma_wait3A_462 = arith.constant 17408 : i32
    %dma_wait3A_463 = tpu.memref_slice %arg6[%dma_wait3A_462] : memref<25600xi32, #tpu.memory_space<vmem>> -> memref<1024xi32, #tpu.memory_space<vmem>>
    %dma_wait3A_464 = arith.constant 0 : i32
    %dma_wait3A_465 = tpu.memref_slice %arg2[%dma_wait3A_461, %add3A, %dma_wait3A_464] : memref<25x32x1024xi32, #tpu.memory_space<hbm>> -> memref<1x1x1024xi32, #tpu.memory_space<hbm>>
    %dma_wait3A_466 = tpu.memref_squeeze %dma_wait3A_465 : memref<1x1x1024xi32, #tpu.memory_space<hbm>> -> memref<1024xi32, #tpu.memory_space<hbm>>
    %dma_wait3A_467 = arith.constant 17408 : i32
    %dma_wait3A_468 = tpu.memref_slice %arg6[%dma_wait3A_467] : memref<25600xi32, #tpu.memory_space<vmem>> -> memref<1024xi32, #tpu.memory_space<vmem>>
    %dma_wait3A_469 = arith.constant 0 : i32
    %dma_wait3A_470 = tpu.memref_slice %arg2[%dma_wait3A_461, %add3A, %dma_wait3A_469] : memref<25x32x1024xi32, #tpu.memory_space<hbm>> -> memref<1x1x1024xi32, #tpu.memory_space<hbm>>
    %dma_wait3A_471 = tpu.memref_squeeze %dma_wait3A_470 : memref<1x1x1024xi32, #tpu.memory_space<hbm>> -> memref<1024xi32, #tpu.memory_space<hbm>>
    tpu.wait_dma2 semaphore(%arg10 : memref<!tpu.dma_semaphore, #tpu.memory_space<semaphore_mem>>) src(%dma_wait3A_471 : memref<1024xi32, #tpu.memory_space<hbm>>) dst(%dma_wait3A_468 : memref<1024xi32, #tpu.memory_space<vmem>>)
    %dma_wait3A_472 = arith.constant 18 : i32
    %dma_wait3A_473 = arith.constant 18432 : i32
    %dma_wait3A_474 = tpu.memref_slice %arg6[%dma_wait3A_473] : memref<25600xi32, #tpu.memory_space<vmem>> -> memref<1024xi32, #tpu.memory_space<vmem>>
    %dma_wait3A_475 = arith.constant 0 : i32
    %dma_wait3A_476 = tpu.memref_slice %arg2[%dma_wait3A_472, %add3A, %dma_wait3A_475] : memref<25x32x1024xi32, #tpu.memory_space<hbm>> -> memref<1x1x1024xi32, #tpu.memory_space<hbm>>
    %dma_wait3A_477 = tpu.memref_squeeze %dma_wait3A_476 : memref<1x1x1024xi32, #tpu.memory_space<hbm>> -> memref<1024xi32, #tpu.memory_space<hbm>>
    %dma_wait3A_478 = arith.constant 18432 : i32
    %dma_wait3A_479 = tpu.memref_slice %arg6[%dma_wait3A_478] : memref<25600xi32, #tpu.memory_space<vmem>> -> memref<1024xi32, #tpu.memory_space<vmem>>
    %dma_wait3A_480 = arith.constant 0 : i32
    %dma_wait3A_481 = tpu.memref_slice %arg2[%dma_wait3A_472, %add3A, %dma_wait3A_480] : memref<25x32x1024xi32, #tpu.memory_space<hbm>> -> memref<1x1x1024xi32, #tpu.memory_space<hbm>>
    %dma_wait3A_482 = tpu.memref_squeeze %dma_wait3A_481 : memref<1x1x1024xi32, #tpu.memory_space<hbm>> -> memref<1024xi32, #tpu.memory_space<hbm>>
    tpu.wait_dma2 semaphore(%arg10 : memref<!tpu.dma_semaphore, #tpu.memory_space<semaphore_mem>>) src(%dma_wait3A_482 : memref<1024xi32, #tpu.memory_space<hbm>>) dst(%dma_wait3A_479 : memref<1024xi32, #tpu.memory_space<vmem>>)
    %dma_wait3A_483 = arith.constant 19 : i32
    %dma_wait3A_484 = arith.constant 19456 : i32
    %dma_wait3A_485 = tpu.memref_slice %arg6[%dma_wait3A_484] : memref<25600xi32, #tpu.memory_space<vmem>> -> memref<1024xi32, #tpu.memory_space<vmem>>
    %dma_wait3A_486 = arith.constant 0 : i32
    %dma_wait3A_487 = tpu.memref_slice %arg2[%dma_wait3A_483, %add3A, %dma_wait3A_486] : memref<25x32x1024xi32, #tpu.memory_space<hbm>> -> memref<1x1x1024xi32, #tpu.memory_space<hbm>>
    %dma_wait3A_488 = tpu.memref_squeeze %dma_wait3A_487 : memref<1x1x1024xi32, #tpu.memory_space<hbm>> -> memref<1024xi32, #tpu.memory_space<hbm>>
    %dma_wait3A_489 = arith.constant 19456 : i32
    %dma_wait3A_490 = tpu.memref_slice %arg6[%dma_wait3A_489] : memref<25600xi32, #tpu.memory_space<vmem>> -> memref<1024xi32, #tpu.memory_space<vmem>>
    %dma_wait3A_491 = arith.constant 0 : i32
    %dma_wait3A_492 = tpu.memref_slice %arg2[%dma_wait3A_483, %add3A, %dma_wait3A_491] : memref<25x32x1024xi32, #tpu.memory_space<hbm>> -> memref<1x1x1024xi32, #tpu.memory_space<hbm>>
    %dma_wait3A_493 = tpu.memref_squeeze %dma_wait3A_492 : memref<1x1x1024xi32, #tpu.memory_space<hbm>> -> memref<1024xi32, #tpu.memory_space<hbm>>
    tpu.wait_dma2 semaphore(%arg10 : memref<!tpu.dma_semaphore, #tpu.memory_space<semaphore_mem>>) src(%dma_wait3A_493 : memref<1024xi32, #tpu.memory_space<hbm>>) dst(%dma_wait3A_490 : memref<1024xi32, #tpu.memory_space<vmem>>)
    %dma_wait3A_494 = arith.constant 20 : i32
    %dma_wait3A_495 = arith.constant 20480 : i32
    %dma_wait3A_496 = tpu.memref_slice %arg6[%dma_wait3A_495] : memref<25600xi32, #tpu.memory_space<vmem>> -> memref<1024xi32, #tpu.memory_space<vmem>>
    %dma_wait3A_497 = arith.constant 0 : i32
    %dma_wait3A_498 = tpu.memref_slice %arg2[%dma_wait3A_494, %add3A, %dma_wait3A_497] : memref<25x32x1024xi32, #tpu.memory_space<hbm>> -> memref<1x1x1024xi32, #tpu.memory_space<hbm>>
    %dma_wait3A_499 = tpu.memref_squeeze %dma_wait3A_498 : memref<1x1x1024xi32, #tpu.memory_space<hbm>> -> memref<1024xi32, #tpu.memory_space<hbm>>
    %dma_wait3A_500 = arith.constant 20480 : i32
    %dma_wait3A_501 = tpu.memref_slice %arg6[%dma_wait3A_500] : memref<25600xi32, #tpu.memory_space<vmem>> -> memref<1024xi32, #tpu.memory_space<vmem>>
    %dma_wait3A_502 = arith.constant 0 : i32
    %dma_wait3A_503 = tpu.memref_slice %arg2[%dma_wait3A_494, %add3A, %dma_wait3A_502] : memref<25x32x1024xi32, #tpu.memory_space<hbm>> -> memref<1x1x1024xi32, #tpu.memory_space<hbm>>
    %dma_wait3A_504 = tpu.memref_squeeze %dma_wait3A_503 : memref<1x1x1024xi32, #tpu.memory_space<hbm>> -> memref<1024xi32, #tpu.memory_space<hbm>>
    tpu.wait_dma2 semaphore(%arg10 : memref<!tpu.dma_semaphore, #tpu.memory_space<semaphore_mem>>) src(%dma_wait3A_504 : memref<1024xi32, #tpu.memory_space<hbm>>) dst(%dma_wait3A_501 : memref<1024xi32, #tpu.memory_space<vmem>>)
    %dma_wait3A_505 = arith.constant 21 : i32
    %dma_wait3A_506 = arith.constant 21504 : i32
    %dma_wait3A_507 = tpu.memref_slice %arg6[%dma_wait3A_506] : memref<25600xi32, #tpu.memory_space<vmem>> -> memref<1024xi32, #tpu.memory_space<vmem>>
    %dma_wait3A_508 = arith.constant 0 : i32
    %dma_wait3A_509 = tpu.memref_slice %arg2[%dma_wait3A_505, %add3A, %dma_wait3A_508] : memref<25x32x1024xi32, #tpu.memory_space<hbm>> -> memref<1x1x1024xi32, #tpu.memory_space<hbm>>
    %dma_wait3A_510 = tpu.memref_squeeze %dma_wait3A_509 : memref<1x1x1024xi32, #tpu.memory_space<hbm>> -> memref<1024xi32, #tpu.memory_space<hbm>>
    %dma_wait3A_511 = arith.constant 21504 : i32
    %dma_wait3A_512 = tpu.memref_slice %arg6[%dma_wait3A_511] : memref<25600xi32, #tpu.memory_space<vmem>> -> memref<1024xi32, #tpu.memory_space<vmem>>
    %dma_wait3A_513 = arith.constant 0 : i32
    %dma_wait3A_514 = tpu.memref_slice %arg2[%dma_wait3A_505, %add3A, %dma_wait3A_513] : memref<25x32x1024xi32, #tpu.memory_space<hbm>> -> memref<1x1x1024xi32, #tpu.memory_space<hbm>>
    %dma_wait3A_515 = tpu.memref_squeeze %dma_wait3A_514 : memref<1x1x1024xi32, #tpu.memory_space<hbm>> -> memref<1024xi32, #tpu.memory_space<hbm>>
    tpu.wait_dma2 semaphore(%arg10 : memref<!tpu.dma_semaphore, #tpu.memory_space<semaphore_mem>>) src(%dma_wait3A_515 : memref<1024xi32, #tpu.memory_space<hbm>>) dst(%dma_wait3A_512 : memref<1024xi32, #tpu.memory_space<vmem>>)
    %dma_wait3A_516 = arith.constant 22 : i32
    %dma_wait3A_517 = arith.constant 22528 : i32
    %dma_wait3A_518 = tpu.memref_slice %arg6[%dma_wait3A_517] : memref<25600xi32, #tpu.memory_space<vmem>> -> memref<1024xi32, #tpu.memory_space<vmem>>
    %dma_wait3A_519 = arith.constant 0 : i32
    %dma_wait3A_520 = tpu.memref_slice %arg2[%dma_wait3A_516, %add3A, %dma_wait3A_519] : memref<25x32x1024xi32, #tpu.memory_space<hbm>> -> memref<1x1x1024xi32, #tpu.memory_space<hbm>>
    %dma_wait3A_521 = tpu.memref_squeeze %dma_wait3A_520 : memref<1x1x1024xi32, #tpu.memory_space<hbm>> -> memref<1024xi32, #tpu.memory_space<hbm>>
    %dma_wait3A_522 = arith.constant 22528 : i32
    %dma_wait3A_523 = tpu.memref_slice %arg6[%dma_wait3A_522] : memref<25600xi32, #tpu.memory_space<vmem>> -> memref<1024xi32, #tpu.memory_space<vmem>>
    %dma_wait3A_524 = arith.constant 0 : i32
    %dma_wait3A_525 = tpu.memref_slice %arg2[%dma_wait3A_516, %add3A, %dma_wait3A_524] : memref<25x32x1024xi32, #tpu.memory_space<hbm>> -> memref<1x1x1024xi32, #tpu.memory_space<hbm>>
    %dma_wait3A_526 = tpu.memref_squeeze %dma_wait3A_525 : memref<1x1x1024xi32, #tpu.memory_space<hbm>> -> memref<1024xi32, #tpu.memory_space<hbm>>
    tpu.wait_dma2 semaphore(%arg10 : memref<!tpu.dma_semaphore, #tpu.memory_space<semaphore_mem>>) src(%dma_wait3A_526 : memref<1024xi32, #tpu.memory_space<hbm>>) dst(%dma_wait3A_523 : memref<1024xi32, #tpu.memory_space<vmem>>)
    %dma_wait3A_527 = arith.constant 23 : i32
    %dma_wait3A_528 = arith.constant 23552 : i32
    %dma_wait3A_529 = tpu.memref_slice %arg6[%dma_wait3A_528] : memref<25600xi32, #tpu.memory_space<vmem>> -> memref<1024xi32, #tpu.memory_space<vmem>>
    %dma_wait3A_530 = arith.constant 0 : i32
    %dma_wait3A_531 = tpu.memref_slice %arg2[%dma_wait3A_527, %add3A, %dma_wait3A_530] : memref<25x32x1024xi32, #tpu.memory_space<hbm>> -> memref<1x1x1024xi32, #tpu.memory_space<hbm>>
    %dma_wait3A_532 = tpu.memref_squeeze %dma_wait3A_531 : memref<1x1x1024xi32, #tpu.memory_space<hbm>> -> memref<1024xi32, #tpu.memory_space<hbm>>
    %dma_wait3A_533 = arith.constant 23552 : i32
    %dma_wait3A_534 = tpu.memref_slice %arg6[%dma_wait3A_533] : memref<25600xi32, #tpu.memory_space<vmem>> -> memref<1024xi32, #tpu.memory_space<vmem>>
    %dma_wait3A_535 = arith.constant 0 : i32
    %dma_wait3A_536 = tpu.memref_slice %arg2[%dma_wait3A_527, %add3A, %dma_wait3A_535] : memref<25x32x1024xi32, #tpu.memory_space<hbm>> -> memref<1x1x1024xi32, #tpu.memory_space<hbm>>
    %dma_wait3A_537 = tpu.memref_squeeze %dma_wait3A_536 : memref<1x1x1024xi32, #tpu.memory_space<hbm>> -> memref<1024xi32, #tpu.memory_space<hbm>>
    tpu.wait_dma2 semaphore(%arg10 : memref<!tpu.dma_semaphore, #tpu.memory_space<semaphore_mem>>) src(%dma_wait3A_537 : memref<1024xi32, #tpu.memory_space<hbm>>) dst(%dma_wait3A_534 : memref<1024xi32, #tpu.memory_space<vmem>>)
    %dma_wait3A_538 = arith.constant 24 : i32
    %dma_wait3A_539 = arith.constant 24576 : i32
    %dma_wait3A_540 = tpu.memref_slice %arg6[%dma_wait3A_539] : memref<25600xi32, #tpu.memory_space<vmem>> -> memref<1024xi32, #tpu.memory_space<vmem>>
    %dma_wait3A_541 = arith.constant 0 : i32
    %dma_wait3A_542 = tpu.memref_slice %arg2[%dma_wait3A_538, %add3A, %dma_wait3A_541] : memref<25x32x1024xi32, #tpu.memory_space<hbm>> -> memref<1x1x1024xi32, #tpu.memory_space<hbm>>
    %dma_wait3A_543 = tpu.memref_squeeze %dma_wait3A_542 : memref<1x1x1024xi32, #tpu.memory_space<hbm>> -> memref<1024xi32, #tpu.memory_space<hbm>>
    %dma_wait3A_544 = arith.constant 24576 : i32
    %dma_wait3A_545 = tpu.memref_slice %arg6[%dma_wait3A_544] : memref<25600xi32, #tpu.memory_space<vmem>> -> memref<1024xi32, #tpu.memory_space<vmem>>
    %dma_wait3A_546 = arith.constant 0 : i32
    %dma_wait3A_547 = tpu.memref_slice %arg2[%dma_wait3A_538, %add3A, %dma_wait3A_546] : memref<25x32x1024xi32, #tpu.memory_space<hbm>> -> memref<1x1x1024xi32, #tpu.memory_space<hbm>>
    %dma_wait3A_548 = tpu.memref_squeeze %dma_wait3A_547 : memref<1x1x1024xi32, #tpu.memory_space<hbm>> -> memref<1024xi32, #tpu.memory_space<hbm>>
    tpu.wait_dma2 semaphore(%arg10 : memref<!tpu.dma_semaphore, #tpu.memory_space<semaphore_mem>>) src(%dma_wait3A_548 : memref<1024xi32, #tpu.memory_space<hbm>>) dst(%dma_wait3A_545 : memref<1024xi32, #tpu.memory_space<vmem>>)
    tpu.wait_dma2 semaphore(%arg12 : memref<!tpu.dma_semaphore, #tpu.memory_space<semaphore_mem>>) src(%arg4 : memref<200x32xf32, #tpu.memory_space<hbm>>) dst(%arg7 : memref<200x32xf32, #tpu.memory_space<vmem>>)
    %parallel_loop3A = arith.constant 0 : i32
    %parallel_loop3A_549 = arith.constant 25600 : i32
    %parallel_loop3A_550 = arith.constant 16 : i32
    scf.for %parallel_loop3A_641 = %parallel_loop3A to %parallel_loop3A_549 step %parallel_loop3A_550  : i32 {
      %parallel_loop3A_642 = arith.index_cast %parallel_loop3A_641 : i32 to index
      %parallel_loop3A_643 = tpu.vector_load %arg6[%parallel_loop3A_642] {strides = array<i32>} : memref<25600xi32, #tpu.memory_space<vmem>>, vector<16xi32>,
      %parallel_loop3A_644 = arith.constant 4 : i32
      %parallel_loop3A_645 = vector.broadcast %parallel_loop3A_644 : i32 to vector<16xi32>
      %parallel_loop3A_646 = arith.muli %parallel_loop3A_643, %parallel_loop3A_645 : vector<16xi32>
      %parallel_loop3A_647 = arith.index_cast %parallel_loop3A_641 : i32 to index
      %parallel_loop3A_648 = tpu.vector_load %arg6[%parallel_loop3A_647] {strides = array<i32>} : memref<25600xi32, #tpu.memory_space<vmem>>, vector<16xi32>,
      tpu.vector_store %arg6[%parallel_loop3A_647], %parallel_loop3A_646 {strides = array<i32>} : memref<25600xi32, #tpu.memory_space<vmem>>, vector<16xi32>,
    } {sc.loop_unroll_factor = 8 : i64, sc.parallel_access}
    %dma_start3A_551 = arith.constant 0 : i32
    %dma_start3A_552 = arith.constant 0 : i32
    %dma_start3A_553 = arith.constant 0 : i32
    %dma_start3A_554 = tpu.memref_slice %arg8[%dma_start3A_551, %dma_start3A_552, %dma_start3A_553] : memref<2x512x32xf32, #tpu.memory_space<vmem>> -> memref<1x512x32xf32, #tpu.memory_space<vmem>>
    %dma_start3A_555 = tpu.memref_squeeze %dma_start3A_554 : memref<1x512x32xf32, #tpu.memory_space<vmem>> -> memref<512x32xf32, #tpu.memory_space<vmem>>
    %dma_start3A_556 = arith.constant 0 : i32
    %dma_start3A_557 = arith.constant 0 : i32
    %dma_start3A_558 = tpu.memref_slice %dma_start3A_555[%dma_start3A_556, %dma_start3A_557] : memref<512x32xf32, #tpu.memory_space<vmem>> -> memref<128x32xf32, #tpu.memory_space<vmem>>
    %dma_start3A_559 = arith.constant 0 : i32
    %dma_start3A_560 = tpu.memref_slice %arg6[%dma_start3A_559] : memref<25600xi32, #tpu.memory_space<vmem>> -> memref<128xi32, #tpu.memory_space<vmem>>
    %dma_start3A_561 = arith.constant 0 : i32
    %dma_start3A_562 = arith.constant 0 : i32
    %dma_start3A_563 = tpu.memref_slice %arg3[%dma_start3A_561, %dma_start3A_562] : memref<400000x32xf32, #tpu.memory_space<hbm>> -> memref<400000x32xf32, #tpu.memory_space<hbm>>
    tpu.enqueue_indirect_dma source(%dma_start3A_563 : memref<400000x32xf32, #tpu.memory_space<hbm>>) target(%dma_start3A_558 : memref<128x32xf32, #tpu.memory_space<vmem>>) offsets(%dma_start3A_560 : memref<128xi32, #tpu.memory_space<vmem>>) semaphore(%arg10 : memref<!tpu.dma_semaphore, #tpu.memory_space<semaphore_mem>>)
    %dma_start3A_564 = arith.constant 0 : i32
    %dma_start3A_565 = arith.constant 0 : i32
    %dma_start3A_566 = arith.constant 0 : i32
    %dma_start3A_567 = tpu.memref_slice %arg8[%dma_start3A_564, %dma_start3A_565, %dma_start3A_566] : memref<2x512x32xf32, #tpu.memory_space<vmem>> -> memref<1x512x32xf32, #tpu.memory_space<vmem>>
    %dma_start3A_568 = tpu.memref_squeeze %dma_start3A_567 : memref<1x512x32xf32, #tpu.memory_space<vmem>> -> memref<512x32xf32, #tpu.memory_space<vmem>>
    %dma_start3A_569 = arith.constant 128 : i32
    %dma_start3A_570 = arith.constant 0 : i32
    %dma_start3A_571 = tpu.memref_slice %dma_start3A_568[%dma_start3A_569, %dma_start3A_570] : memref<512x32xf32, #tpu.memory_space<vmem>> -> memref<128x32xf32, #tpu.memory_space<vmem>>
    %dma_start3A_572 = arith.constant 128 : i32
    %dma_start3A_573 = tpu.memref_slice %arg6[%dma_start3A_572] : memref<25600xi32, #tpu.memory_space<vmem>> -> memref<128xi32, #tpu.memory_space<vmem>>
    %dma_start3A_574 = arith.constant 0 : i32
    %dma_start3A_575 = arith.constant 0 : i32
    %dma_start3A_576 = tpu.memref_slice %arg3[%dma_start3A_574, %dma_start3A_575] : memref<400000x32xf32, #tpu.memory_space<hbm>> -> memref<400000x32xf32, #tpu.memory_space<hbm>>
    tpu.enqueue_indirect_dma source(%dma_start3A_576 : memref<400000x32xf32, #tpu.memory_space<hbm>>) target(%dma_start3A_571 : memref<128x32xf32, #tpu.memory_space<vmem>>) offsets(%dma_start3A_573 : memref<128xi32, #tpu.memory_space<vmem>>) semaphore(%arg10 : memref<!tpu.dma_semaphore, #tpu.memory_space<semaphore_mem>>)
    %dma_start3A_577 = arith.constant 0 : i32
    %dma_start3A_578 = arith.constant 0 : i32
    %dma_start3A_579 = arith.constant 0 : i32
    %dma_start3A_580 = tpu.memref_slice %arg8[%dma_start3A_577, %dma_start3A_578, %dma_start3A_579] : memref<2x512x32xf32, #tpu.memory_space<vmem>> -> memref<1x512x32xf32, #tpu.memory_space<vmem>>
    %dma_start3A_581 = tpu.memref_squeeze %dma_start3A_580 : memref<1x512x32xf32, #tpu.memory_space<vmem>> -> memref<512x32xf32, #tpu.memory_space<vmem>>
    %dma_start3A_582 = arith.constant 256 : i32
    %dma_start3A_583 = arith.constant 0 : i32
    %dma_start3A_584 = tpu.memref_slice %dma_start3A_581[%dma_start3A_582, %dma_start3A_583] : memref<512x32xf32, #tpu.memory_space<vmem>> -> memref<128x32xf32, #tpu.memory_space<vmem>>
    %dma_start3A_585 = arith.constant 256 : i32
    %dma_start3A_586 = tpu.memref_slice %arg6[%dma_start3A_585] : memref<25600xi32, #tpu.memory_space<vmem>> -> memref<128xi32, #tpu.memory_space<vmem>>
    %dma_start3A_587 = arith.constant 0 : i32
    %dma_start3A_588 = arith.constant 0 : i32
    %dma_start3A_589 = tpu.memref_slice %arg3[%dma_start3A_587, %dma_start3A_588] : memref<400000x32xf32, #tpu.memory_space<hbm>> -> memref<400000x32xf32, #tpu.memory_space<hbm>>
    tpu.enqueue_indirect_dma source(%dma_start3A_589 : memref<400000x32xf32, #tpu.memory_space<hbm>>) target(%dma_start3A_584 : memref<128x32xf32, #tpu.memory_space<vmem>>) offsets(%dma_start3A_586 : memref<128xi32, #tpu.memory_space<vmem>>) semaphore(%arg10 : memref<!tpu.dma_semaphore, #tpu.memory_space<semaphore_mem>>)
    %dma_start3A_590 = arith.constant 0 : i32
    %dma_start3A_591 = arith.constant 0 : i32
    %dma_start3A_592 = arith.constant 0 : i32
    %dma_start3A_593 = tpu.memref_slice %arg8[%dma_start3A_590, %dma_start3A_591, %dma_start3A_592] : memref<2x512x32xf32, #tpu.memory_space<vmem>> -> memref<1x512x32xf32, #tpu.memory_space<vmem>>
    %dma_start3A_594 = tpu.memref_squeeze %dma_start3A_593 : memref<1x512x32xf32, #tpu.memory_space<vmem>> -> memref<512x32xf32, #tpu.memory_space<vmem>>
    %dma_start3A_595 = arith.constant 384 : i32
    %dma_start3A_596 = arith.constant 0 : i32
    %dma_start3A_597 = tpu.memref_slice %dma_start3A_594[%dma_start3A_595, %dma_start3A_596] : memref<512x32xf32, #tpu.memory_space<vmem>> -> memref<128x32xf32, #tpu.memory_space<vmem>>
    %dma_start3A_598 = arith.constant 384 : i32
    %dma_start3A_599 = tpu.memref_slice %arg6[%dma_start3A_598] : memref<25600xi32, #tpu.memory_space<vmem>> -> memref<128xi32, #tpu.memory_space<vmem>>
    %dma_start3A_600 = arith.constant 0 : i32
    %dma_start3A_601 = arith.constant 0 : i32
    %dma_start3A_602 = tpu.memref_slice %arg3[%dma_start3A_600, %dma_start3A_601] : memref<400000x32xf32, #tpu.memory_space<hbm>> -> memref<400000x32xf32, #tpu.memory_space<hbm>>
    tpu.enqueue_indirect_dma source(%dma_start3A_602 : memref<400000x32xf32, #tpu.memory_space<hbm>>) target(%dma_start3A_597 : memref<128x32xf32, #tpu.memory_space<vmem>>) offsets(%dma_start3A_599 : memref<128xi32, #tpu.memory_space<vmem>>) semaphore(%arg10 : memref<!tpu.dma_semaphore, #tpu.memory_space<semaphore_mem>>)
    %scan3A = arith.constant 0 : i32
    %scan3A_603 = arith.constant 0 : i32
    %scan3A_604 = arith.constant 1 : i32
    %scan3A_605 = arith.constant 1 : i32
    %scan3A_606 = arith.constant 0 : i32
    %scan3A_607 = arith.constant 0 : i32
    %scan3A_608 = arith.constant 25 : i32
    %scan3A_609 = arith.addi %scan3A_607, %scan3A_608 : i32
    %scan3A_610 = arith.constant 1 : i32
    scf.for %scan3A_641 = %scan3A_607 to %scan3A_609 step %scan3A_610  : i32 {
      %mul3A_642 = arith.constant 2 : i32
      %mul3A_643 = arith.muli %mul3A_642, %scan3A_641 : i32
      %mul3A_644 = arith.constant 4 : i32
      %mul3A_645 = arith.muli %mul3A_643, %mul3A_644 : i32
      %add3A_646 = arith.constant 4 : i32
      %add3A_647 = arith.addi %mul3A_645, %add3A_646 : i32
      %dma_wait3A_648 = arith.constant 0 : i32
      %dma_wait3A_649 = arith.constant 0 : i32
      %dma_wait3A_650 = tpu.memref_slice %arg8[%scan3A_603, %dma_wait3A_648, %dma_wait3A_649] : memref<2x512x32xf32, #tpu.memory_space<vmem>> -> memref<1x512x32xf32, #tpu.memory_space<vmem>>
      %dma_wait3A_651 = tpu.memref_squeeze %dma_wait3A_650 : memref<1x512x32xf32, #tpu.memory_space<vmem>> -> memref<512x32xf32, #tpu.memory_space<vmem>>
      %dma_wait3A_652 = arith.constant 0 : i32
      %dma_wait3A_653 = arith.constant 0 : i32
      %dma_wait3A_654 = tpu.memref_slice %arg3[%dma_wait3A_652, %dma_wait3A_653] : memref<400000x32xf32, #tpu.memory_space<hbm>> -> memref<512x32xf32, #tpu.memory_space<hbm>>
      %dma_wait3A_655 = arith.constant 0 : i32
      %dma_wait3A_656 = arith.constant 0 : i32
      %dma_wait3A_657 = tpu.memref_slice %arg8[%scan3A_603, %dma_wait3A_655, %dma_wait3A_656] : memref<2x512x32xf32, #tpu.memory_space<vmem>> -> memref<1x512x32xf32, #tpu.memory_space<vmem>>
      %dma_wait3A_658 = tpu.memref_squeeze %dma_wait3A_657 : memref<1x512x32xf32, #tpu.memory_space<vmem>> -> memref<512x32xf32, #tpu.memory_space<vmem>>
      %dma_wait3A_659 = arith.constant 0 : i32
      %dma_wait3A_660 = arith.constant 0 : i32
      %dma_wait3A_661 = tpu.memref_slice %arg3[%dma_wait3A_659, %dma_wait3A_660] : memref<400000x32xf32, #tpu.memory_space<hbm>> -> memref<512x32xf32, #tpu.memory_space<hbm>>
      tpu.wait_dma2 semaphore(%arg10 : memref<!tpu.dma_semaphore, #tpu.memory_space<semaphore_mem>>) src(%dma_wait3A_661 : memref<512x32xf32, #tpu.memory_space<hbm>>) dst(%dma_wait3A_658 : memref<512x32xf32, #tpu.memory_space<vmem>>)
      %gt3A = arith.constant 0 : i32
      %gt3A_662 = arith.cmpi sgt, %scan3A_641, %gt3A : i32
      %convert_element_type3A = arith.extui %gt3A_662 : i1 to i32
      %cond3A = arith.constant 0 : i32
      %cond3A_663 = arith.cmpi ne, %convert_element_type3A, %cond3A : i32
      scf.if %cond3A_663 {
        %dma_wait3A_1251 = arith.constant 0 : i32
        %dma_wait3A_1252 = arith.constant 0 : i32
        %dma_wait3A_1253 = arith.constant 0 : i32
        %dma_wait3A_1254 = tpu.memref_slice %arg9[%scan3A_604, %dma_wait3A_1251, %dma_wait3A_1252, %dma_wait3A_1253] : memref<2x16x8x129xf32, #tpu.memory_space<vmem>> -> memref<1x16x8x129xf32, #tpu.memory_space<vmem>>
        %dma_wait3A_1255 = tpu.memref_squeeze %dma_wait3A_1254 : memref<1x16x8x129xf32, #tpu.memory_space<vmem>> -> memref<16x8x129xf32, #tpu.memory_space<vmem>>
        %dma_wait3A_1256 = arith.constant 0 : i32
        %dma_wait3A_1257 = arith.constant 0 : i32
        %dma_wait3A_1258 = arith.constant 0 : i32
        %dma_wait3A_1259 = tpu.memref_slice %dma_wait3A_1255[%dma_wait3A_1256, %dma_wait3A_1257, %dma_wait3A_1258] : memref<16x8x129xf32, #tpu.memory_space<vmem>> -> memref<16x8x128xf32, #tpu.memory_space<vmem>>
        %dma_wait3A_1260 = arith.constant 0 : i32
        %dma_wait3A_1261 = arith.constant 0 : i32
        %dma_wait3A_1262 = arith.constant 0 : i32
        %dma_wait3A_1263 = tpu.memref_slice %arg5[%dma_wait3A_1260, %add3A, %dma_wait3A_1261, %dma_wait3A_1262] : memref<800x32x8x128xf32, #tpu.memory_space<hbm>> -> memref<16x1x8x128xf32, #tpu.memory_space<hbm>>
        %dma_wait3A_1264 = tpu.memref_squeeze %dma_wait3A_1263 : memref<16x1x8x128xf32, #tpu.memory_space<hbm>> -> memref<16x8x128xf32, #tpu.memory_space<hbm>>
        %dma_wait3A_1265 = arith.constant 0 : i32
        %dma_wait3A_1266 = arith.constant 0 : i32
        %dma_wait3A_1267 = arith.constant 0 : i32
        %dma_wait3A_1268 = tpu.memref_slice %arg5[%dma_wait3A_1265, %add3A, %dma_wait3A_1266, %dma_wait3A_1267] : memref<800x32x8x128xf32, #tpu.memory_space<hbm>> -> memref<16x1x8x128xf32, #tpu.memory_space<hbm>>
        %dma_wait3A_1269 = tpu.memref_squeeze %dma_wait3A_1268 : memref<16x1x8x128xf32, #tpu.memory_space<hbm>> -> memref<16x8x128xf32, #tpu.memory_space<hbm>>
        %dma_wait3A_1270 = arith.constant 0 : i32
        %dma_wait3A_1271 = arith.constant 0 : i32
        %dma_wait3A_1272 = arith.constant 0 : i32
        %dma_wait3A_1273 = tpu.memref_slice %arg9[%scan3A_604, %dma_wait3A_1270, %dma_wait3A_1271, %dma_wait3A_1272] : memref<2x16x8x129xf32, #tpu.memory_space<vmem>> -> memref<1x16x8x129xf32, #tpu.memory_space<vmem>>
        %dma_wait3A_1274 = tpu.memref_squeeze %dma_wait3A_1273 : memref<1x16x8x129xf32, #tpu.memory_space<vmem>> -> memref<16x8x129xf32, #tpu.memory_space<vmem>>
        %dma_wait3A_1275 = arith.constant 0 : i32
        %dma_wait3A_1276 = arith.constant 0 : i32
        %dma_wait3A_1277 = arith.constant 0 : i32
        %dma_wait3A_1278 = tpu.memref_slice %dma_wait3A_1274[%dma_wait3A_1275, %dma_wait3A_1276, %dma_wait3A_1277] : memref<16x8x129xf32, #tpu.memory_space<vmem>> -> memref<16x8x128xf32, #tpu.memory_space<vmem>>
        tpu.wait_dma2 semaphore(%arg13 : memref<!tpu.dma_semaphore, #tpu.memory_space<semaphore_mem>>) src(%dma_wait3A_1278 : memref<16x8x128xf32, #tpu.memory_space<vmem>>) dst(%dma_wait3A_1269 : memref<16x8x128xf32, #tpu.memory_space<hbm>>)
      } else {
      }
      %add3A_664 = arith.constant 0 : i32
      %add3A_665 = arith.addi %add3A_647, %add3A_664 : i32
      %mul3A_666 = arith.constant 128 : i32
      %mul3A_667 = arith.muli %add3A_665, %mul3A_666 : i32
      %dma_start3A_668 = arith.constant 0 : i32
      %dma_start3A_669 = arith.constant 0 : i32
      %dma_start3A_670 = tpu.memref_slice %arg8[%scan3A_605, %dma_start3A_668, %dma_start3A_669] : memref<2x512x32xf32, #tpu.memory_space<vmem>> -> memref<1x512x32xf32, #tpu.memory_space<vmem>>
      %dma_start3A_671 = tpu.memref_squeeze %dma_start3A_670 : memref<1x512x32xf32, #tpu.memory_space<vmem>> -> memref<512x32xf32, #tpu.memory_space<vmem>>
      %dma_start3A_672 = arith.constant 0 : i32
      %dma_start3A_673 = arith.constant 0 : i32
      %dma_start3A_674 = tpu.memref_slice %dma_start3A_671[%dma_start3A_672, %dma_start3A_673] : memref<512x32xf32, #tpu.memory_space<vmem>> -> memref<128x32xf32, #tpu.memory_space<vmem>>
      %dma_start3A_675 = tpu.memref_slice %arg6[%mul3A_667] : memref<25600xi32, #tpu.memory_space<vmem>> -> memref<128xi32, #tpu.memory_space<vmem>>
      %dma_start3A_676 = arith.constant 0 : i32
      %dma_start3A_677 = arith.constant 0 : i32
      %dma_start3A_678 = tpu.memref_slice %arg3[%dma_start3A_676, %dma_start3A_677] : memref<400000x32xf32, #tpu.memory_space<hbm>> -> memref<400000x32xf32, #tpu.memory_space<hbm>>
      tpu.enqueue_indirect_dma source(%dma_start3A_678 : memref<400000x32xf32, #tpu.memory_space<hbm>>) target(%dma_start3A_674 : memref<128x32xf32, #tpu.memory_space<vmem>>) offsets(%dma_start3A_675 : memref<128xi32, #tpu.memory_space<vmem>>) semaphore(%arg11 : memref<!tpu.dma_semaphore, #tpu.memory_space<semaphore_mem>>)
      %add3A_679 = arith.constant 1 : i32
      %add3A_680 = arith.addi %add3A_647, %add3A_679 : i32
      %mul3A_681 = arith.constant 128 : i32
      %mul3A_682 = arith.muli %add3A_680, %mul3A_681 : i32
      %dma_start3A_683 = arith.constant 0 : i32
      %dma_start3A_684 = arith.constant 0 : i32
      %dma_start3A_685 = tpu.memref_slice %arg8[%scan3A_605, %dma_start3A_683, %dma_start3A_684] : memref<2x512x32xf32, #tpu.memory_space<vmem>> -> memref<1x512x32xf32, #tpu.memory_space<vmem>>
      %dma_start3A_686 = tpu.memref_squeeze %dma_start3A_685 : memref<1x512x32xf32, #tpu.memory_space<vmem>> -> memref<512x32xf32, #tpu.memory_space<vmem>>
      %dma_start3A_687 = arith.constant 128 : i32
      %dma_start3A_688 = arith.constant 0 : i32
      %dma_start3A_689 = tpu.memref_slice %dma_start3A_686[%dma_start3A_687, %dma_start3A_688] : memref<512x32xf32, #tpu.memory_space<vmem>> -> memref<128x32xf32, #tpu.memory_space<vmem>>
      %dma_start3A_690 = tpu.memref_slice %arg6[%mul3A_682] : memref<25600xi32, #tpu.memory_space<vmem>> -> memref<128xi32, #tpu.memory_space<vmem>>
      %dma_start3A_691 = arith.constant 0 : i32
      %dma_start3A_692 = arith.constant 0 : i32
      %dma_start3A_693 = tpu.memref_slice %arg3[%dma_start3A_691, %dma_start3A_692] : memref<400000x32xf32, #tpu.memory_space<hbm>> -> memref<400000x32xf32, #tpu.memory_space<hbm>>
      tpu.enqueue_indirect_dma source(%dma_start3A_693 : memref<400000x32xf32, #tpu.memory_space<hbm>>) target(%dma_start3A_689 : memref<128x32xf32, #tpu.memory_space<vmem>>) offsets(%dma_start3A_690 : memref<128xi32, #tpu.memory_space<vmem>>) semaphore(%arg11 : memref<!tpu.dma_semaphore, #tpu.memory_space<semaphore_mem>>)
      %add3A_694 = arith.constant 2 : i32
      %add3A_695 = arith.addi %add3A_647, %add3A_694 : i32
      %mul3A_696 = arith.constant 128 : i32
      %mul3A_697 = arith.muli %add3A_695, %mul3A_696 : i32
      %dma_start3A_698 = arith.constant 0 : i32
      %dma_start3A_699 = arith.constant 0 : i32
      %dma_start3A_700 = tpu.memref_slice %arg8[%scan3A_605, %dma_start3A_698, %dma_start3A_699] : memref<2x512x32xf32, #tpu.memory_space<vmem>> -> memref<1x512x32xf32, #tpu.memory_space<vmem>>
      %dma_start3A_701 = tpu.memref_squeeze %dma_start3A_700 : memref<1x512x32xf32, #tpu.memory_space<vmem>> -> memref<512x32xf32, #tpu.memory_space<vmem>>
      %dma_start3A_702 = arith.constant 256 : i32
      %dma_start3A_703 = arith.constant 0 : i32
      %dma_start3A_704 = tpu.memref_slice %dma_start3A_701[%dma_start3A_702, %dma_start3A_703] : memref<512x32xf32, #tpu.memory_space<vmem>> -> memref<128x32xf32, #tpu.memory_space<vmem>>
      %dma_start3A_705 = tpu.memref_slice %arg6[%mul3A_697] : memref<25600xi32, #tpu.memory_space<vmem>> -> memref<128xi32, #tpu.memory_space<vmem>>
      %dma_start3A_706 = arith.constant 0 : i32
      %dma_start3A_707 = arith.constant 0 : i32
      %dma_start3A_708 = tpu.memref_slice %arg3[%dma_start3A_706, %dma_start3A_707] : memref<400000x32xf32, #tpu.memory_space<hbm>> -> memref<400000x32xf32, #tpu.memory_space<hbm>>
      tpu.enqueue_indirect_dma source(%dma_start3A_708 : memref<400000x32xf32, #tpu.memory_space<hbm>>) target(%dma_start3A_704 : memref<128x32xf32, #tpu.memory_space<vmem>>) offsets(%dma_start3A_705 : memref<128xi32, #tpu.memory_space<vmem>>) semaphore(%arg11 : memref<!tpu.dma_semaphore, #tpu.memory_space<semaphore_mem>>)
      %add3A_709 = arith.constant 3 : i32
      %add3A_710 = arith.addi %add3A_647, %add3A_709 : i32
      %mul3A_711 = arith.constant 128 : i32
      %mul3A_712 = arith.muli %add3A_710, %mul3A_711 : i32
      %dma_start3A_713 = arith.constant 0 : i32
      %dma_start3A_714 = arith.constant 0 : i32
      %dma_start3A_715 = tpu.memref_slice %arg8[%scan3A_605, %dma_start3A_713, %dma_start3A_714] : memref<2x512x32xf32, #tpu.memory_space<vmem>> -> memref<1x512x32xf32, #tpu.memory_space<vmem>>
      %dma_start3A_716 = tpu.memref_squeeze %dma_start3A_715 : memref<1x512x32xf32, #tpu.memory_space<vmem>> -> memref<512x32xf32, #tpu.memory_space<vmem>>
      %dma_start3A_717 = arith.constant 384 : i32
      %dma_start3A_718 = arith.constant 0 : i32
      %dma_start3A_719 = tpu.memref_slice %dma_start3A_716[%dma_start3A_717, %dma_start3A_718] : memref<512x32xf32, #tpu.memory_space<vmem>> -> memref<128x32xf32, #tpu.memory_space<vmem>>
      %dma_start3A_720 = tpu.memref_slice %arg6[%mul3A_712] : memref<25600xi32, #tpu.memory_space<vmem>> -> memref<128xi32, #tpu.memory_space<vmem>>
      %dma_start3A_721 = arith.constant 0 : i32
      %dma_start3A_722 = arith.constant 0 : i32
      %dma_start3A_723 = tpu.memref_slice %arg3[%dma_start3A_721, %dma_start3A_722] : memref<400000x32xf32, #tpu.memory_space<hbm>> -> memref<400000x32xf32, #tpu.memory_space<hbm>>
      tpu.enqueue_indirect_dma source(%dma_start3A_723 : memref<400000x32xf32, #tpu.memory_space<hbm>>) target(%dma_start3A_719 : memref<128x32xf32, #tpu.memory_space<vmem>>) offsets(%dma_start3A_720 : memref<128xi32, #tpu.memory_space<vmem>>) semaphore(%arg11 : memref<!tpu.dma_semaphore, #tpu.memory_space<semaphore_mem>>)
      %iota3A = tpu.iota {dimensions = array<i32: 0>} : vector<16xi32>
      %jit3A = arith.constant 8 : i32
      %eq3A = arith.constant 0 : i32
      %eq3A_724 = arith.cmpi eq, %jit3A, %eq3A : i32
      %jit3A_725 = arith.constant 1 : i32
      %select_n3A = arith.select %eq3A_724, %jit3A_725, %jit3A : i32
      %rem3A = vector.broadcast %select_n3A : i32 to vector<16xi32>
      %rem3A_726 = arith.remsi %iota3A, %rem3A : vector<16xi32>
      %ne3A = arith.constant 0 : i32
      %ne3A_727 = vector.broadcast %ne3A : i32 to vector<16xi32>
      %ne3A_728 = arith.cmpi ne, %rem3A_726, %ne3A_727 : vector<16xi32>
      %lt3A = arith.constant 0 : i32
      %lt3A_729 = vector.broadcast %lt3A : i32 to vector<16xi32>
      %lt3A_730 = arith.cmpi slt, %rem3A_726, %lt3A_729 : vector<16xi32>
      %lt3A_731 = arith.constant 0 : i32
      %lt3A_732 = arith.cmpi slt, %select_n3A, %lt3A_731 : i32
      %ne3A_733 = vector.broadcast %lt3A_732 : i1 to vector<16xi1>
      %ne3A_734 = vector.broadcast %ne3A_733 : vector<16xi1> to vector<16xi1>
      %ne3A_735 = arith.xori %lt3A_730, %ne3A_734 : vector<16xi1>
      %and3A = arith.andi %ne3A_735, %ne3A_728 : vector<16xi1>
      %add3A_736 = vector.broadcast %select_n3A : i32 to vector<16xi32>
      %add3A_737 = arith.addi %rem3A_726, %add3A_736 : vector<16xi32>
      %select_n3A_738 = arith.select %and3A, %add3A_737, %rem3A_726 : vector<16xi1>, vector<16xi32>
      %mul3A_739 = arith.constant 0 : i32
      %mul3A_740 = vector.broadcast %mul3A_739 : i32 to vector<16xi32>
      %mul3A_741 = arith.muli %iota3A, %mul3A_740 : vector<16xi32>
      %add3A_742 = arith.constant 0 : i32
      %add3A_743 = arith.addi %mul3A_645, %add3A_742 : i32
      %get3A = arith.index_cast %add3A_743 : i32 to index
      %get3A_744 = arith.constant 0 : index
      %get3A_745 = tpu.vector_load %arg7[%get3A, %get3A_744] {strides = array<i32>} : memref<200x32xf32, #tpu.memory_space<vmem>>, vector<16xf32>,
      %get3A_746 = arith.index_cast %add3A_743 : i32 to index
      %get3A_747 = arith.constant 16 : index
      %get3A_748 = tpu.vector_load %arg7[%get3A_746, %get3A_747] {strides = array<i32>} : memref<200x32xf32, #tpu.memory_space<vmem>>, vector<16xf32>,
      %jit3A_749 = arith.constant 8 : i32
      %div3A = vector.broadcast %jit3A_749 : i32 to vector<16xi32>
      %div3A_750 = arith.divsi %iota3A, %div3A : vector<16xi32>
      %sign3A = arith.constant 0 : i32
      %sign3A_751 = vector.broadcast %sign3A : i32 to vector<16xi32>
      %sign3A_752 = arith.cmpi sgt, %iota3A, %sign3A_751 : vector<16xi32>
      %sign3A_753 = arith.extui %sign3A_752 : vector<16xi1> to vector<16xi32>
      %sign3A_754 = arith.constant 0 : i32
      %sign3A_755 = vector.broadcast %sign3A_754 : i32 to vector<16xi32>
      %sign3A_756 = arith.cmpi slt, %iota3A, %sign3A_755 : vector<16xi32>
      %sign3A_757 = arith.extui %sign3A_756 : vector<16xi1> to vector<16xi32>
      %sign3A_758 = arith.subi %sign3A_753, %sign3A_757 : vector<16xi32>
      %sign3A_759 = arith.constant 0 : i32
      %sign3A_760 = arith.cmpi sgt, %jit3A_749, %sign3A_759 : i32
      %sign3A_761 = arith.extui %sign3A_760 : i1 to i32
      %sign3A_762 = arith.constant 0 : i32
      %sign3A_763 = arith.cmpi slt, %jit3A_749, %sign3A_762 : i32
      %sign3A_764 = arith.extui %sign3A_763 : i1 to i32
      %sign3A_765 = arith.subi %sign3A_761, %sign3A_764 : i32
      %ne3A_766 = vector.broadcast %sign3A_765 : i32 to vector<16xi32>
      %ne3A_767 = arith.cmpi ne, %sign3A_758, %ne3A_766 : vector<16xi32>
      %rem3A_768 = vector.broadcast %jit3A_749 : i32 to vector<16xi32>
      %rem3A_769 = arith.remsi %iota3A, %rem3A_768 : vector<16xi32>
      %ne3A_770 = arith.constant 0 : i32
      %ne3A_771 = vector.broadcast %ne3A_770 : i32 to vector<16xi32>
      %ne3A_772 = arith.cmpi ne, %rem3A_769, %ne3A_771 : vector<16xi32>
      %and3A_773 = arith.andi %ne3A_767, %ne3A_772 : vector<16xi1>
      %sub3A = arith.constant 1 : i32
      %sub3A_774 = vector.broadcast %sub3A : i32 to vector<16xi32>
      %sub3A_775 = arith.subi %div3A_750, %sub3A_774 : vector<16xi32>
      %select_n3A_776 = arith.select %and3A_773, %sub3A_775, %div3A_750 : vector<16xi1>, vector<16xi32>
      %add3A_777 = arith.constant 0 : i32
      %add3A_778 = vector.broadcast %add3A_777 : i32 to vector<16xi32>
      %add3A_779 = arith.addi %add3A_778, %select_n3A_776 : vector<16xi32>
      %add3A_780 = arith.constant 2 : i32
      %add3A_781 = vector.broadcast %add3A_780 : i32 to vector<16xi32>
      %add3A_782 = arith.addi %add3A_779, %add3A_781 : vector<16xi32>
      %parallel_loop3A_783 = arith.constant 0 : i32
      %parallel_loop3A_784 = arith.constant 128 : i32
      %parallel_loop3A_785 = arith.constant 1 : i32
      scf.for %parallel_loop3A_1251 = %parallel_loop3A_783 to %parallel_loop3A_784 step %parallel_loop3A_785  : i32 {
        %parallel_loop3A_1252 = arith.constant 0 : i32
        %parallel_loop3A_1253 = arith.addi %parallel_loop3A_1252, %parallel_loop3A_1251 : i32
        %parallel_loop3A_1254 = arith.constant 0 : i32
        %parallel_loop3A_1255 = arith.constant 0 : i32
        %parallel_loop3A_1256 = tpu.memref_slice %arg8[%scan3A_603, %parallel_loop3A_1254, %parallel_loop3A_1255] : memref<2x512x32xf32, #tpu.memory_space<vmem>> -> memref<1x512x32xf32, #tpu.memory_space<vmem>>
        %parallel_loop3A_1257 = tpu.memref_squeeze %parallel_loop3A_1256 : memref<1x512x32xf32, #tpu.memory_space<vmem>> -> memref<512x32xf32, #tpu.memory_space<vmem>>
        %parallel_loop3A_1258 = arith.index_cast %parallel_loop3A_1253 : i32 to index
        %parallel_loop3A_1259 = arith.constant 0 : index
        %parallel_loop3A_1260 = tpu.vector_load %parallel_loop3A_1257[%parallel_loop3A_1258, %parallel_loop3A_1259] {strides = array<i32>} : memref<512x32xf32, #tpu.memory_space<vmem>>, vector<16xf32>,
        %parallel_loop3A_1261 = arith.constant 0 : i32
        %parallel_loop3A_1262 = arith.addi %parallel_loop3A_1261, %parallel_loop3A_1251 : i32
        %parallel_loop3A_1263 = arith.constant 0 : i32
        %parallel_loop3A_1264 = arith.constant 0 : i32
        %parallel_loop3A_1265 = tpu.memref_slice %arg8[%scan3A_603, %parallel_loop3A_1263, %parallel_loop3A_1264] : memref<2x512x32xf32, #tpu.memory_space<vmem>> -> memref<1x512x32xf32, #tpu.memory_space<vmem>>
        %parallel_loop3A_1266 = tpu.memref_squeeze %parallel_loop3A_1265 : memref<1x512x32xf32, #tpu.memory_space<vmem>> -> memref<512x32xf32, #tpu.memory_space<vmem>>
        %parallel_loop3A_1267 = arith.index_cast %parallel_loop3A_1262 : i32 to index
        %parallel_loop3A_1268 = arith.constant 16 : index
        %parallel_loop3A_1269 = tpu.vector_load %parallel_loop3A_1266[%parallel_loop3A_1267, %parallel_loop3A_1268] {strides = array<i32>} : memref<512x32xf32, #tpu.memory_space<vmem>>, vector<16xf32>,
        %parallel_loop3A_1270 = vector.broadcast %parallel_loop3A_1251 : i32 to vector<16xi32>
        %parallel_loop3A_1271 = arith.addi %mul3A_741, %parallel_loop3A_1270 : vector<16xi32>
        %parallel_loop3A_1272 = arith.addf %parallel_loop3A_1260, %get3A_745 : vector<16xf32>
        %parallel_loop3A_1273 = arith.constant 0 : i32
        %parallel_loop3A_1274 = arith.constant 0 : i32
        %parallel_loop3A_1275 = arith.constant 0 : i32
        %parallel_loop3A_1276 = tpu.memref_slice %arg9[%scan3A_606, %parallel_loop3A_1273, %parallel_loop3A_1274, %parallel_loop3A_1275] : memref<2x16x8x129xf32, #tpu.memory_space<vmem>> -> memref<1x16x8x129xf32, #tpu.memory_space<vmem>>
        %parallel_loop3A_1277 = tpu.memref_squeeze %parallel_loop3A_1276 : memref<1x16x8x129xf32, #tpu.memory_space<vmem>> -> memref<16x8x129xf32, #tpu.memory_space<vmem>>
        tpu.vector_store_idx %parallel_loop3A_1277[%add3A_779, %select_n3A_738, %parallel_loop3A_1271], %parallel_loop3A_1272 : memref<16x8x129xf32, #tpu.memory_space<vmem>>[vector<16xi32>, vector<16xi32>, vector<16xi32>], vector<16xf32>,
        %parallel_loop3A_1278 = arith.addf %parallel_loop3A_1269, %get3A_748 : vector<16xf32>
        %parallel_loop3A_1279 = arith.constant 0 : i32
        %parallel_loop3A_1280 = arith.constant 0 : i32
        %parallel_loop3A_1281 = arith.constant 0 : i32
        %parallel_loop3A_1282 = tpu.memref_slice %arg9[%scan3A_606, %parallel_loop3A_1279, %parallel_loop3A_1280, %parallel_loop3A_1281] : memref<2x16x8x129xf32, #tpu.memory_space<vmem>> -> memref<1x16x8x129xf32, #tpu.memory_space<vmem>>
        %parallel_loop3A_1283 = tpu.memref_squeeze %parallel_loop3A_1282 : memref<1x16x8x129xf32, #tpu.memory_space<vmem>> -> memref<16x8x129xf32, #tpu.memory_space<vmem>>
        tpu.vector_store_idx %parallel_loop3A_1283[%add3A_782, %select_n3A_738, %parallel_loop3A_1271], %parallel_loop3A_1278 : memref<16x8x129xf32, #tpu.memory_space<vmem>>[vector<16xi32>, vector<16xi32>, vector<16xi32>], vector<16xf32>,
      } {sc.loop_unroll_factor = 8 : i64, sc.parallel_access}
      %add3A_786 = arith.constant 1 : i32
      %add3A_787 = arith.addi %mul3A_645, %add3A_786 : i32
      %get3A_788 = arith.index_cast %add3A_787 : i32 to index
      %get3A_789 = arith.constant 0 : index
      %get3A_790 = tpu.vector_load %arg7[%get3A_788, %get3A_789] {strides = array<i32>} : memref<200x32xf32, #tpu.memory_space<vmem>>, vector<16xf32>,
      %get3A_791 = arith.index_cast %add3A_787 : i32 to index
      %get3A_792 = arith.constant 16 : index
      %get3A_793 = tpu.vector_load %arg7[%get3A_791, %get3A_792] {strides = array<i32>} : memref<200x32xf32, #tpu.memory_space<vmem>>, vector<16xf32>,
      %jit3A_794 = arith.constant 8 : i32
      %div3A_795 = vector.broadcast %jit3A_794 : i32 to vector<16xi32>
      %div3A_796 = arith.divsi %iota3A, %div3A_795 : vector<16xi32>
      %sign3A_797 = arith.constant 0 : i32
      %sign3A_798 = vector.broadcast %sign3A_797 : i32 to vector<16xi32>
      %sign3A_799 = arith.cmpi sgt, %iota3A, %sign3A_798 : vector<16xi32>
      %sign3A_800 = arith.extui %sign3A_799 : vector<16xi1> to vector<16xi32>
      %sign3A_801 = arith.constant 0 : i32
      %sign3A_802 = vector.broadcast %sign3A_801 : i32 to vector<16xi32>
      %sign3A_803 = arith.cmpi slt, %iota3A, %sign3A_802 : vector<16xi32>
      %sign3A_804 = arith.extui %sign3A_803 : vector<16xi1> to vector<16xi32>
      %sign3A_805 = arith.subi %sign3A_800, %sign3A_804 : vector<16xi32>
      %sign3A_806 = arith.constant 0 : i32
      %sign3A_807 = arith.cmpi sgt, %jit3A_794, %sign3A_806 : i32
      %sign3A_808 = arith.extui %sign3A_807 : i1 to i32
      %sign3A_809 = arith.constant 0 : i32
      %sign3A_810 = arith.cmpi slt, %jit3A_794, %sign3A_809 : i32
      %sign3A_811 = arith.extui %sign3A_810 : i1 to i32
      %sign3A_812 = arith.subi %sign3A_808, %sign3A_811 : i32
      %ne3A_813 = vector.broadcast %sign3A_812 : i32 to vector<16xi32>
      %ne3A_814 = arith.cmpi ne, %sign3A_805, %ne3A_813 : vector<16xi32>
      %rem3A_815 = vector.broadcast %jit3A_794 : i32 to vector<16xi32>
      %rem3A_816 = arith.remsi %iota3A, %rem3A_815 : vector<16xi32>
      %ne3A_817 = arith.constant 0 : i32
      %ne3A_818 = vector.broadcast %ne3A_817 : i32 to vector<16xi32>
      %ne3A_819 = arith.cmpi ne, %rem3A_816, %ne3A_818 : vector<16xi32>
      %and3A_820 = arith.andi %ne3A_814, %ne3A_819 : vector<16xi1>
      %sub3A_821 = arith.constant 1 : i32
      %sub3A_822 = vector.broadcast %sub3A_821 : i32 to vector<16xi32>
      %sub3A_823 = arith.subi %div3A_796, %sub3A_822 : vector<16xi32>
      %select_n3A_824 = arith.select %and3A_820, %sub3A_823, %div3A_796 : vector<16xi1>, vector<16xi32>
      %add3A_825 = arith.constant 4 : i32
      %add3A_826 = vector.broadcast %add3A_825 : i32 to vector<16xi32>
      %add3A_827 = arith.addi %add3A_826, %select_n3A_824 : vector<16xi32>
      %add3A_828 = arith.constant 2 : i32
      %add3A_829 = vector.broadcast %add3A_828 : i32 to vector<16xi32>
      %add3A_830 = arith.addi %add3A_827, %add3A_829 : vector<16xi32>
      %parallel_loop3A_831 = arith.constant 0 : i32
      %parallel_loop3A_832 = arith.constant 128 : i32
      %parallel_loop3A_833 = arith.constant 1 : i32
      scf.for %parallel_loop3A_1251 = %parallel_loop3A_831 to %parallel_loop3A_832 step %parallel_loop3A_833  : i32 {
        %parallel_loop3A_1252 = arith.constant 128 : i32
        %parallel_loop3A_1253 = arith.addi %parallel_loop3A_1252, %parallel_loop3A_1251 : i32
        %parallel_loop3A_1254 = arith.constant 0 : i32
        %parallel_loop3A_1255 = arith.constant 0 : i32
        %parallel_loop3A_1256 = tpu.memref_slice %arg8[%scan3A_603, %parallel_loop3A_1254, %parallel_loop3A_1255] : memref<2x512x32xf32, #tpu.memory_space<vmem>> -> memref<1x512x32xf32, #tpu.memory_space<vmem>>
        %parallel_loop3A_1257 = tpu.memref_squeeze %parallel_loop3A_1256 : memref<1x512x32xf32, #tpu.memory_space<vmem>> -> memref<512x32xf32, #tpu.memory_space<vmem>>
        %parallel_loop3A_1258 = arith.index_cast %parallel_loop3A_1253 : i32 to index
        %parallel_loop3A_1259 = arith.constant 0 : index
        %parallel_loop3A_1260 = tpu.vector_load %parallel_loop3A_1257[%parallel_loop3A_1258, %parallel_loop3A_1259] {strides = array<i32>} : memref<512x32xf32, #tpu.memory_space<vmem>>, vector<16xf32>,
        %parallel_loop3A_1261 = arith.constant 128 : i32
        %parallel_loop3A_1262 = arith.addi %parallel_loop3A_1261, %parallel_loop3A_1251 : i32
        %parallel_loop3A_1263 = arith.constant 0 : i32
        %parallel_loop3A_1264 = arith.constant 0 : i32
        %parallel_loop3A_1265 = tpu.memref_slice %arg8[%scan3A_603, %parallel_loop3A_1263, %parallel_loop3A_1264] : memref<2x512x32xf32, #tpu.memory_space<vmem>> -> memref<1x512x32xf32, #tpu.memory_space<vmem>>
        %parallel_loop3A_1266 = tpu.memref_squeeze %parallel_loop3A_1265 : memref<1x512x32xf32, #tpu.memory_space<vmem>> -> memref<512x32xf32, #tpu.memory_space<vmem>>
        %parallel_loop3A_1267 = arith.index_cast %parallel_loop3A_1262 : i32 to index
        %parallel_loop3A_1268 = arith.constant 16 : index
        %parallel_loop3A_1269 = tpu.vector_load %parallel_loop3A_1266[%parallel_loop3A_1267, %parallel_loop3A_1268] {strides = array<i32>} : memref<512x32xf32, #tpu.memory_space<vmem>>, vector<16xf32>,
        %parallel_loop3A_1270 = vector.broadcast %parallel_loop3A_1251 : i32 to vector<16xi32>
        %parallel_loop3A_1271 = arith.addi %mul3A_741, %parallel_loop3A_1270 : vector<16xi32>
        %parallel_loop3A_1272 = arith.addf %parallel_loop3A_1260, %get3A_790 : vector<16xf32>
        %parallel_loop3A_1273 = arith.constant 0 : i32
        %parallel_loop3A_1274 = arith.constant 0 : i32
        %parallel_loop3A_1275 = arith.constant 0 : i32
        %parallel_loop3A_1276 = tpu.memref_slice %arg9[%scan3A_606, %parallel_loop3A_1273, %parallel_loop3A_1274, %parallel_loop3A_1275] : memref<2x16x8x129xf32, #tpu.memory_space<vmem>> -> memref<1x16x8x129xf32, #tpu.memory_space<vmem>>
        %parallel_loop3A_1277 = tpu.memref_squeeze %parallel_loop3A_1276 : memref<1x16x8x129xf32, #tpu.memory_space<vmem>> -> memref<16x8x129xf32, #tpu.memory_space<vmem>>
        tpu.vector_store_idx %parallel_loop3A_1277[%add3A_827, %select_n3A_738, %parallel_loop3A_1271], %parallel_loop3A_1272 : memref<16x8x129xf32, #tpu.memory_space<vmem>>[vector<16xi32>, vector<16xi32>, vector<16xi32>], vector<16xf32>,
        %parallel_loop3A_1278 = arith.addf %parallel_loop3A_1269, %get3A_793 : vector<16xf32>
        %parallel_loop3A_1279 = arith.constant 0 : i32
        %parallel_loop3A_1280 = arith.constant 0 : i32
        %parallel_loop3A_1281 = arith.constant 0 : i32
        %parallel_loop3A_1282 = tpu.memref_slice %arg9[%scan3A_606, %parallel_loop3A_1279, %parallel_loop3A_1280, %parallel_loop3A_1281] : memref<2x16x8x129xf32, #tpu.memory_space<vmem>> -> memref<1x16x8x129xf32, #tpu.memory_space<vmem>>
        %parallel_loop3A_1283 = tpu.memref_squeeze %parallel_loop3A_1282 : memref<1x16x8x129xf32, #tpu.memory_space<vmem>> -> memref<16x8x129xf32, #tpu.memory_space<vmem>>
        tpu.vector_store_idx %parallel_loop3A_1283[%add3A_830, %select_n3A_738, %parallel_loop3A_1271], %parallel_loop3A_1278 : memref<16x8x129xf32, #tpu.memory_space<vmem>>[vector<16xi32>, vector<16xi32>, vector<16xi32>], vector<16xf32>,
      } {sc.loop_unroll_factor = 8 : i64, sc.parallel_access}
      %add3A_834 = arith.constant 2 : i32
      %add3A_835 = arith.addi %mul3A_645, %add3A_834 : i32
      %get3A_836 = arith.index_cast %add3A_835 : i32 to index
      %get3A_837 = arith.constant 0 : index
      %get3A_838 = tpu.vector_load %arg7[%get3A_836, %get3A_837] {strides = array<i32>} : memref<200x32xf32, #tpu.memory_space<vmem>>, vector<16xf32>,
      %get3A_839 = arith.index_cast %add3A_835 : i32 to index
      %get3A_840 = arith.constant 16 : index
      %get3A_841 = tpu.vector_load %arg7[%get3A_839, %get3A_840] {strides = array<i32>} : memref<200x32xf32, #tpu.memory_space<vmem>>, vector<16xf32>,
      %jit3A_842 = arith.constant 8 : i32
      %div3A_843 = vector.broadcast %jit3A_842 : i32 to vector<16xi32>
      %div3A_844 = arith.divsi %iota3A, %div3A_843 : vector<16xi32>
      %sign3A_845 = arith.constant 0 : i32
      %sign3A_846 = vector.broadcast %sign3A_845 : i32 to vector<16xi32>
      %sign3A_847 = arith.cmpi sgt, %iota3A, %sign3A_846 : vector<16xi32>
      %sign3A_848 = arith.extui %sign3A_847 : vector<16xi1> to vector<16xi32>
      %sign3A_849 = arith.constant 0 : i32
      %sign3A_850 = vector.broadcast %sign3A_849 : i32 to vector<16xi32>
      %sign3A_851 = arith.cmpi slt, %iota3A, %sign3A_850 : vector<16xi32>
      %sign3A_852 = arith.extui %sign3A_851 : vector<16xi1> to vector<16xi32>
      %sign3A_853 = arith.subi %sign3A_848, %sign3A_852 : vector<16xi32>
      %sign3A_854 = arith.constant 0 : i32
      %sign3A_855 = arith.cmpi sgt, %jit3A_842, %sign3A_854 : i32
      %sign3A_856 = arith.extui %sign3A_855 : i1 to i32
      %sign3A_857 = arith.constant 0 : i32
      %sign3A_858 = arith.cmpi slt, %jit3A_842, %sign3A_857 : i32
      %sign3A_859 = arith.extui %sign3A_858 : i1 to i32
      %sign3A_860 = arith.subi %sign3A_856, %sign3A_859 : i32
      %ne3A_861 = vector.broadcast %sign3A_860 : i32 to vector<16xi32>
      %ne3A_862 = arith.cmpi ne, %sign3A_853, %ne3A_861 : vector<16xi32>
      %rem3A_863 = vector.broadcast %jit3A_842 : i32 to vector<16xi32>
      %rem3A_864 = arith.remsi %iota3A, %rem3A_863 : vector<16xi32>
      %ne3A_865 = arith.constant 0 : i32
      %ne3A_866 = vector.broadcast %ne3A_865 : i32 to vector<16xi32>
      %ne3A_867 = arith.cmpi ne, %rem3A_864, %ne3A_866 : vector<16xi32>
      %and3A_868 = arith.andi %ne3A_862, %ne3A_867 : vector<16xi1>
      %sub3A_869 = arith.constant 1 : i32
      %sub3A_870 = vector.broadcast %sub3A_869 : i32 to vector<16xi32>
      %sub3A_871 = arith.subi %div3A_844, %sub3A_870 : vector<16xi32>
      %select_n3A_872 = arith.select %and3A_868, %sub3A_871, %div3A_844 : vector<16xi1>, vector<16xi32>
      %add3A_873 = arith.constant 8 : i32
      %add3A_874 = vector.broadcast %add3A_873 : i32 to vector<16xi32>
      %add3A_875 = arith.addi %add3A_874, %select_n3A_872 : vector<16xi32>
      %add3A_876 = arith.constant 2 : i32
      %add3A_877 = vector.broadcast %add3A_876 : i32 to vector<16xi32>
      %add3A_878 = arith.addi %add3A_875, %add3A_877 : vector<16xi32>
      %parallel_loop3A_879 = arith.constant 0 : i32
      %parallel_loop3A_880 = arith.constant 128 : i32
      %parallel_loop3A_881 = arith.constant 1 : i32
      scf.for %parallel_loop3A_1251 = %parallel_loop3A_879 to %parallel_loop3A_880 step %parallel_loop3A_881  : i32 {
        %parallel_loop3A_1252 = arith.constant 256 : i32
        %parallel_loop3A_1253 = arith.addi %parallel_loop3A_1252, %parallel_loop3A_1251 : i32
        %parallel_loop3A_1254 = arith.constant 0 : i32
        %parallel_loop3A_1255 = arith.constant 0 : i32
        %parallel_loop3A_1256 = tpu.memref_slice %arg8[%scan3A_603, %parallel_loop3A_1254, %parallel_loop3A_1255] : memref<2x512x32xf32, #tpu.memory_space<vmem>> -> memref<1x512x32xf32, #tpu.memory_space<vmem>>
        %parallel_loop3A_1257 = tpu.memref_squeeze %parallel_loop3A_1256 : memref<1x512x32xf32, #tpu.memory_space<vmem>> -> memref<512x32xf32, #tpu.memory_space<vmem>>
        %parallel_loop3A_1258 = arith.index_cast %parallel_loop3A_1253 : i32 to index
        %parallel_loop3A_1259 = arith.constant 0 : index
        %parallel_loop3A_1260 = tpu.vector_load %parallel_loop3A_1257[%parallel_loop3A_1258, %parallel_loop3A_1259] {strides = array<i32>} : memref<512x32xf32, #tpu.memory_space<vmem>>, vector<16xf32>,
        %parallel_loop3A_1261 = arith.constant 256 : i32
        %parallel_loop3A_1262 = arith.addi %parallel_loop3A_1261, %parallel_loop3A_1251 : i32
        %parallel_loop3A_1263 = arith.constant 0 : i32
        %parallel_loop3A_1264 = arith.constant 0 : i32
        %parallel_loop3A_1265 = tpu.memref_slice %arg8[%scan3A_603, %parallel_loop3A_1263, %parallel_loop3A_1264] : memref<2x512x32xf32, #tpu.memory_space<vmem>> -> memref<1x512x32xf32, #tpu.memory_space<vmem>>
        %parallel_loop3A_1266 = tpu.memref_squeeze %parallel_loop3A_1265 : memref<1x512x32xf32, #tpu.memory_space<vmem>> -> memref<512x32xf32, #tpu.memory_space<vmem>>
        %parallel_loop3A_1267 = arith.index_cast %parallel_loop3A_1262 : i32 to index
        %parallel_loop3A_1268 = arith.constant 16 : index
        %parallel_loop3A_1269 = tpu.vector_load %parallel_loop3A_1266[%parallel_loop3A_1267, %parallel_loop3A_1268] {strides = array<i32>} : memref<512x32xf32, #tpu.memory_space<vmem>>, vector<16xf32>,
        %parallel_loop3A_1270 = vector.broadcast %parallel_loop3A_1251 : i32 to vector<16xi32>
        %parallel_loop3A_1271 = arith.addi %mul3A_741, %parallel_loop3A_1270 : vector<16xi32>
        %parallel_loop3A_1272 = arith.addf %parallel_loop3A_1260, %get3A_838 : vector<16xf32>
        %parallel_loop3A_1273 = arith.constant 0 : i32
        %parallel_loop3A_1274 = arith.constant 0 : i32
        %parallel_loop3A_1275 = arith.constant 0 : i32
        %parallel_loop3A_1276 = tpu.memref_slice %arg9[%scan3A_606, %parallel_loop3A_1273, %parallel_loop3A_1274, %parallel_loop3A_1275] : memref<2x16x8x129xf32, #tpu.memory_space<vmem>> -> memref<1x16x8x129xf32, #tpu.memory_space<vmem>>
        %parallel_loop3A_1277 = tpu.memref_squeeze %parallel_loop3A_1276 : memref<1x16x8x129xf32, #tpu.memory_space<vmem>> -> memref<16x8x129xf32, #tpu.memory_space<vmem>>
        tpu.vector_store_idx %parallel_loop3A_1277[%add3A_875, %select_n3A_738, %parallel_loop3A_1271], %parallel_loop3A_1272 : memref<16x8x129xf32, #tpu.memory_space<vmem>>[vector<16xi32>, vector<16xi32>, vector<16xi32>], vector<16xf32>,
        %parallel_loop3A_1278 = arith.addf %parallel_loop3A_1269, %get3A_841 : vector<16xf32>
        %parallel_loop3A_1279 = arith.constant 0 : i32
        %parallel_loop3A_1280 = arith.constant 0 : i32
        %parallel_loop3A_1281 = arith.constant 0 : i32
        %parallel_loop3A_1282 = tpu.memref_slice %arg9[%scan3A_606, %parallel_loop3A_1279, %parallel_loop3A_1280, %parallel_loop3A_1281] : memref<2x16x8x129xf32, #tpu.memory_space<vmem>> -> memref<1x16x8x129xf32, #tpu.memory_space<vmem>>
        %parallel_loop3A_1283 = tpu.memref_squeeze %parallel_loop3A_1282 : memref<1x16x8x129xf32, #tpu.memory_space<vmem>> -> memref<16x8x129xf32, #tpu.memory_space<vmem>>
        tpu.vector_store_idx %parallel_loop3A_1283[%add3A_878, %select_n3A_738, %parallel_loop3A_1271], %parallel_loop3A_1278 : memref<16x8x129xf32, #tpu.memory_space<vmem>>[vector<16xi32>, vector<16xi32>, vector<16xi32>], vector<16xf32>,
      } {sc.loop_unroll_factor = 8 : i64, sc.parallel_access}
      %add3A_882 = arith.constant 3 : i32
      %add3A_883 = arith.addi %mul3A_645, %add3A_882 : i32
      %get3A_884 = arith.index_cast %add3A_883 : i32 to index
      %get3A_885 = arith.constant 0 : index
      %get3A_886 = tpu.vector_load %arg7[%get3A_884, %get3A_885] {strides = array<i32>} : memref<200x32xf32, #tpu.memory_space<vmem>>, vector<16xf32>,
      %get3A_887 = arith.index_cast %add3A_883 : i32 to index
      %get3A_888 = arith.constant 16 : index
      %get3A_889 = tpu.vector_load %arg7[%get3A_887, %get3A_888] {strides = array<i32>} : memref<200x32xf32, #tpu.memory_space<vmem>>, vector<16xf32>,
      %jit3A_890 = arith.constant 8 : i32
      %div3A_891 = vector.broadcast %jit3A_890 : i32 to vector<16xi32>
      %div3A_892 = arith.divsi %iota3A, %div3A_891 : vector<16xi32>
      %sign3A_893 = arith.constant 0 : i32
      %sign3A_894 = vector.broadcast %sign3A_893 : i32 to vector<16xi32>
      %sign3A_895 = arith.cmpi sgt, %iota3A, %sign3A_894 : vector<16xi32>
      %sign3A_896 = arith.extui %sign3A_895 : vector<16xi1> to vector<16xi32>
      %sign3A_897 = arith.constant 0 : i32
      %sign3A_898 = vector.broadcast %sign3A_897 : i32 to vector<16xi32>
      %sign3A_899 = arith.cmpi slt, %iota3A, %sign3A_898 : vector<16xi32>
      %sign3A_900 = arith.extui %sign3A_899 : vector<16xi1> to vector<16xi32>
      %sign3A_901 = arith.subi %sign3A_896, %sign3A_900 : vector<16xi32>
      %sign3A_902 = arith.constant 0 : i32
      %sign3A_903 = arith.cmpi sgt, %jit3A_890, %sign3A_902 : i32
      %sign3A_904 = arith.extui %sign3A_903 : i1 to i32
      %sign3A_905 = arith.constant 0 : i32
      %sign3A_906 = arith.cmpi slt, %jit3A_890, %sign3A_905 : i32
      %sign3A_907 = arith.extui %sign3A_906 : i1 to i32
      %sign3A_908 = arith.subi %sign3A_904, %sign3A_907 : i32
      %ne3A_909 = vector.broadcast %sign3A_908 : i32 to vector<16xi32>
      %ne3A_910 = arith.cmpi ne, %sign3A_901, %ne3A_909 : vector<16xi32>
      %rem3A_911 = vector.broadcast %jit3A_890 : i32 to vector<16xi32>
      %rem3A_912 = arith.remsi %iota3A, %rem3A_911 : vector<16xi32>
      %ne3A_913 = arith.constant 0 : i32
      %ne3A_914 = vector.broadcast %ne3A_913 : i32 to vector<16xi32>
      %ne3A_915 = arith.cmpi ne, %rem3A_912, %ne3A_914 : vector<16xi32>
      %and3A_916 = arith.andi %ne3A_910, %ne3A_915 : vector<16xi1>
      %sub3A_917 = arith.constant 1 : i32
      %sub3A_918 = vector.broadcast %sub3A_917 : i32 to vector<16xi32>
      %sub3A_919 = arith.subi %div3A_892, %sub3A_918 : vector<16xi32>
      %select_n3A_920 = arith.select %and3A_916, %sub3A_919, %div3A_892 : vector<16xi1>, vector<16xi32>
      %add3A_921 = arith.constant 12 : i32
      %add3A_922 = vector.broadcast %add3A_921 : i32 to vector<16xi32>
      %add3A_923 = arith.addi %add3A_922, %select_n3A_920 : vector<16xi32>
      %add3A_924 = arith.constant 2 : i32
      %add3A_925 = vector.broadcast %add3A_924 : i32 to vector<16xi32>
      %add3A_926 = arith.addi %add3A_923, %add3A_925 : vector<16xi32>
      %parallel_loop3A_927 = arith.constant 0 : i32
      %parallel_loop3A_928 = arith.constant 128 : i32
      %parallel_loop3A_929 = arith.constant 1 : i32
      scf.for %parallel_loop3A_1251 = %parallel_loop3A_927 to %parallel_loop3A_928 step %parallel_loop3A_929  : i32 {
        %parallel_loop3A_1252 = arith.constant 384 : i32
        %parallel_loop3A_1253 = arith.addi %parallel_loop3A_1252, %parallel_loop3A_1251 : i32
        %parallel_loop3A_1254 = arith.constant 0 : i32
        %parallel_loop3A_1255 = arith.constant 0 : i32
        %parallel_loop3A_1256 = tpu.memref_slice %arg8[%scan3A_603, %parallel_loop3A_1254, %parallel_loop3A_1255] : memref<2x512x32xf32, #tpu.memory_space<vmem>> -> memref<1x512x32xf32, #tpu.memory_space<vmem>>
        %parallel_loop3A_1257 = tpu.memref_squeeze %parallel_loop3A_1256 : memref<1x512x32xf32, #tpu.memory_space<vmem>> -> memref<512x32xf32, #tpu.memory_space<vmem>>
        %parallel_loop3A_1258 = arith.index_cast %parallel_loop3A_1253 : i32 to index
        %parallel_loop3A_1259 = arith.constant 0 : index
        %parallel_loop3A_1260 = tpu.vector_load %parallel_loop3A_1257[%parallel_loop3A_1258, %parallel_loop3A_1259] {strides = array<i32>} : memref<512x32xf32, #tpu.memory_space<vmem>>, vector<16xf32>,
        %parallel_loop3A_1261 = arith.constant 384 : i32
        %parallel_loop3A_1262 = arith.addi %parallel_loop3A_1261, %parallel_loop3A_1251 : i32
        %parallel_loop3A_1263 = arith.constant 0 : i32
        %parallel_loop3A_1264 = arith.constant 0 : i32
        %parallel_loop3A_1265 = tpu.memref_slice %arg8[%scan3A_603, %parallel_loop3A_1263, %parallel_loop3A_1264] : memref<2x512x32xf32, #tpu.memory_space<vmem>> -> memref<1x512x32xf32, #tpu.memory_space<vmem>>
        %parallel_loop3A_1266 = tpu.memref_squeeze %parallel_loop3A_1265 : memref<1x512x32xf32, #tpu.memory_space<vmem>> -> memref<512x32xf32, #tpu.memory_space<vmem>>
        %parallel_loop3A_1267 = arith.index_cast %parallel_loop3A_1262 : i32 to index
        %parallel_loop3A_1268 = arith.constant 16 : index
        %parallel_loop3A_1269 = tpu.vector_load %parallel_loop3A_1266[%parallel_loop3A_1267, %parallel_loop3A_1268] {strides = array<i32>} : memref<512x32xf32, #tpu.memory_space<vmem>>, vector<16xf32>,
        %parallel_loop3A_1270 = vector.broadcast %parallel_loop3A_1251 : i32 to vector<16xi32>
        %parallel_loop3A_1271 = arith.addi %mul3A_741, %parallel_loop3A_1270 : vector<16xi32>
        %parallel_loop3A_1272 = arith.addf %parallel_loop3A_1260, %get3A_886 : vector<16xf32>
        %parallel_loop3A_1273 = arith.constant 0 : i32
        %parallel_loop3A_1274 = arith.constant 0 : i32
        %parallel_loop3A_1275 = arith.constant 0 : i32
        %parallel_loop3A_1276 = tpu.memref_slice %arg9[%scan3A_606, %parallel_loop3A_1273, %parallel_loop3A_1274, %parallel_loop3A_1275] : memref<2x16x8x129xf32, #tpu.memory_space<vmem>> -> memref<1x16x8x129xf32, #tpu.memory_space<vmem>>
        %parallel_loop3A_1277 = tpu.memref_squeeze %parallel_loop3A_1276 : memref<1x16x8x129xf32, #tpu.memory_space<vmem>> -> memref<16x8x129xf32, #tpu.memory_space<vmem>>
        tpu.vector_store_idx %parallel_loop3A_1277[%add3A_923, %select_n3A_738, %parallel_loop3A_1271], %parallel_loop3A_1272 : memref<16x8x129xf32, #tpu.memory_space<vmem>>[vector<16xi32>, vector<16xi32>, vector<16xi32>], vector<16xf32>,
        %parallel_loop3A_1278 = arith.addf %parallel_loop3A_1269, %get3A_889 : vector<16xf32>
        %parallel_loop3A_1279 = arith.constant 0 : i32
        %parallel_loop3A_1280 = arith.constant 0 : i32
        %parallel_loop3A_1281 = arith.constant 0 : i32
        %parallel_loop3A_1282 = tpu.memref_slice %arg9[%scan3A_606, %parallel_loop3A_1279, %parallel_loop3A_1280, %parallel_loop3A_1281] : memref<2x16x8x129xf32, #tpu.memory_space<vmem>> -> memref<1x16x8x129xf32, #tpu.memory_space<vmem>>
        %parallel_loop3A_1283 = tpu.memref_squeeze %parallel_loop3A_1282 : memref<1x16x8x129xf32, #tpu.memory_space<vmem>> -> memref<16x8x129xf32, #tpu.memory_space<vmem>>
        tpu.vector_store_idx %parallel_loop3A_1283[%add3A_926, %select_n3A_738, %parallel_loop3A_1271], %parallel_loop3A_1278 : memref<16x8x129xf32, #tpu.memory_space<vmem>>[vector<16xi32>, vector<16xi32>, vector<16xi32>], vector<16xf32>,
      } {sc.loop_unroll_factor = 8 : i64, sc.parallel_access}
      %mul3A_930 = arith.constant 4 : i32
      %mul3A_931 = arith.muli %mul3A_645, %mul3A_930 : i32
      %dma_start3A_932 = arith.constant 0 : i32
      %dma_start3A_933 = arith.constant 0 : i32
      %dma_start3A_934 = arith.constant 0 : i32
      %dma_start3A_935 = tpu.memref_slice %arg9[%scan3A_606, %dma_start3A_932, %dma_start3A_933, %dma_start3A_934] : memref<2x16x8x129xf32, #tpu.memory_space<vmem>> -> memref<1x16x8x129xf32, #tpu.memory_space<vmem>>
      %dma_start3A_936 = tpu.memref_squeeze %dma_start3A_935 : memref<1x16x8x129xf32, #tpu.memory_space<vmem>> -> memref<16x8x129xf32, #tpu.memory_space<vmem>>
      %dma_start3A_937 = arith.constant 0 : i32
      %dma_start3A_938 = arith.constant 0 : i32
      %dma_start3A_939 = arith.constant 0 : i32
      %dma_start3A_940 = tpu.memref_slice %dma_start3A_936[%dma_start3A_937, %dma_start3A_938, %dma_start3A_939] : memref<16x8x129xf32, #tpu.memory_space<vmem>> -> memref<16x8x128xf32, #tpu.memory_space<vmem>>
      %dma_start3A_941 = arith.constant 0 : i32
      %dma_start3A_942 = arith.constant 0 : i32
      %dma_start3A_943 = tpu.memref_slice %arg5[%mul3A_931, %add3A, %dma_start3A_941, %dma_start3A_942] : memref<800x32x8x128xf32, #tpu.memory_space<hbm>> -> memref<16x1x8x128xf32, #tpu.memory_space<hbm>>
      %dma_start3A_944 = tpu.memref_squeeze %dma_start3A_943 : memref<16x1x8x128xf32, #tpu.memory_space<hbm>> -> memref<16x8x128xf32, #tpu.memory_space<hbm>>
      %dma_start3A_945 = arith.constant 0 : i32
      %dma_start3A_946 = arith.constant 0 : i32
      %dma_start3A_947 = tpu.memref_slice %arg5[%mul3A_931, %add3A, %dma_start3A_945, %dma_start3A_946] : memref<800x32x8x128xf32, #tpu.memory_space<hbm>> -> memref<16x1x8x128xf32, #tpu.memory_space<hbm>>
      %dma_start3A_948 = tpu.memref_squeeze %dma_start3A_947 : memref<16x1x8x128xf32, #tpu.memory_space<hbm>> -> memref<16x8x128xf32, #tpu.memory_space<hbm>>
      %dma_start3A_949 = arith.constant 0 : i32
      %dma_start3A_950 = arith.constant 0 : i32
      %dma_start3A_951 = arith.constant 0 : i32
      %dma_start3A_952 = tpu.memref_slice %arg9[%scan3A_606, %dma_start3A_949, %dma_start3A_950, %dma_start3A_951] : memref<2x16x8x129xf32, #tpu.memory_space<vmem>> -> memref<1x16x8x129xf32, #tpu.memory_space<vmem>>
      %dma_start3A_953 = tpu.memref_squeeze %dma_start3A_952 : memref<1x16x8x129xf32, #tpu.memory_space<vmem>> -> memref<16x8x129xf32, #tpu.memory_space<vmem>>
      %dma_start3A_954 = arith.constant 0 : i32
      %dma_start3A_955 = arith.constant 0 : i32
      %dma_start3A_956 = arith.constant 0 : i32
      %dma_start3A_957 = tpu.memref_slice %dma_start3A_953[%dma_start3A_954, %dma_start3A_955, %dma_start3A_956] : memref<16x8x129xf32, #tpu.memory_space<vmem>> -> memref<16x8x128xf32, #tpu.memory_space<vmem>>
      tpu.enqueue_dma source(%dma_start3A_957 : memref<16x8x128xf32, #tpu.memory_space<vmem>>) target(%dma_start3A_948 : memref<16x8x128xf32, #tpu.memory_space<hbm>>) target_semaphore(%arg12 : memref<!tpu.dma_semaphore, #tpu.memory_space<semaphore_mem>>)
      %dma_wait3A_958 = arith.constant 0 : i32
      %dma_wait3A_959 = arith.constant 0 : i32
      %dma_wait3A_960 = tpu.memref_slice %arg8[%scan3A_605, %dma_wait3A_958, %dma_wait3A_959] : memref<2x512x32xf32, #tpu.memory_space<vmem>> -> memref<1x512x32xf32, #tpu.memory_space<vmem>>
      %dma_wait3A_961 = tpu.memref_squeeze %dma_wait3A_960 : memref<1x512x32xf32, #tpu.memory_space<vmem>> -> memref<512x32xf32, #tpu.memory_space<vmem>>
      %dma_wait3A_962 = arith.constant 0 : i32
      %dma_wait3A_963 = arith.constant 0 : i32
      %dma_wait3A_964 = tpu.memref_slice %arg3[%dma_wait3A_962, %dma_wait3A_963] : memref<400000x32xf32, #tpu.memory_space<hbm>> -> memref<512x32xf32, #tpu.memory_space<hbm>>
      %dma_wait3A_965 = arith.constant 0 : i32
      %dma_wait3A_966 = arith.constant 0 : i32
      %dma_wait3A_967 = tpu.memref_slice %arg8[%scan3A_605, %dma_wait3A_965, %dma_wait3A_966] : memref<2x512x32xf32, #tpu.memory_space<vmem>> -> memref<1x512x32xf32, #tpu.memory_space<vmem>>
      %dma_wait3A_968 = tpu.memref_squeeze %dma_wait3A_967 : memref<1x512x32xf32, #tpu.memory_space<vmem>> -> memref<512x32xf32, #tpu.memory_space<vmem>>
      %dma_wait3A_969 = arith.constant 0 : i32
      %dma_wait3A_970 = arith.constant 0 : i32
      %dma_wait3A_971 = tpu.memref_slice %arg3[%dma_wait3A_969, %dma_wait3A_970] : memref<400000x32xf32, #tpu.memory_space<hbm>> -> memref<512x32xf32, #tpu.memory_space<hbm>>
      tpu.wait_dma2 semaphore(%arg11 : memref<!tpu.dma_semaphore, #tpu.memory_space<semaphore_mem>>) src(%dma_wait3A_971 : memref<512x32xf32, #tpu.memory_space<hbm>>) dst(%dma_wait3A_968 : memref<512x32xf32, #tpu.memory_space<vmem>>)
      %dma_wait3A_972 = arith.constant 0 : i32
      %dma_wait3A_973 = arith.constant 0 : i32
      %dma_wait3A_974 = arith.constant 0 : i32
      %dma_wait3A_975 = tpu.memref_slice %arg9[%scan3A_606, %dma_wait3A_972, %dma_wait3A_973, %dma_wait3A_974] : memref<2x16x8x129xf32, #tpu.memory_space<vmem>> -> memref<1x16x8x129xf32, #tpu.memory_space<vmem>>
      %dma_wait3A_976 = tpu.memref_squeeze %dma_wait3A_975 : memref<1x16x8x129xf32, #tpu.memory_space<vmem>> -> memref<16x8x129xf32, #tpu.memory_space<vmem>>
      %dma_wait3A_977 = arith.constant 0 : i32
      %dma_wait3A_978 = arith.constant 0 : i32
      %dma_wait3A_979 = arith.constant 0 : i32
      %dma_wait3A_980 = tpu.memref_slice %dma_wait3A_976[%dma_wait3A_977, %dma_wait3A_978, %dma_wait3A_979] : memref<16x8x129xf32, #tpu.memory_space<vmem>> -> memref<16x8x128xf32, #tpu.memory_space<vmem>>
      %dma_wait3A_981 = arith.constant 0 : i32
      %dma_wait3A_982 = arith.constant 0 : i32
      %dma_wait3A_983 = arith.constant 0 : i32
      %dma_wait3A_984 = tpu.memref_slice %arg5[%dma_wait3A_981, %add3A, %dma_wait3A_982, %dma_wait3A_983] : memref<800x32x8x128xf32, #tpu.memory_space<hbm>> -> memref<16x1x8x128xf32, #tpu.memory_space<hbm>>
      %dma_wait3A_985 = tpu.memref_squeeze %dma_wait3A_984 : memref<16x1x8x128xf32, #tpu.memory_space<hbm>> -> memref<16x8x128xf32, #tpu.memory_space<hbm>>
      %dma_wait3A_986 = arith.constant 0 : i32
      %dma_wait3A_987 = arith.constant 0 : i32
      %dma_wait3A_988 = arith.constant 0 : i32
      %dma_wait3A_989 = tpu.memref_slice %arg5[%dma_wait3A_986, %add3A, %dma_wait3A_987, %dma_wait3A_988] : memref<800x32x8x128xf32, #tpu.memory_space<hbm>> -> memref<16x1x8x128xf32, #tpu.memory_space<hbm>>
      %dma_wait3A_990 = tpu.memref_squeeze %dma_wait3A_989 : memref<16x1x8x128xf32, #tpu.memory_space<hbm>> -> memref<16x8x128xf32, #tpu.memory_space<hbm>>
      %dma_wait3A_991 = arith.constant 0 : i32
      %dma_wait3A_992 = arith.constant 0 : i32
      %dma_wait3A_993 = arith.constant 0 : i32
      %dma_wait3A_994 = tpu.memref_slice %arg9[%scan3A_606, %dma_wait3A_991, %dma_wait3A_992, %dma_wait3A_993] : memref<2x16x8x129xf32, #tpu.memory_space<vmem>> -> memref<1x16x8x129xf32, #tpu.memory_space<vmem>>
      %dma_wait3A_995 = tpu.memref_squeeze %dma_wait3A_994 : memref<1x16x8x129xf32, #tpu.memory_space<vmem>> -> memref<16x8x129xf32, #tpu.memory_space<vmem>>
      %dma_wait3A_996 = arith.constant 0 : i32
      %dma_wait3A_997 = arith.constant 0 : i32
      %dma_wait3A_998 = arith.constant 0 : i32
      %dma_wait3A_999 = tpu.memref_slice %dma_wait3A_995[%dma_wait3A_996, %dma_wait3A_997, %dma_wait3A_998] : memref<16x8x129xf32, #tpu.memory_space<vmem>> -> memref<16x8x128xf32, #tpu.memory_space<vmem>>
      tpu.wait_dma2 semaphore(%arg12 : memref<!tpu.dma_semaphore, #tpu.memory_space<semaphore_mem>>) src(%dma_wait3A_999 : memref<16x8x128xf32, #tpu.memory_space<vmem>>) dst(%dma_wait3A_990 : memref<16x8x128xf32, #tpu.memory_space<hbm>>)
      %lt3A_1000 = arith.constant 24 : i32
      %lt3A_1001 = arith.cmpi slt, %scan3A_641, %lt3A_1000 : i32
      %convert_element_type3A_1002 = arith.extui %lt3A_1001 : i1 to i32
      %cond3A_1003 = arith.constant 0 : i32
      %cond3A_1004 = arith.cmpi ne, %convert_element_type3A_1002, %cond3A_1003 : i32
      scf.if %cond3A_1004 {
        %add3A_1251 = arith.constant 4 : i32
        %add3A_1252 = arith.addi %add3A_647, %add3A_1251 : i32
        %add3A_1253 = arith.constant 0 : i32
        %add3A_1254 = arith.addi %add3A_1252, %add3A_1253 : i32
        %mul3A_1255 = arith.constant 128 : i32
        %mul3A_1256 = arith.muli %add3A_1254, %mul3A_1255 : i32
        %dma_start3A_1257 = arith.constant 0 : i32
        %dma_start3A_1258 = arith.constant 0 : i32
        %dma_start3A_1259 = tpu.memref_slice %arg8[%scan3A_603, %dma_start3A_1257, %dma_start3A_1258] : memref<2x512x32xf32, #tpu.memory_space<vmem>> -> memref<1x512x32xf32, #tpu.memory_space<vmem>>
        %dma_start3A_1260 = tpu.memref_squeeze %dma_start3A_1259 : memref<1x512x32xf32, #tpu.memory_space<vmem>> -> memref<512x32xf32, #tpu.memory_space<vmem>>
        %dma_start3A_1261 = arith.constant 0 : i32
        %dma_start3A_1262 = arith.constant 0 : i32
        %dma_start3A_1263 = tpu.memref_slice %dma_start3A_1260[%dma_start3A_1261, %dma_start3A_1262] : memref<512x32xf32, #tpu.memory_space<vmem>> -> memref<128x32xf32, #tpu.memory_space<vmem>>
        %dma_start3A_1264 = tpu.memref_slice %arg6[%mul3A_1256] : memref<25600xi32, #tpu.memory_space<vmem>> -> memref<128xi32, #tpu.memory_space<vmem>>
        %dma_start3A_1265 = arith.constant 0 : i32
        %dma_start3A_1266 = arith.constant 0 : i32
        %dma_start3A_1267 = tpu.memref_slice %arg3[%dma_start3A_1265, %dma_start3A_1266] : memref<400000x32xf32, #tpu.memory_space<hbm>> -> memref<400000x32xf32, #tpu.memory_space<hbm>>
        tpu.enqueue_indirect_dma source(%dma_start3A_1267 : memref<400000x32xf32, #tpu.memory_space<hbm>>) target(%dma_start3A_1263 : memref<128x32xf32, #tpu.memory_space<vmem>>) offsets(%dma_start3A_1264 : memref<128xi32, #tpu.memory_space<vmem>>) semaphore(%arg10 : memref<!tpu.dma_semaphore, #tpu.memory_space<semaphore_mem>>)
        %add3A_1268 = arith.constant 1 : i32
        %add3A_1269 = arith.addi %add3A_1252, %add3A_1268 : i32
        %mul3A_1270 = arith.constant 128 : i32
        %mul3A_1271 = arith.muli %add3A_1269, %mul3A_1270 : i32
        %dma_start3A_1272 = arith.constant 0 : i32
        %dma_start3A_1273 = arith.constant 0 : i32
        %dma_start3A_1274 = tpu.memref_slice %arg8[%scan3A_603, %dma_start3A_1272, %dma_start3A_1273] : memref<2x512x32xf32, #tpu.memory_space<vmem>> -> memref<1x512x32xf32, #tpu.memory_space<vmem>>
        %dma_start3A_1275 = tpu.memref_squeeze %dma_start3A_1274 : memref<1x512x32xf32, #tpu.memory_space<vmem>> -> memref<512x32xf32, #tpu.memory_space<vmem>>
        %dma_start3A_1276 = arith.constant 128 : i32
        %dma_start3A_1277 = arith.constant 0 : i32
        %dma_start3A_1278 = tpu.memref_slice %dma_start3A_1275[%dma_start3A_1276, %dma_start3A_1277] : memref<512x32xf32, #tpu.memory_space<vmem>> -> memref<128x32xf32, #tpu.memory_space<vmem>>
        %dma_start3A_1279 = tpu.memref_slice %arg6[%mul3A_1271] : memref<25600xi32, #tpu.memory_space<vmem>> -> memref<128xi32, #tpu.memory_space<vmem>>
        %dma_start3A_1280 = arith.constant 0 : i32
        %dma_start3A_1281 = arith.constant 0 : i32
        %dma_start3A_1282 = tpu.memref_slice %arg3[%dma_start3A_1280, %dma_start3A_1281] : memref<400000x32xf32, #tpu.memory_space<hbm>> -> memref<400000x32xf32, #tpu.memory_space<hbm>>
        tpu.enqueue_indirect_dma source(%dma_start3A_1282 : memref<400000x32xf32, #tpu.memory_space<hbm>>) target(%dma_start3A_1278 : memref<128x32xf32, #tpu.memory_space<vmem>>) offsets(%dma_start3A_1279 : memref<128xi32, #tpu.memory_space<vmem>>) semaphore(%arg10 : memref<!tpu.dma_semaphore, #tpu.memory_space<semaphore_mem>>)
        %add3A_1283 = arith.constant 2 : i32
        %add3A_1284 = arith.addi %add3A_1252, %add3A_1283 : i32
        %mul3A_1285 = arith.constant 128 : i32
        %mul3A_1286 = arith.muli %add3A_1284, %mul3A_1285 : i32
        %dma_start3A_1287 = arith.constant 0 : i32
        %dma_start3A_1288 = arith.constant 0 : i32
        %dma_start3A_1289 = tpu.memref_slice %arg8[%scan3A_603, %dma_start3A_1287, %dma_start3A_1288] : memref<2x512x32xf32, #tpu.memory_space<vmem>> -> memref<1x512x32xf32, #tpu.memory_space<vmem>>
        %dma_start3A_1290 = tpu.memref_squeeze %dma_start3A_1289 : memref<1x512x32xf32, #tpu.memory_space<vmem>> -> memref<512x32xf32, #tpu.memory_space<vmem>>
        %dma_start3A_1291 = arith.constant 256 : i32
        %dma_start3A_1292 = arith.constant 0 : i32
        %dma_start3A_1293 = tpu.memref_slice %dma_start3A_1290[%dma_start3A_1291, %dma_start3A_1292] : memref<512x32xf32, #tpu.memory_space<vmem>> -> memref<128x32xf32, #tpu.memory_space<vmem>>
        %dma_start3A_1294 = tpu.memref_slice %arg6[%mul3A_1286] : memref<25600xi32, #tpu.memory_space<vmem>> -> memref<128xi32, #tpu.memory_space<vmem>>
        %dma_start3A_1295 = arith.constant 0 : i32
        %dma_start3A_1296 = arith.constant 0 : i32
        %dma_start3A_1297 = tpu.memref_slice %arg3[%dma_start3A_1295, %dma_start3A_1296] : memref<400000x32xf32, #tpu.memory_space<hbm>> -> memref<400000x32xf32, #tpu.memory_space<hbm>>
        tpu.enqueue_indirect_dma source(%dma_start3A_1297 : memref<400000x32xf32, #tpu.memory_space<hbm>>) target(%dma_start3A_1293 : memref<128x32xf32, #tpu.memory_space<vmem>>) offsets(%dma_start3A_1294 : memref<128xi32, #tpu.memory_space<vmem>>) semaphore(%arg10 : memref<!tpu.dma_semaphore, #tpu.memory_space<semaphore_mem>>)
        %add3A_1298 = arith.constant 3 : i32
        %add3A_1299 = arith.addi %add3A_1252, %add3A_1298 : i32
        %mul3A_1300 = arith.constant 128 : i32
        %mul3A_1301 = arith.muli %add3A_1299, %mul3A_1300 : i32
        %dma_start3A_1302 = arith.constant 0 : i32
        %dma_start3A_1303 = arith.constant 0 : i32
        %dma_start3A_1304 = tpu.memref_slice %arg8[%scan3A_603, %dma_start3A_1302, %dma_start3A_1303] : memref<2x512x32xf32, #tpu.memory_space<vmem>> -> memref<1x512x32xf32, #tpu.memory_space<vmem>>
        %dma_start3A_1305 = tpu.memref_squeeze %dma_start3A_1304 : memref<1x512x32xf32, #tpu.memory_space<vmem>> -> memref<512x32xf32, #tpu.memory_space<vmem>>
        %dma_start3A_1306 = arith.constant 384 : i32
        %dma_start3A_1307 = arith.constant 0 : i32
        %dma_start3A_1308 = tpu.memref_slice %dma_start3A_1305[%dma_start3A_1306, %dma_start3A_1307] : memref<512x32xf32, #tpu.memory_space<vmem>> -> memref<128x32xf32, #tpu.memory_space<vmem>>
        %dma_start3A_1309 = tpu.memref_slice %arg6[%mul3A_1301] : memref<25600xi32, #tpu.memory_space<vmem>> -> memref<128xi32, #tpu.memory_space<vmem>>
        %dma_start3A_1310 = arith.constant 0 : i32
        %dma_start3A_1311 = arith.constant 0 : i32
        %dma_start3A_1312 = tpu.memref_slice %arg3[%dma_start3A_1310, %dma_start3A_1311] : memref<400000x32xf32, #tpu.memory_space<hbm>> -> memref<400000x32xf32, #tpu.memory_space<hbm>>
        tpu.enqueue_indirect_dma source(%dma_start3A_1312 : memref<400000x32xf32, #tpu.memory_space<hbm>>) target(%dma_start3A_1308 : memref<128x32xf32, #tpu.memory_space<vmem>>) offsets(%dma_start3A_1309 : memref<128xi32, #tpu.memory_space<vmem>>) semaphore(%arg10 : memref<!tpu.dma_semaphore, #tpu.memory_space<semaphore_mem>>)
      } else {
      }
      %iota3A_1005 = tpu.iota {dimensions = array<i32: 0>} : vector<16xi32>
      %jit3A_1006 = arith.constant 8 : i32
      %eq3A_1007 = arith.constant 0 : i32
      %eq3A_1008 = arith.cmpi eq, %jit3A_1006, %eq3A_1007 : i32
      %jit3A_1009 = arith.constant 1 : i32
      %select_n3A_1010 = arith.select %eq3A_1008, %jit3A_1009, %jit3A_1006 : i32
      %rem3A_1011 = vector.broadcast %select_n3A_1010 : i32 to vector<16xi32>
      %rem3A_1012 = arith.remsi %iota3A_1005, %rem3A_1011 : vector<16xi32>
      %ne3A_1013 = arith.constant 0 : i32
      %ne3A_1014 = vector.broadcast %ne3A_1013 : i32 to vector<16xi32>
      %ne3A_1015 = arith.cmpi ne, %rem3A_1012, %ne3A_1014 : vector<16xi32>
      %lt3A_1016 = arith.constant 0 : i32
      %lt3A_1017 = vector.broadcast %lt3A_1016 : i32 to vector<16xi32>
      %lt3A_1018 = arith.cmpi slt, %rem3A_1012, %lt3A_1017 : vector<16xi32>
      %lt3A_1019 = arith.constant 0 : i32
      %lt3A_1020 = arith.cmpi slt, %select_n3A_1010, %lt3A_1019 : i32
      %ne3A_1021 = vector.broadcast %lt3A_1020 : i1 to vector<16xi1>
      %ne3A_1022 = vector.broadcast %ne3A_1021 : vector<16xi1> to vector<16xi1>
      %ne3A_1023 = arith.xori %lt3A_1018, %ne3A_1022 : vector<16xi1>
      %and3A_1024 = arith.andi %ne3A_1023, %ne3A_1015 : vector<16xi1>
      %add3A_1025 = vector.broadcast %select_n3A_1010 : i32 to vector<16xi32>
      %add3A_1026 = arith.addi %rem3A_1012, %add3A_1025 : vector<16xi32>
      %select_n3A_1027 = arith.select %and3A_1024, %add3A_1026, %rem3A_1012 : vector<16xi1>, vector<16xi32>
      %mul3A_1028 = arith.constant 0 : i32
      %mul3A_1029 = vector.broadcast %mul3A_1028 : i32 to vector<16xi32>
      %mul3A_1030 = arith.muli %iota3A_1005, %mul3A_1029 : vector<16xi32>
      %add3A_1031 = arith.constant 0 : i32
      %add3A_1032 = arith.addi %add3A_647, %add3A_1031 : i32
      %get3A_1033 = arith.index_cast %add3A_1032 : i32 to index
      %get3A_1034 = arith.constant 0 : index
      %get3A_1035 = tpu.vector_load %arg7[%get3A_1033, %get3A_1034] {strides = array<i32>} : memref<200x32xf32, #tpu.memory_space<vmem>>, vector<16xf32>,
      %get3A_1036 = arith.index_cast %add3A_1032 : i32 to index
      %get3A_1037 = arith.constant 16 : index
      %get3A_1038 = tpu.vector_load %arg7[%get3A_1036, %get3A_1037] {strides = array<i32>} : memref<200x32xf32, #tpu.memory_space<vmem>>, vector<16xf32>,
      %jit3A_1039 = arith.constant 8 : i32
      %div3A_1040 = vector.broadcast %jit3A_1039 : i32 to vector<16xi32>
      %div3A_1041 = arith.divsi %iota3A_1005, %div3A_1040 : vector<16xi32>
      %sign3A_1042 = arith.constant 0 : i32
      %sign3A_1043 = vector.broadcast %sign3A_1042 : i32 to vector<16xi32>
      %sign3A_1044 = arith.cmpi sgt, %iota3A_1005, %sign3A_1043 : vector<16xi32>
      %sign3A_1045 = arith.extui %sign3A_1044 : vector<16xi1> to vector<16xi32>
      %sign3A_1046 = arith.constant 0 : i32
      %sign3A_1047 = vector.broadcast %sign3A_1046 : i32 to vector<16xi32>
      %sign3A_1048 = arith.cmpi slt, %iota3A_1005, %sign3A_1047 : vector<16xi32>
      %sign3A_1049 = arith.extui %sign3A_1048 : vector<16xi1> to vector<16xi32>
      %sign3A_1050 = arith.subi %sign3A_1045, %sign3A_1049 : vector<16xi32>
      %sign3A_1051 = arith.constant 0 : i32
      %sign3A_1052 = arith.cmpi sgt, %jit3A_1039, %sign3A_1051 : i32
      %sign3A_1053 = arith.extui %sign3A_1052 : i1 to i32
      %sign3A_1054 = arith.constant 0 : i32
      %sign3A_1055 = arith.cmpi slt, %jit3A_1039, %sign3A_1054 : i32
      %sign3A_1056 = arith.extui %sign3A_1055 : i1 to i32
      %sign3A_1057 = arith.subi %sign3A_1053, %sign3A_1056 : i32
      %ne3A_1058 = vector.broadcast %sign3A_1057 : i32 to vector<16xi32>
      %ne3A_1059 = arith.cmpi ne, %sign3A_1050, %ne3A_1058 : vector<16xi32>
      %rem3A_1060 = vector.broadcast %jit3A_1039 : i32 to vector<16xi32>
      %rem3A_1061 = arith.remsi %iota3A_1005, %rem3A_1060 : vector<16xi32>
      %ne3A_1062 = arith.constant 0 : i32
      %ne3A_1063 = vector.broadcast %ne3A_1062 : i32 to vector<16xi32>
      %ne3A_1064 = arith.cmpi ne, %rem3A_1061, %ne3A_1063 : vector<16xi32>
      %and3A_1065 = arith.andi %ne3A_1059, %ne3A_1064 : vector<16xi1>
      %sub3A_1066 = arith.constant 1 : i32
      %sub3A_1067 = vector.broadcast %sub3A_1066 : i32 to vector<16xi32>
      %sub3A_1068 = arith.subi %div3A_1041, %sub3A_1067 : vector<16xi32>
      %select_n3A_1069 = arith.select %and3A_1065, %sub3A_1068, %div3A_1041 : vector<16xi1>, vector<16xi32>
      %add3A_1070 = arith.constant 0 : i32
      %add3A_1071 = vector.broadcast %add3A_1070 : i32 to vector<16xi32>
      %add3A_1072 = arith.addi %add3A_1071, %select_n3A_1069 : vector<16xi32>
      %add3A_1073 = arith.constant 2 : i32
      %add3A_1074 = vector.broadcast %add3A_1073 : i32 to vector<16xi32>
      %add3A_1075 = arith.addi %add3A_1072, %add3A_1074 : vector<16xi32>
      %parallel_loop3A_1076 = arith.constant 0 : i32
      %parallel_loop3A_1077 = arith.constant 128 : i32
      %parallel_loop3A_1078 = arith.constant 1 : i32
      scf.for %parallel_loop3A_1251 = %parallel_loop3A_1076 to %parallel_loop3A_1077 step %parallel_loop3A_1078  : i32 {
        %parallel_loop3A_1252 = arith.constant 0 : i32
        %parallel_loop3A_1253 = arith.addi %parallel_loop3A_1252, %parallel_loop3A_1251 : i32
        %parallel_loop3A_1254 = arith.constant 0 : i32
        %parallel_loop3A_1255 = arith.constant 0 : i32
        %parallel_loop3A_1256 = tpu.memref_slice %arg8[%scan3A_605, %parallel_loop3A_1254, %parallel_loop3A_1255] : memref<2x512x32xf32, #tpu.memory_space<vmem>> -> memref<1x512x32xf32, #tpu.memory_space<vmem>>
        %parallel_loop3A_1257 = tpu.memref_squeeze %parallel_loop3A_1256 : memref<1x512x32xf32, #tpu.memory_space<vmem>> -> memref<512x32xf32, #tpu.memory_space<vmem>>
        %parallel_loop3A_1258 = arith.index_cast %parallel_loop3A_1253 : i32 to index
        %parallel_loop3A_1259 = arith.constant 0 : index
        %parallel_loop3A_1260 = tpu.vector_load %parallel_loop3A_1257[%parallel_loop3A_1258, %parallel_loop3A_1259] {strides = array<i32>} : memref<512x32xf32, #tpu.memory_space<vmem>>, vector<16xf32>,
        %parallel_loop3A_1261 = arith.constant 0 : i32
        %parallel_loop3A_1262 = arith.addi %parallel_loop3A_1261, %parallel_loop3A_1251 : i32
        %parallel_loop3A_1263 = arith.constant 0 : i32
        %parallel_loop3A_1264 = arith.constant 0 : i32
        %parallel_loop3A_1265 = tpu.memref_slice %arg8[%scan3A_605, %parallel_loop3A_1263, %parallel_loop3A_1264] : memref<2x512x32xf32, #tpu.memory_space<vmem>> -> memref<1x512x32xf32, #tpu.memory_space<vmem>>
        %parallel_loop3A_1266 = tpu.memref_squeeze %parallel_loop3A_1265 : memref<1x512x32xf32, #tpu.memory_space<vmem>> -> memref<512x32xf32, #tpu.memory_space<vmem>>
        %parallel_loop3A_1267 = arith.index_cast %parallel_loop3A_1262 : i32 to index
        %parallel_loop3A_1268 = arith.constant 16 : index
        %parallel_loop3A_1269 = tpu.vector_load %parallel_loop3A_1266[%parallel_loop3A_1267, %parallel_loop3A_1268] {strides = array<i32>} : memref<512x32xf32, #tpu.memory_space<vmem>>, vector<16xf32>,
        %parallel_loop3A_1270 = vector.broadcast %parallel_loop3A_1251 : i32 to vector<16xi32>
        %parallel_loop3A_1271 = arith.addi %mul3A_1030, %parallel_loop3A_1270 : vector<16xi32>
        %parallel_loop3A_1272 = arith.addf %parallel_loop3A_1260, %get3A_1035 : vector<16xf32>
        %parallel_loop3A_1273 = arith.constant 0 : i32
        %parallel_loop3A_1274 = arith.constant 0 : i32
        %parallel_loop3A_1275 = arith.constant 0 : i32
        %parallel_loop3A_1276 = tpu.memref_slice %arg9[%scan3A_604, %parallel_loop3A_1273, %parallel_loop3A_1274, %parallel_loop3A_1275] : memref<2x16x8x129xf32, #tpu.memory_space<vmem>> -> memref<1x16x8x129xf32, #tpu.memory_space<vmem>>
        %parallel_loop3A_1277 = tpu.memref_squeeze %parallel_loop3A_1276 : memref<1x16x8x129xf32, #tpu.memory_space<vmem>> -> memref<16x8x129xf32, #tpu.memory_space<vmem>>
        tpu.vector_store_idx %parallel_loop3A_1277[%add3A_1072, %select_n3A_1027, %parallel_loop3A_1271], %parallel_loop3A_1272 : memref<16x8x129xf32, #tpu.memory_space<vmem>>[vector<16xi32>, vector<16xi32>, vector<16xi32>], vector<16xf32>,
        %parallel_loop3A_1278 = arith.addf %parallel_loop3A_1269, %get3A_1038 : vector<16xf32>
        %parallel_loop3A_1279 = arith.constant 0 : i32
        %parallel_loop3A_1280 = arith.constant 0 : i32
        %parallel_loop3A_1281 = arith.constant 0 : i32
        %parallel_loop3A_1282 = tpu.memref_slice %arg9[%scan3A_604, %parallel_loop3A_1279, %parallel_loop3A_1280, %parallel_loop3A_1281] : memref<2x16x8x129xf32, #tpu.memory_space<vmem>> -> memref<1x16x8x129xf32, #tpu.memory_space<vmem>>
        %parallel_loop3A_1283 = tpu.memref_squeeze %parallel_loop3A_1282 : memref<1x16x8x129xf32, #tpu.memory_space<vmem>> -> memref<16x8x129xf32, #tpu.memory_space<vmem>>
        tpu.vector_store_idx %parallel_loop3A_1283[%add3A_1075, %select_n3A_1027, %parallel_loop3A_1271], %parallel_loop3A_1278 : memref<16x8x129xf32, #tpu.memory_space<vmem>>[vector<16xi32>, vector<16xi32>, vector<16xi32>], vector<16xf32>,
      } {sc.loop_unroll_factor = 8 : i64, sc.parallel_access}
      %add3A_1079 = arith.constant 1 : i32
      %add3A_1080 = arith.addi %add3A_647, %add3A_1079 : i32
      %get3A_1081 = arith.index_cast %add3A_1080 : i32 to index
      %get3A_1082 = arith.constant 0 : index
      %get3A_1083 = tpu.vector_load %arg7[%get3A_1081, %get3A_1082] {strides = array<i32>} : memref<200x32xf32, #tpu.memory_space<vmem>>, vector<16xf32>,
      %get3A_1084 = arith.index_cast %add3A_1080 : i32 to index
      %get3A_1085 = arith.constant 16 : index
      %get3A_1086 = tpu.vector_load %arg7[%get3A_1084, %get3A_1085] {strides = array<i32>} : memref<200x32xf32, #tpu.memory_space<vmem>>, vector<16xf32>,
      %jit3A_1087 = arith.constant 8 : i32
      %div3A_1088 = vector.broadcast %jit3A_1087 : i32 to vector<16xi32>
      %div3A_1089 = arith.divsi %iota3A_1005, %div3A_1088 : vector<16xi32>
      %sign3A_1090 = arith.constant 0 : i32
      %sign3A_1091 = vector.broadcast %sign3A_1090 : i32 to vector<16xi32>
      %sign3A_1092 = arith.cmpi sgt, %iota3A_1005, %sign3A_1091 : vector<16xi32>
      %sign3A_1093 = arith.extui %sign3A_1092 : vector<16xi1> to vector<16xi32>
      %sign3A_1094 = arith.constant 0 : i32
      %sign3A_1095 = vector.broadcast %sign3A_1094 : i32 to vector<16xi32>
      %sign3A_1096 = arith.cmpi slt, %iota3A_1005, %sign3A_1095 : vector<16xi32>
      %sign3A_1097 = arith.extui %sign3A_1096 : vector<16xi1> to vector<16xi32>
      %sign3A_1098 = arith.subi %sign3A_1093, %sign3A_1097 : vector<16xi32>
      %sign3A_1099 = arith.constant 0 : i32
      %sign3A_1100 = arith.cmpi sgt, %jit3A_1087, %sign3A_1099 : i32
      %sign3A_1101 = arith.extui %sign3A_1100 : i1 to i32
      %sign3A_1102 = arith.constant 0 : i32
      %sign3A_1103 = arith.cmpi slt, %jit3A_1087, %sign3A_1102 : i32
      %sign3A_1104 = arith.extui %sign3A_1103 : i1 to i32
      %sign3A_1105 = arith.subi %sign3A_1101, %sign3A_1104 : i32
      %ne3A_1106 = vector.broadcast %sign3A_1105 : i32 to vector<16xi32>
      %ne3A_1107 = arith.cmpi ne, %sign3A_1098, %ne3A_1106 : vector<16xi32>
      %rem3A_1108 = vector.broadcast %jit3A_1087 : i32 to vector<16xi32>
      %rem3A_1109 = arith.remsi %iota3A_1005, %rem3A_1108 : vector<16xi32>
      %ne3A_1110 = arith.constant 0 : i32
      %ne3A_1111 = vector.broadcast %ne3A_1110 : i32 to vector<16xi32>
      %ne3A_1112 = arith.cmpi ne, %rem3A_1109, %ne3A_1111 : vector<16xi32>
      %and3A_1113 = arith.andi %ne3A_1107, %ne3A_1112 : vector<16xi1>
      %sub3A_1114 = arith.constant 1 : i32
      %sub3A_1115 = vector.broadcast %sub3A_1114 : i32 to vector<16xi32>
      %sub3A_1116 = arith.subi %div3A_1089, %sub3A_1115 : vector<16xi32>
      %select_n3A_1117 = arith.select %and3A_1113, %sub3A_1116, %div3A_1089 : vector<16xi1>, vector<16xi32>
      %add3A_1118 = arith.constant 4 : i32
      %add3A_1119 = vector.broadcast %add3A_1118 : i32 to vector<16xi32>
      %add3A_1120 = arith.addi %add3A_1119, %select_n3A_1117 : vector<16xi32>
      %add3A_1121 = arith.constant 2 : i32
      %add3A_1122 = vector.broadcast %add3A_1121 : i32 to vector<16xi32>
      %add3A_1123 = arith.addi %add3A_1120, %add3A_1122 : vector<16xi32>
      %parallel_loop3A_1124 = arith.constant 0 : i32
      %parallel_loop3A_1125 = arith.constant 128 : i32
      %parallel_loop3A_1126 = arith.constant 1 : i32
      scf.for %parallel_loop3A_1251 = %parallel_loop3A_1124 to %parallel_loop3A_1125 step %parallel_loop3A_1126  : i32 {
        %parallel_loop3A_1252 = arith.constant 128 : i32
        %parallel_loop3A_1253 = arith.addi %parallel_loop3A_1252, %parallel_loop3A_1251 : i32
        %parallel_loop3A_1254 = arith.constant 0 : i32
        %parallel_loop3A_1255 = arith.constant 0 : i32
        %parallel_loop3A_1256 = tpu.memref_slice %arg8[%scan3A_605, %parallel_loop3A_1254, %parallel_loop3A_1255] : memref<2x512x32xf32, #tpu.memory_space<vmem>> -> memref<1x512x32xf32, #tpu.memory_space<vmem>>
        %parallel_loop3A_1257 = tpu.memref_squeeze %parallel_loop3A_1256 : memref<1x512x32xf32, #tpu.memory_space<vmem>> -> memref<512x32xf32, #tpu.memory_space<vmem>>
        %parallel_loop3A_1258 = arith.index_cast %parallel_loop3A_1253 : i32 to index
        %parallel_loop3A_1259 = arith.constant 0 : index
        %parallel_loop3A_1260 = tpu.vector_load %parallel_loop3A_1257[%parallel_loop3A_1258, %parallel_loop3A_1259] {strides = array<i32>} : memref<512x32xf32, #tpu.memory_space<vmem>>, vector<16xf32>,
        %parallel_loop3A_1261 = arith.constant 128 : i32
        %parallel_loop3A_1262 = arith.addi %parallel_loop3A_1261, %parallel_loop3A_1251 : i32
        %parallel_loop3A_1263 = arith.constant 0 : i32
        %parallel_loop3A_1264 = arith.constant 0 : i32
        %parallel_loop3A_1265 = tpu.memref_slice %arg8[%scan3A_605, %parallel_loop3A_1263, %parallel_loop3A_1264] : memref<2x512x32xf32, #tpu.memory_space<vmem>> -> memref<1x512x32xf32, #tpu.memory_space<vmem>>
        %parallel_loop3A_1266 = tpu.memref_squeeze %parallel_loop3A_1265 : memref<1x512x32xf32, #tpu.memory_space<vmem>> -> memref<512x32xf32, #tpu.memory_space<vmem>>
        %parallel_loop3A_1267 = arith.index_cast %parallel_loop3A_1262 : i32 to index
        %parallel_loop3A_1268 = arith.constant 16 : index
        %parallel_loop3A_1269 = tpu.vector_load %parallel_loop3A_1266[%parallel_loop3A_1267, %parallel_loop3A_1268] {strides = array<i32>} : memref<512x32xf32, #tpu.memory_space<vmem>>, vector<16xf32>,
        %parallel_loop3A_1270 = vector.broadcast %parallel_loop3A_1251 : i32 to vector<16xi32>
        %parallel_loop3A_1271 = arith.addi %mul3A_1030, %parallel_loop3A_1270 : vector<16xi32>
        %parallel_loop3A_1272 = arith.addf %parallel_loop3A_1260, %get3A_1083 : vector<16xf32>
        %parallel_loop3A_1273 = arith.constant 0 : i32
        %parallel_loop3A_1274 = arith.constant 0 : i32
        %parallel_loop3A_1275 = arith.constant 0 : i32
        %parallel_loop3A_1276 = tpu.memref_slice %arg9[%scan3A_604, %parallel_loop3A_1273, %parallel_loop3A_1274, %parallel_loop3A_1275] : memref<2x16x8x129xf32, #tpu.memory_space<vmem>> -> memref<1x16x8x129xf32, #tpu.memory_space<vmem>>
        %parallel_loop3A_1277 = tpu.memref_squeeze %parallel_loop3A_1276 : memref<1x16x8x129xf32, #tpu.memory_space<vmem>> -> memref<16x8x129xf32, #tpu.memory_space<vmem>>
        tpu.vector_store_idx %parallel_loop3A_1277[%add3A_1120, %select_n3A_1027, %parallel_loop3A_1271], %parallel_loop3A_1272 : memref<16x8x129xf32, #tpu.memory_space<vmem>>[vector<16xi32>, vector<16xi32>, vector<16xi32>], vector<16xf32>,
        %parallel_loop3A_1278 = arith.addf %parallel_loop3A_1269, %get3A_1086 : vector<16xf32>
        %parallel_loop3A_1279 = arith.constant 0 : i32
        %parallel_loop3A_1280 = arith.constant 0 : i32
        %parallel_loop3A_1281 = arith.constant 0 : i32
        %parallel_loop3A_1282 = tpu.memref_slice %arg9[%scan3A_604, %parallel_loop3A_1279, %parallel_loop3A_1280, %parallel_loop3A_1281] : memref<2x16x8x129xf32, #tpu.memory_space<vmem>> -> memref<1x16x8x129xf32, #tpu.memory_space<vmem>>
        %parallel_loop3A_1283 = tpu.memref_squeeze %parallel_loop3A_1282 : memref<1x16x8x129xf32, #tpu.memory_space<vmem>> -> memref<16x8x129xf32, #tpu.memory_space<vmem>>
        tpu.vector_store_idx %parallel_loop3A_1283[%add3A_1123, %select_n3A_1027, %parallel_loop3A_1271], %parallel_loop3A_1278 : memref<16x8x129xf32, #tpu.memory_space<vmem>>[vector<16xi32>, vector<16xi32>, vector<16xi32>], vector<16xf32>,
      } {sc.loop_unroll_factor = 8 : i64, sc.parallel_access}
      %add3A_1127 = arith.constant 2 : i32
      %add3A_1128 = arith.addi %add3A_647, %add3A_1127 : i32
      %get3A_1129 = arith.index_cast %add3A_1128 : i32 to index
      %get3A_1130 = arith.constant 0 : index
      %get3A_1131 = tpu.vector_load %arg7[%get3A_1129, %get3A_1130] {strides = array<i32>} : memref<200x32xf32, #tpu.memory_space<vmem>>, vector<16xf32>,
      %get3A_1132 = arith.index_cast %add3A_1128 : i32 to index
      %get3A_1133 = arith.constant 16 : index
      %get3A_1134 = tpu.vector_load %arg7[%get3A_1132, %get3A_1133] {strides = array<i32>} : memref<200x32xf32, #tpu.memory_space<vmem>>, vector<16xf32>,
      %jit3A_1135 = arith.constant 8 : i32
      %div3A_1136 = vector.broadcast %jit3A_1135 : i32 to vector<16xi32>
      %div3A_1137 = arith.divsi %iota3A_1005, %div3A_1136 : vector<16xi32>
      %sign3A_1138 = arith.constant 0 : i32
      %sign3A_1139 = vector.broadcast %sign3A_1138 : i32 to vector<16xi32>
      %sign3A_1140 = arith.cmpi sgt, %iota3A_1005, %sign3A_1139 : vector<16xi32>
      %sign3A_1141 = arith.extui %sign3A_1140 : vector<16xi1> to vector<16xi32>
      %sign3A_1142 = arith.constant 0 : i32
      %sign3A_1143 = vector.broadcast %sign3A_1142 : i32 to vector<16xi32>
      %sign3A_1144 = arith.cmpi slt, %iota3A_1005, %sign3A_1143 : vector<16xi32>
      %sign3A_1145 = arith.extui %sign3A_1144 : vector<16xi1> to vector<16xi32>
      %sign3A_1146 = arith.subi %sign3A_1141, %sign3A_1145 : vector<16xi32>
      %sign3A_1147 = arith.constant 0 : i32
      %sign3A_1148 = arith.cmpi sgt, %jit3A_1135, %sign3A_1147 : i32
      %sign3A_1149 = arith.extui %sign3A_1148 : i1 to i32
      %sign3A_1150 = arith.constant 0 : i32
      %sign3A_1151 = arith.cmpi slt, %jit3A_1135, %sign3A_1150 : i32
      %sign3A_1152 = arith.extui %sign3A_1151 : i1 to i32
      %sign3A_1153 = arith.subi %sign3A_1149, %sign3A_1152 : i32
      %ne3A_1154 = vector.broadcast %sign3A_1153 : i32 to vector<16xi32>
      %ne3A_1155 = arith.cmpi ne, %sign3A_1146, %ne3A_1154 : vector<16xi32>
      %rem3A_1156 = vector.broadcast %jit3A_1135 : i32 to vector<16xi32>
      %rem3A_1157 = arith.remsi %iota3A_1005, %rem3A_1156 : vector<16xi32>
      %ne3A_1158 = arith.constant 0 : i32
      %ne3A_1159 = vector.broadcast %ne3A_1158 : i32 to vector<16xi32>
      %ne3A_1160 = arith.cmpi ne, %rem3A_1157, %ne3A_1159 : vector<16xi32>
      %and3A_1161 = arith.andi %ne3A_1155, %ne3A_1160 : vector<16xi1>
      %sub3A_1162 = arith.constant 1 : i32
      %sub3A_1163 = vector.broadcast %sub3A_1162 : i32 to vector<16xi32>
      %sub3A_1164 = arith.subi %div3A_1137, %sub3A_1163 : vector<16xi32>
      %select_n3A_1165 = arith.select %and3A_1161, %sub3A_1164, %div3A_1137 : vector<16xi1>, vector<16xi32>
      %add3A_1166 = arith.constant 8 : i32
      %add3A_1167 = vector.broadcast %add3A_1166 : i32 to vector<16xi32>
      %add3A_1168 = arith.addi %add3A_1167, %select_n3A_1165 : vector<16xi32>
      %add3A_1169 = arith.constant 2 : i32
      %add3A_1170 = vector.broadcast %add3A_1169 : i32 to vector<16xi32>
      %add3A_1171 = arith.addi %add3A_1168, %add3A_1170 : vector<16xi32>
      %parallel_loop3A_1172 = arith.constant 0 : i32
      %parallel_loop3A_1173 = arith.constant 128 : i32
      %parallel_loop3A_1174 = arith.constant 1 : i32
      scf.for %parallel_loop3A_1251 = %parallel_loop3A_1172 to %parallel_loop3A_1173 step %parallel_loop3A_1174  : i32 {
        %parallel_loop3A_1252 = arith.constant 256 : i32
        %parallel_loop3A_1253 = arith.addi %parallel_loop3A_1252, %parallel_loop3A_1251 : i32
        %parallel_loop3A_1254 = arith.constant 0 : i32
        %parallel_loop3A_1255 = arith.constant 0 : i32
        %parallel_loop3A_1256 = tpu.memref_slice %arg8[%scan3A_605, %parallel_loop3A_1254, %parallel_loop3A_1255] : memref<2x512x32xf32, #tpu.memory_space<vmem>> -> memref<1x512x32xf32, #tpu.memory_space<vmem>>
        %parallel_loop3A_1257 = tpu.memref_squeeze %parallel_loop3A_1256 : memref<1x512x32xf32, #tpu.memory_space<vmem>> -> memref<512x32xf32, #tpu.memory_space<vmem>>
        %parallel_loop3A_1258 = arith.index_cast %parallel_loop3A_1253 : i32 to index
        %parallel_loop3A_1259 = arith.constant 0 : index
        %parallel_loop3A_1260 = tpu.vector_load %parallel_loop3A_1257[%parallel_loop3A_1258, %parallel_loop3A_1259] {strides = array<i32>} : memref<512x32xf32, #tpu.memory_space<vmem>>, vector<16xf32>,
        %parallel_loop3A_1261 = arith.constant 256 : i32
        %parallel_loop3A_1262 = arith.addi %parallel_loop3A_1261, %parallel_loop3A_1251 : i32
        %parallel_loop3A_1263 = arith.constant 0 : i32
        %parallel_loop3A_1264 = arith.constant 0 : i32
        %parallel_loop3A_1265 = tpu.memref_slice %arg8[%scan3A_605, %parallel_loop3A_1263, %parallel_loop3A_1264] : memref<2x512x32xf32, #tpu.memory_space<vmem>> -> memref<1x512x32xf32, #tpu.memory_space<vmem>>
        %parallel_loop3A_1266 = tpu.memref_squeeze %parallel_loop3A_1265 : memref<1x512x32xf32, #tpu.memory_space<vmem>> -> memref<512x32xf32, #tpu.memory_space<vmem>>
        %parallel_loop3A_1267 = arith.index_cast %parallel_loop3A_1262 : i32 to index
        %parallel_loop3A_1268 = arith.constant 16 : index
        %parallel_loop3A_1269 = tpu.vector_load %parallel_loop3A_1266[%parallel_loop3A_1267, %parallel_loop3A_1268] {strides = array<i32>} : memref<512x32xf32, #tpu.memory_space<vmem>>, vector<16xf32>,
        %parallel_loop3A_1270 = vector.broadcast %parallel_loop3A_1251 : i32 to vector<16xi32>
        %parallel_loop3A_1271 = arith.addi %mul3A_1030, %parallel_loop3A_1270 : vector<16xi32>
        %parallel_loop3A_1272 = arith.addf %parallel_loop3A_1260, %get3A_1131 : vector<16xf32>
        %parallel_loop3A_1273 = arith.constant 0 : i32
        %parallel_loop3A_1274 = arith.constant 0 : i32
        %parallel_loop3A_1275 = arith.constant 0 : i32
        %parallel_loop3A_1276 = tpu.memref_slice %arg9[%scan3A_604, %parallel_loop3A_1273, %parallel_loop3A_1274, %parallel_loop3A_1275] : memref<2x16x8x129xf32, #tpu.memory_space<vmem>> -> memref<1x16x8x129xf32, #tpu.memory_space<vmem>>
        %parallel_loop3A_1277 = tpu.memref_squeeze %parallel_loop3A_1276 : memref<1x16x8x129xf32, #tpu.memory_space<vmem>> -> memref<16x8x129xf32, #tpu.memory_space<vmem>>
        tpu.vector_store_idx %parallel_loop3A_1277[%add3A_1168, %select_n3A_1027, %parallel_loop3A_1271], %parallel_loop3A_1272 : memref<16x8x129xf32, #tpu.memory_space<vmem>>[vector<16xi32>, vector<16xi32>, vector<16xi32>], vector<16xf32>,
        %parallel_loop3A_1278 = arith.addf %parallel_loop3A_1269, %get3A_1134 : vector<16xf32>
        %parallel_loop3A_1279 = arith.constant 0 : i32
        %parallel_loop3A_1280 = arith.constant 0 : i32
        %parallel_loop3A_1281 = arith.constant 0 : i32
        %parallel_loop3A_1282 = tpu.memref_slice %arg9[%scan3A_604, %parallel_loop3A_1279, %parallel_loop3A_1280, %parallel_loop3A_1281] : memref<2x16x8x129xf32, #tpu.memory_space<vmem>> -> memref<1x16x8x129xf32, #tpu.memory_space<vmem>>
        %parallel_loop3A_1283 = tpu.memref_squeeze %parallel_loop3A_1282 : memref<1x16x8x129xf32, #tpu.memory_space<vmem>> -> memref<16x8x129xf32, #tpu.memory_space<vmem>>
        tpu.vector_store_idx %parallel_loop3A_1283[%add3A_1171, %select_n3A_1027, %parallel_loop3A_1271], %parallel_loop3A_1278 : memref<16x8x129xf32, #tpu.memory_space<vmem>>[vector<16xi32>, vector<16xi32>, vector<16xi32>], vector<16xf32>,
      } {sc.loop_unroll_factor = 8 : i64, sc.parallel_access}
      %add3A_1175 = arith.constant 3 : i32
      %add3A_1176 = arith.addi %add3A_647, %add3A_1175 : i32
      %get3A_1177 = arith.index_cast %add3A_1176 : i32 to index
      %get3A_1178 = arith.constant 0 : index
      %get3A_1179 = tpu.vector_load %arg7[%get3A_1177, %get3A_1178] {strides = array<i32>} : memref<200x32xf32, #tpu.memory_space<vmem>>, vector<16xf32>,
      %get3A_1180 = arith.index_cast %add3A_1176 : i32 to index
      %get3A_1181 = arith.constant 16 : index
      %get3A_1182 = tpu.vector_load %arg7[%get3A_1180, %get3A_1181] {strides = array<i32>} : memref<200x32xf32, #tpu.memory_space<vmem>>, vector<16xf32>,
      %jit3A_1183 = arith.constant 8 : i32
      %div3A_1184 = vector.broadcast %jit3A_1183 : i32 to vector<16xi32>
      %div3A_1185 = arith.divsi %iota3A_1005, %div3A_1184 : vector<16xi32>
      %sign3A_1186 = arith.constant 0 : i32
      %sign3A_1187 = vector.broadcast %sign3A_1186 : i32 to vector<16xi32>
      %sign3A_1188 = arith.cmpi sgt, %iota3A_1005, %sign3A_1187 : vector<16xi32>
      %sign3A_1189 = arith.extui %sign3A_1188 : vector<16xi1> to vector<16xi32>
      %sign3A_1190 = arith.constant 0 : i32
      %sign3A_1191 = vector.broadcast %sign3A_1190 : i32 to vector<16xi32>
      %sign3A_1192 = arith.cmpi slt, %iota3A_1005, %sign3A_1191 : vector<16xi32>
      %sign3A_1193 = arith.extui %sign3A_1192 : vector<16xi1> to vector<16xi32>
      %sign3A_1194 = arith.subi %sign3A_1189, %sign3A_1193 : vector<16xi32>
      %sign3A_1195 = arith.constant 0 : i32
      %sign3A_1196 = arith.cmpi sgt, %jit3A_1183, %sign3A_1195 : i32
      %sign3A_1197 = arith.extui %sign3A_1196 : i1 to i32
      %sign3A_1198 = arith.constant 0 : i32
      %sign3A_1199 = arith.cmpi slt, %jit3A_1183, %sign3A_1198 : i32
      %sign3A_1200 = arith.extui %sign3A_1199 : i1 to i32
      %sign3A_1201 = arith.subi %sign3A_1197, %sign3A_1200 : i32
      %ne3A_1202 = vector.broadcast %sign3A_1201 : i32 to vector<16xi32>
      %ne3A_1203 = arith.cmpi ne, %sign3A_1194, %ne3A_1202 : vector<16xi32>
      %rem3A_1204 = vector.broadcast %jit3A_1183 : i32 to vector<16xi32>
      %rem3A_1205 = arith.remsi %iota3A_1005, %rem3A_1204 : vector<16xi32>
      %ne3A_1206 = arith.constant 0 : i32
      %ne3A_1207 = vector.broadcast %ne3A_1206 : i32 to vector<16xi32>
      %ne3A_1208 = arith.cmpi ne, %rem3A_1205, %ne3A_1207 : vector<16xi32>
      %and3A_1209 = arith.andi %ne3A_1203, %ne3A_1208 : vector<16xi1>
      %sub3A_1210 = arith.constant 1 : i32
      %sub3A_1211 = vector.broadcast %sub3A_1210 : i32 to vector<16xi32>
      %sub3A_1212 = arith.subi %div3A_1185, %sub3A_1211 : vector<16xi32>
      %select_n3A_1213 = arith.select %and3A_1209, %sub3A_1212, %div3A_1185 : vector<16xi1>, vector<16xi32>
      %add3A_1214 = arith.constant 12 : i32
      %add3A_1215 = vector.broadcast %add3A_1214 : i32 to vector<16xi32>
      %add3A_1216 = arith.addi %add3A_1215, %select_n3A_1213 : vector<16xi32>
      %add3A_1217 = arith.constant 2 : i32
      %add3A_1218 = vector.broadcast %add3A_1217 : i32 to vector<16xi32>
      %add3A_1219 = arith.addi %add3A_1216, %add3A_1218 : vector<16xi32>
      %parallel_loop3A_1220 = arith.constant 0 : i32
      %parallel_loop3A_1221 = arith.constant 128 : i32
      %parallel_loop3A_1222 = arith.constant 1 : i32
      scf.for %parallel_loop3A_1251 = %parallel_loop3A_1220 to %parallel_loop3A_1221 step %parallel_loop3A_1222  : i32 {
        %parallel_loop3A_1252 = arith.constant 384 : i32
        %parallel_loop3A_1253 = arith.addi %parallel_loop3A_1252, %parallel_loop3A_1251 : i32
        %parallel_loop3A_1254 = arith.constant 0 : i32
        %parallel_loop3A_1255 = arith.constant 0 : i32
        %parallel_loop3A_1256 = tpu.memref_slice %arg8[%scan3A_605, %parallel_loop3A_1254, %parallel_loop3A_1255] : memref<2x512x32xf32, #tpu.memory_space<vmem>> -> memref<1x512x32xf32, #tpu.memory_space<vmem>>
        %parallel_loop3A_1257 = tpu.memref_squeeze %parallel_loop3A_1256 : memref<1x512x32xf32, #tpu.memory_space<vmem>> -> memref<512x32xf32, #tpu.memory_space<vmem>>
        %parallel_loop3A_1258 = arith.index_cast %parallel_loop3A_1253 : i32 to index
        %parallel_loop3A_1259 = arith.constant 0 : index
        %parallel_loop3A_1260 = tpu.vector_load %parallel_loop3A_1257[%parallel_loop3A_1258, %parallel_loop3A_1259] {strides = array<i32>} : memref<512x32xf32, #tpu.memory_space<vmem>>, vector<16xf32>,
        %parallel_loop3A_1261 = arith.constant 384 : i32
        %parallel_loop3A_1262 = arith.addi %parallel_loop3A_1261, %parallel_loop3A_1251 : i32
        %parallel_loop3A_1263 = arith.constant 0 : i32
        %parallel_loop3A_1264 = arith.constant 0 : i32
        %parallel_loop3A_1265 = tpu.memref_slice %arg8[%scan3A_605, %parallel_loop3A_1263, %parallel_loop3A_1264] : memref<2x512x32xf32, #tpu.memory_space<vmem>> -> memref<1x512x32xf32, #tpu.memory_space<vmem>>
        %parallel_loop3A_1266 = tpu.memref_squeeze %parallel_loop3A_1265 : memref<1x512x32xf32, #tpu.memory_space<vmem>> -> memref<512x32xf32, #tpu.memory_space<vmem>>
        %parallel_loop3A_1267 = arith.index_cast %parallel_loop3A_1262 : i32 to index
        %parallel_loop3A_1268 = arith.constant 16 : index
        %parallel_loop3A_1269 = tpu.vector_load %parallel_loop3A_1266[%parallel_loop3A_1267, %parallel_loop3A_1268] {strides = array<i32>} : memref<512x32xf32, #tpu.memory_space<vmem>>, vector<16xf32>,
        %parallel_loop3A_1270 = vector.broadcast %parallel_loop3A_1251 : i32 to vector<16xi32>
        %parallel_loop3A_1271 = arith.addi %mul3A_1030, %parallel_loop3A_1270 : vector<16xi32>
        %parallel_loop3A_1272 = arith.addf %parallel_loop3A_1260, %get3A_1179 : vector<16xf32>
        %parallel_loop3A_1273 = arith.constant 0 : i32
        %parallel_loop3A_1274 = arith.constant 0 : i32
        %parallel_loop3A_1275 = arith.constant 0 : i32
        %parallel_loop3A_1276 = tpu.memref_slice %arg9[%scan3A_604, %parallel_loop3A_1273, %parallel_loop3A_1274, %parallel_loop3A_1275] : memref<2x16x8x129xf32, #tpu.memory_space<vmem>> -> memref<1x16x8x129xf32, #tpu.memory_space<vmem>>
        %parallel_loop3A_1277 = tpu.memref_squeeze %parallel_loop3A_1276 : memref<1x16x8x129xf32, #tpu.memory_space<vmem>> -> memref<16x8x129xf32, #tpu.memory_space<vmem>>
        tpu.vector_store_idx %parallel_loop3A_1277[%add3A_1216, %select_n3A_1027, %parallel_loop3A_1271], %parallel_loop3A_1272 : memref<16x8x129xf32, #tpu.memory_space<vmem>>[vector<16xi32>, vector<16xi32>, vector<16xi32>], vector<16xf32>,
        %parallel_loop3A_1278 = arith.addf %parallel_loop3A_1269, %get3A_1182 : vector<16xf32>
        %parallel_loop3A_1279 = arith.constant 0 : i32
        %parallel_loop3A_1280 = arith.constant 0 : i32
        %parallel_loop3A_1281 = arith.constant 0 : i32
        %parallel_loop3A_1282 = tpu.memref_slice %arg9[%scan3A_604, %parallel_loop3A_1279, %parallel_loop3A_1280, %parallel_loop3A_1281] : memref<2x16x8x129xf32, #tpu.memory_space<vmem>> -> memref<1x16x8x129xf32, #tpu.memory_space<vmem>>
        %parallel_loop3A_1283 = tpu.memref_squeeze %parallel_loop3A_1282 : memref<1x16x8x129xf32, #tpu.memory_space<vmem>> -> memref<16x8x129xf32, #tpu.memory_space<vmem>>
        tpu.vector_store_idx %parallel_loop3A_1283[%add3A_1219, %select_n3A_1027, %parallel_loop3A_1271], %parallel_loop3A_1278 : memref<16x8x129xf32, #tpu.memory_space<vmem>>[vector<16xi32>, vector<16xi32>, vector<16xi32>], vector<16xf32>,
      } {sc.loop_unroll_factor = 8 : i64, sc.parallel_access}
      %mul3A_1223 = arith.constant 4 : i32
      %mul3A_1224 = arith.muli %add3A_647, %mul3A_1223 : i32
      %dma_start3A_1225 = arith.constant 0 : i32
      %dma_start3A_1226 = arith.constant 0 : i32
      %dma_start3A_1227 = arith.constant 0 : i32
      %dma_start3A_1228 = tpu.memref_slice %arg9[%scan3A_604, %dma_start3A_1225, %dma_start3A_1226, %dma_start3A_1227] : memref<2x16x8x129xf32, #tpu.memory_space<vmem>> -> memref<1x16x8x129xf32, #tpu.memory_space<vmem>>
      %dma_start3A_1229 = tpu.memref_squeeze %dma_start3A_1228 : memref<1x16x8x129xf32, #tpu.memory_space<vmem>> -> memref<16x8x129xf32, #tpu.memory_space<vmem>>
      %dma_start3A_1230 = arith.constant 0 : i32
      %dma_start3A_1231 = arith.constant 0 : i32
      %dma_start3A_1232 = arith.constant 0 : i32
      %dma_start3A_1233 = tpu.memref_slice %dma_start3A_1229[%dma_start3A_1230, %dma_start3A_1231, %dma_start3A_1232] : memref<16x8x129xf32, #tpu.memory_space<vmem>> -> memref<16x8x128xf32, #tpu.memory_space<vmem>>
      %dma_start3A_1234 = arith.constant 0 : i32
      %dma_start3A_1235 = arith.constant 0 : i32
      %dma_start3A_1236 = tpu.memref_slice %arg5[%mul3A_1224, %add3A, %dma_start3A_1234, %dma_start3A_1235] : memref<800x32x8x128xf32, #tpu.memory_space<hbm>> -> memref<16x1x8x128xf32, #tpu.memory_space<hbm>>
      %dma_start3A_1237 = tpu.memref_squeeze %dma_start3A_1236 : memref<16x1x8x128xf32, #tpu.memory_space<hbm>> -> memref<16x8x128xf32, #tpu.memory_space<hbm>>
      %dma_start3A_1238 = arith.constant 0 : i32
      %dma_start3A_1239 = arith.constant 0 : i32
      %dma_start3A_1240 = tpu.memref_slice %arg5[%mul3A_1224, %add3A, %dma_start3A_1238, %dma_start3A_1239] : memref<800x32x8x128xf32, #tpu.memory_space<hbm>> -> memref<16x1x8x128xf32, #tpu.memory_space<hbm>>
      %dma_start3A_1241 = tpu.memref_squeeze %dma_start3A_1240 : memref<16x1x8x128xf32, #tpu.memory_space<hbm>> -> memref<16x8x128xf32, #tpu.memory_space<hbm>>
      %dma_start3A_1242 = arith.constant 0 : i32
      %dma_start3A_1243 = arith.constant 0 : i32
      %dma_start3A_1244 = arith.constant 0 : i32
      %dma_start3A_1245 = tpu.memref_slice %arg9[%scan3A_604, %dma_start3A_1242, %dma_start3A_1243, %dma_start3A_1244] : memref<2x16x8x129xf32, #tpu.memory_space<vmem>> -> memref<1x16x8x129xf32, #tpu.memory_space<vmem>>
      %dma_start3A_1246 = tpu.memref_squeeze %dma_start3A_1245 : memref<1x16x8x129xf32, #tpu.memory_space<vmem>> -> memref<16x8x129xf32, #tpu.memory_space<vmem>>
      %dma_start3A_1247 = arith.constant 0 : i32
      %dma_start3A_1248 = arith.constant 0 : i32
      %dma_start3A_1249 = arith.constant 0 : i32
      %dma_start3A_1250 = tpu.memref_slice %dma_start3A_1246[%dma_start3A_1247, %dma_start3A_1248, %dma_start3A_1249] : memref<16x8x129xf32, #tpu.memory_space<vmem>> -> memref<16x8x128xf32, #tpu.memory_space<vmem>>
      tpu.enqueue_dma source(%dma_start3A_1250 : memref<16x8x128xf32, #tpu.memory_space<vmem>>) target(%dma_start3A_1241 : memref<16x8x128xf32, #tpu.memory_space<hbm>>) target_semaphore(%arg13 : memref<!tpu.dma_semaphore, #tpu.memory_space<semaphore_mem>>)
    }
    %scan3A_611 = arith.constant 25 : i32
    %dma_wait3A_612 = arith.constant 1 : i32
    %dma_wait3A_613 = arith.constant 0 : i32
    %dma_wait3A_614 = arith.constant 0 : i32
    %dma_wait3A_615 = arith.constant 0 : i32
    %dma_wait3A_616 = tpu.memref_slice %arg9[%dma_wait3A_612, %dma_wait3A_613, %dma_wait3A_614, %dma_wait3A_615] : memref<2x16x8x129xf32, #tpu.memory_space<vmem>> -> memref<1x16x8x129xf32, #tpu.memory_space<vmem>>
    %dma_wait3A_617 = tpu.memref_squeeze %dma_wait3A_616 : memref<1x16x8x129xf32, #tpu.memory_space<vmem>> -> memref<16x8x129xf32, #tpu.memory_space<vmem>>
    %dma_wait3A_618 = arith.constant 0 : i32
    %dma_wait3A_619 = arith.constant 0 : i32
    %dma_wait3A_620 = arith.constant 0 : i32
    %dma_wait3A_621 = tpu.memref_slice %dma_wait3A_617[%dma_wait3A_618, %dma_wait3A_619, %dma_wait3A_620] : memref<16x8x129xf32, #tpu.memory_space<vmem>> -> memref<16x8x128xf32, #tpu.memory_space<vmem>>
    %dma_wait3A_622 = arith.constant 0 : i32
    %dma_wait3A_623 = arith.constant 0 : i32
    %dma_wait3A_624 = arith.constant 0 : i32
    %dma_wait3A_625 = tpu.memref_slice %arg5[%dma_wait3A_622, %add3A, %dma_wait3A_623, %dma_wait3A_624] : memref<800x32x8x128xf32, #tpu.memory_space<hbm>> -> memref<16x1x8x128xf32, #tpu.memory_space<hbm>>
    %dma_wait3A_626 = tpu.memref_squeeze %dma_wait3A_625 : memref<16x1x8x128xf32, #tpu.memory_space<hbm>> -> memref<16x8x128xf32, #tpu.memory_space<hbm>>
    %dma_wait3A_627 = arith.constant 0 : i32
    %dma_wait3A_628 = arith.constant 0 : i32
    %dma_wait3A_629 = arith.constant 0 : i32
    %dma_wait3A_630 = tpu.memref_slice %arg5[%dma_wait3A_627, %add3A, %dma_wait3A_628, %dma_wait3A_629] : memref<800x32x8x128xf32, #tpu.memory_space<hbm>> -> memref<16x1x8x128xf32, #tpu.memory_space<hbm>>
    %dma_wait3A_631 = tpu.memref_squeeze %dma_wait3A_630 : memref<16x1x8x128xf32, #tpu.memory_space<hbm>> -> memref<16x8x128xf32, #tpu.memory_space<hbm>>
    %dma_wait3A_632 = arith.constant 0 : i32
    %dma_wait3A_633 = arith.constant 0 : i32
    %dma_wait3A_634 = arith.constant 0 : i32
    %dma_wait3A_635 = tpu.memref_slice %arg9[%dma_wait3A_612, %dma_wait3A_632, %dma_wait3A_633, %dma_wait3A_634] : memref<2x16x8x129xf32, #tpu.memory_space<vmem>> -> memref<1x16x8x129xf32, #tpu.memory_space<vmem>>
    %dma_wait3A_636 = tpu.memref_squeeze %dma_wait3A_635 : memref<1x16x8x129xf32, #tpu.memory_space<vmem>> -> memref<16x8x129xf32, #tpu.memory_space<vmem>>
    %dma_wait3A_637 = arith.constant 0 : i32
    %dma_wait3A_638 = arith.constant 0 : i32
    %dma_wait3A_639 = arith.constant 0 : i32
    %dma_wait3A_640 = tpu.memref_slice %dma_wait3A_636[%dma_wait3A_637, %dma_wait3A_638, %dma_wait3A_639] : memref<16x8x129xf32, #tpu.memory_space<vmem>> -> memref<16x8x128xf32, #tpu.memory_space<vmem>>
    tpu.wait_dma2 semaphore(%arg13 : memref<!tpu.dma_semaphore, #tpu.memory_space<semaphore_mem>>) src(%dma_wait3A_640 : memref<16x8x128xf32, #tpu.memory_space<vmem>>) dst(%dma_wait3A_631 : memref<16x8x128xf32, #tpu.memory_space<hbm>>)
    return
  }
}

</mosaic_0001>

<sc_bundles>
// kernel: _emb_call.3.cloned.1.call-start
scs
__scs_entry_jumppad:
0x0: {  	(pc) =	sbr.rel $0x88, $3  }
0x1: {  	(tag) =	ssettag $0x0;
	lr =	simm.s32 $0x1  }
0x2: {  	[smem:$0x3F9E] =	sst lr;
	_ =	strace $0xD0000000  }
0x3: {  	_ = 	snop  }
0x4: {  	_ = 	snop  }
0x5: {  	_ = 	snop  }
0x6: {  	_ = 	snop  }
0x7: {  	_ = 	snop  }
__scs_overlays_trampoline_lowered:
0x8: {  	[smem:$0x3FAD] =	sst s0  }
0x9: {  	[smem:$0x3FAE] =	sst s1  }
0xa: {  	[smem:$0x3FAF] =	sst s2  }
0xb: {  	[smem:$0x3FB0] =	sst s3  }
0xc: {  	[smem:$0x3FB1] =	sst s4  }
0xd: {  	[smem:$0x3FB2] =	sst s5  }
0xe: {  	[smem:$0x3FB3] =	sst s6  }
0xf: {  	[smem:$0x3FB4] =	sst s7  }
0x10: {  	[smem:$0x3FB5] =	sst s8  }
0x11: {  	[smem:$0x3FB6] =	sst s9;
	s0 =	simm.s32 @!p0 $0x0  }
0x12: {  	s1 =	sld [smem:$0x3F9C];
	s0 =	simm.s32 @p0 $0x1  }
0x13: {  	[smem:$0x3FB7] =	sst s0;
	s0 =	simm.s32 @!p1 $0x0  }
0x14: {  	s2 =	sld [smem:$0x3F9B];
	s0 =	simm.s32 @p1 $0x1  }
0x15: {  	[smem:$0x3FB8] =	sst s0;
	s0 =	simm.s32 @!p2 $0x0  }
0x16: {  	s3 =	sld [smem:$0x3FDB];
	s0 =	simm.s32 @p2 $0x1  }
0x17: {  	s4 =	simm.s32 $0x1BF5;
	[smem:$0x3FBA] =	sst s0  }
0x18: {  	s0 =	sld [smem:$0x3F9D];
	_ =	swait.ge [sflag:s4], $0x0  }
0x19: {  	s7 =	sld [smem:$0x3F9E]  }
0x1a: {  	s8 =	sadd.s32 $0xFFFFE003, lr  }
0x1b: {  	s9 =	sadd.s32 $0xFFFFFEF7, lr;
	s5 =	simm.s32 $0xFFFFFFFF;
	p2 =	slt.u32 s8, $0xFFFFF086  }
0x1c: {  	p1 =	slt.u32 s9, $0xF7A;
	s5 =	simm.s32 @!p2 $0x0  }
0x1d: {  	s5 =	simm.s32 @p1 $0x1;
	p0 =	seq.s32 s7, s2  }
0x1e: {  	s7 =	smul.u32 @!p0 $0xF7A, s2;
	p2 =	seq.s32 @!p0 s5, $0x0  }
0x1f: {  	s9 =	smul.u32 $0xF7A, s1;
	s8 =	simm.s32 @!p0 $0x1BF5;
	p2 =	por !p2, p0  }
0x20: {  	[sflag:s8] =	ssyncset.s32 @!p0 $0xFFFFF086;
	s6 =	sadd.s32 @!p0 s3, s7;
	s7 =	simm.s32 @!p0 $0x108  }
0x21: {  	s3 =	sadd.s32 s3, s9;
	s6 =	sadd.s32 @!p0 $0x88, s6;
	s7 =	simm.s32 @p2 $0x1082  }
0x22: {  	[simem:s7], [sflag:s8] =	dma.local @!p0 [hbm:s6], $0xF7A  }
0x23: {  	s9 =	sor.u32 $0xD0000000, s2;
	s6 =	simm.s32 $0x108;
	_ =	swait.ge @!p0 [sflag:s8], $0x0  }
0x24: {  	s3 =	sadd.s32 $0x88, s3;
	s6 =	simm.s32 @!p1 $0x1082;
	[sflag:s4] =	ssyncset.s32 $0xFFFFF086  }
0x25: {  	[simem:s6], [sflag:s4] =	dma.local [hbm:s3], $0xF7A  }
0x26: {  	[smem:$0x3F9E] =	sst s1;
	(tag) =	ssettag s2;
	_ =	strace s9  }
0x27: {  	s1 =	sld [smem:$0x3FAE]  }
0x28: {  	s2 =	sld [smem:$0x3FAF]  }
0x29: {  	s4 =	sld [smem:$0x3FB1]  }
0x2a: {  	p0 =	seq.s32 s5, $0x0;
	s5 =	sld [smem:$0x3FB2]  }
0x2b: {  	s6 =	sld [smem:$0x3FB3]  }
0x2c: {  	s7 =	sld [smem:$0x3FB4]  }
0x2d: {  	s3 =	simm.s32 $0x108;
	s8 =	sld [smem:$0x3FB5]  }
0x2e: {  	s3 =	simm.s32 @!p0 $0x1082;
	s9 =	sld [smem:$0x3FB6]  }
0x2f: {  	lr =	sadd.s32 s0, s3;
	s0 =	sld [smem:$0x3FAD]  }
0x30: {  	s3 =	sld [smem:$0x3FB0]  }
0x31: {  	[smem:$0x3FB9] =	sst s10  }
0x32: {  	s10 =	sld [smem:$0x3FB7];
	_ =	sdelay $0x3  }
0x33: {  	p0 =	seq.s32 s10, $0x1;
	s10 =	sld [smem:$0x3FB9];
	_ =	sdelay $0x3  }
0x34: {  	[smem:$0x3FB9] =	sst s10  }
0x35: {  	s10 =	sld [smem:$0x3FB8];
	_ =	sdelay $0x3  }
0x36: {  	p1 =	seq.s32 s10, $0x1;
	s10 =	sld [smem:$0x3FB9];
	_ =	sdelay $0x3  }
0x37: {  	[smem:$0x3FB9] =	sst s10  }
0x38: {  	s10 =	sld [smem:$0x3FBA]  }
0x39: {  	_ = 	snop;
	(pc) =	sbr.ind lr, $3  }
0x3a: {  	_ = 	snop  }
0x3b: {  	_ = 	snop  }
0x3c: {  	p2 =	seq.s32 s10, $0x1;
	s10 =	sld [smem:$0x3FB9]  }
0x3d: {  	_ =	shalt  }
0x3e: {  	_ =	shalt  }
0x3f: {  	_ =	shalt  }
0x40: {  	_ =	shalt  }
0x41: {  	_ =	shalt  }
0x42: {  	_ =	shalt  }
0x43: {  	_ =	shalt  }
0x44: {  	_ =	shalt  }
0x45: {  	_ =	shalt  }
0x46: {  	_ =	shalt  }
0x47: {  	_ =	shalt  }
0x48: {  	_ =	shalt  }
0x49: {  	_ =	shalt  }
0x4a: {  	_ =	shalt  }
0x4b: {  	_ =	shalt  }
0x4c: {  	_ =	shalt  }
0x4d: {  	_ =	shalt  }
0x4e: {  	_ =	shalt  }
0x4f: {  	_ =	shalt  }
0x50: {  	_ =	shalt  }
0x51: {  	_ =	shalt  }
0x52: {  	_ =	shalt  }
0x53: {  	_ =	shalt  }
0x54: {  	_ =	shalt  }
0x55: {  	_ =	shalt  }
0x56: {  	_ =	shalt  }
0x57: {  	_ =	shalt  }
0x58: {  	_ =	shalt  }
0x59: {  	_ =	shalt  }
0x5a: {  	_ =	shalt  }
0x5b: {  	_ =	shalt  }
0x5c: {  	_ =	shalt  }
0x5d: {  	_ =	shalt  }
0x5e: {  	_ =	shalt  }
0x5f: {  	_ =	shalt  }
0x60: {  	_ =	shalt  }
0x61: {  	_ =	shalt  }
0x62: {  	_ =	shalt  }
0x63: {  	_ =	shalt  }
0x64: {  	_ =	shalt  }
0x65: {  	_ =	shalt  }
0x66: {  	_ =	shalt  }
0x67: {  	_ =	shalt  }
0x68: {  	_ =	shalt  }
0x69: {  	_ =	shalt  }
0x6a: {  	_ =	shalt  }
0x6b: {  	_ =	shalt  }
0x6c: {  	_ =	shalt  }
0x6d: {  	_ =	shalt  }
0x6e: {  	_ =	shalt  }
0x6f: {  	_ =	shalt  }
0x70: {  	_ =	shalt  }
0x71: {  	_ =	shalt  }
0x72: {  	_ =	shalt  }
0x73: {  	_ =	shalt  }
0x74: {  	_ =	shalt  }
0x75: {  	_ =	shalt  }
0x76: {  	_ =	shalt  }
0x77: {  	_ =	shalt  }
0x78: {  	_ =	shalt  }
0x79: {  	_ =	shalt  }
0x7a: {  	_ =	shalt  }
0x7b: {  	_ =	shalt  }
0x7c: {  	_ =	shalt  }
0x7d: {  	_ =	shalt  }
0x7e: {  	_ =	shalt  }
0x7f: {  	_ =	shalt  }
0x80: {  	_ =	shalt  }
0x81: {  	_ =	shalt  }
0x82: {  	_ =	shalt  }
0x83: {  	_ =	shalt  }
0x84: {  	_ =	shalt  }
0x85: {  	_ =	shalt  }
0x86: {  	_ =	shalt  }
0x87: {  	_ =	shalt  }
.Lfunc_end0:
.L_simem_size_0:
called_computation_lowered:
.L_overlay_start_0:
0x88: {  	s2 =	sld [smem:$0x3FD9]  }
0x89: {  	s3 =	sld [smem:$0x3FFE];
	_ =	sdelay $0x1  }
0x8a: {  	s1 =	srdreg.scid  }
0x8b: {  	s0 =	sand.u32 $0x1, s1  }
0x8c: {  	s17 =	sshll.u32 s0, $0xA;
	s2 =	sadd.s32 s3, s2  }
0x8d: {  	s2 =	sadd.s32 s2, s17  }
0x8e: {  	[smem:$0x3FC5] =	sst s2  }
0x8f: {  	_ = 	snop  }
0x90: {  	s2 =	sld [smem:$0x3FD0];
	(tm) =	ssettm $0x1  }
0x91: {  	s18 =	sld [smem:$0x3FFB];
	_ =	sdelay $0x3  }
0x92: {  	_ =	strace s18  }
0x93: {  	s3 =	sld [smem:$0x3FFC];
	_ =	sdelay $0x3  }
0x94: {  	_ =	strace s3  }
0x95: {  	s3 =	sld [smem:$0x3FFD];
	_ =	sdelay $0x3  }
0x96: {  	_ =	strace s3  }
0x97: {  	_ =	strace $0x8FFFFFFF  }
0x98: {  	s19 =	sld [smem:$0x3FDB];
	_ =	sdelay $0x1  }
0x99: {  	s4 =	simm.s32 $_scs_section_size  }
0x9a: {  	s5 =	simm.s32 $_size__tile_overlayer_lowered;
	s6 =	simm.s32 $_tile_overlayer_lowered  }
0x9b: {  	s22 =	simm.s32 $0x1BFF;
	s21 =	sshll.u32 s6, $0x1;
	s3 =	sadd.s32 s4, s19  }
0x9c: {  	s7 =	simm.s32 $0x0;
	s20 =	sshll.u32 s5, $0x1;
	s5 =	sadd.s32 s21, s3  }
0x9d: {  	[timem:s7], [sflag:s22] =	dma.local [hbm:s5], s20  }
0x9e: {  	_ =	swait.ge [sflag:s22], s20  }
0x9f: {  	s4 =	ssub.s32 $0x0, s20;
	[sflag:s22] =	ssyncset.done $0x0  }
0xa0: {  	[sflag:s22] =	ssyncadd.s32 s4;
	_ =	sdelay $0x1  }
0xa1: {  	s23 =	simm.s32 $0x1B8B  }
0xa2: {  	_ =	swait.ge [sflag:s23], $0x1  }
0xa3: {  	[sflag:s23] =	ssyncset.done $0x0  }
0xa4: {  	s25 =	simm.s32 $0x1B8E;
	s24 =	sld [smem:$0x3FFE];
	[sflag:s23] =	ssyncadd.s32 $0xFFFFFFFF  }
0xa5: {  	s26 =	simm.s32 $execute0_lowered;
	[smem:$0x3FD2] =	sst s25  }
0xa6: {  	s5 =	sshll.u32 s26, $0x1;
	_ =	strace $0x80000046;
	[dreg:$0x1] =	wrdreg $0xFFFFFFFF  }
0xa7: {  	s28 =	simm.s32 $_size_execute0_lowered;
	s3 =	sadd.s32 s3, s5;
	[dreg:$0x0] =	wrdreg $0x0  }
0xa8: {  	s5 =	sshll.u32 s28, $0x1;
	[dreg:$0x2] =	wrdreg s3  }
0xa9: {  	[dreg:$0x3] =	wrdreg s5  }
0xaa: {  	[dreg:$0x4] =	wrdreg $0xC0  }
0xab: {  	_ =	task [dreg:s7], $0x5FFFF  }
0xac: {  	[dreg:$0x1] =	wrdreg $0xFFFFFFFF  }
0xad: {  	[dreg:$0x0] =	wrdreg $0x60  }
0xae: {  	[dreg:$0x2] =	wrdreg s24  }
0xaf: {  	[dreg:$0x3] =	wrdreg s2  }
0xb0: {  	[dreg:$0x4] =	wrdreg $0x9  }
0xb1: {  	_ =	task.clear_ibuf [dreg:s7], $0x5FFFF;
	_ =	strace $0x90000046  }
0xb2: {  	s29 =	simm.s32 $0x9;
	_ =	strace $0x80000048  }
0xb3: {  	_ =	swait.ge [sflag:s29], $0x1  }
0xb4: {  	[sflag:s29] =	ssyncadd.s32 $0xFFFFFFFF  }
0xb5: {  	_ =	strace $0x90000048  }
0xb6: {  	_ =	sfence  }
0xb7: {  	s30 =	sld [smem:$0x0];
	_ =	sdelay $0x2  }
0xb8: {  	s31 =	sshll.u32 s1, $0xD;
	s1 =	sshrl.u32 s1, $0x2  }
0xb9: {  	s3 =	sand.u32 $0x4000, s31;
	s1 =	sadd.s32 s1, s30  }
0xba: {  	s0 =	sor.u32 s3, s0;
	s1 =	sshll.u32 s1, $0x11  }
0xbb: {  	s0 =	sor.u32 s1, s0  }
0xbc: {  	s0 =	sadd.s32 $0x8F2B, s0  }
0xbd: {  	[sflag:s0] =	ssyncadd.remote.s32 $0x1  }
0xbe: {  	_ =	sfence.sel $0xFFFF  }
0xbf: {  	[dreg:$0x0] =	wrdreg $0xFFFFFFFF;
	(pc) =	sbr.abs _section_cstart, $3  }
0xc0: {  	[dreg:$0x1] =	wrdreg $0xFFFFFFFF  }
0xc1: {  	_ =	task.clear_ibuf [dreg:s7], $0x2FFFF;
	_ =	strace $0x9FFFFFFF  }
0xc2: {  	(tm) =	ssettm $0x7FFFFFFF  }
0xc3: {  	_ =	shalt  }
tec
execute0_lowered:
.L_overlay_start_1:
0x0: {  	(tag) =	ssettag $0x1  }
0x1: {  	v0 =	vlaneseq.u32  }
0x2: {  	s3 =	stileid.u32;
	v0 =	vmul.u32 $0x88, v0  }
0x3: {  	s1 =	rddreg [dreg:$0x0];
	s4 =	sshll.u32 s3, $0xB;
	s3 =	simm.s32 $0x0  }
0x4: {  	[smem:$0x7FF] =	sst s3;
	v2 =	vadd.s32 $0x1983, v0  }
0x5: {  	s2 =	rddreg [dreg:$0x1];
	_ =	strace $0x80000047;
	v37 =	vadd.s32 $0x880, v0;
	[tilespmem:$0x1FCA0] =	vst v2  }
0x6: {  	v38 =	vor.u32 $0x1, v0;
	[tilespmem:$0x1FDD0] =	vst v37  }
0x7: {  	v39 =	vadd.s32 $0x881, v0;
	[tilespmem:$0x1FDE0] =	vst v38  }
0x8: {  	v24 =	vor.u32 $0x2, v0;
	[tilespmem:$0x1FDF0] =	vst v39  }
0x9: {  	v25 =	vadd.s32 $0x882, v0;
	[tilespmem:$0x1FE00] =	vst v24  }
0xa: {  	v26 =	vor.u32 $0x3, v0;
	[tilespmem:$0x1FE10] =	vst v25  }
0xb: {  	v27 =	vadd.s32 $0x883, v0;
	[tilespmem:$0x1FE20] =	vst v26  }
0xc: {  	v28 =	vor.u32 $0x4, v0;
	[tilespmem:$0x1FE30] =	vst v27  }
0xd: {  	v29 =	vadd.s32 $0x884, v0;
	[tilespmem:$0x1FE40] =	vst v28  }
0xe: {  	v30 =	vor.u32 $0x5, v0;
	[tilespmem:$0x1FE50] =	vst v29  }
0xf: {  	v31 =	vadd.s32 $0x885, v0;
	[tilespmem:$0x1FE60] =	vst v30  }
0x10: {  	v32 =	vor.u32 $0x6, v0;
	[tilespmem:$0x1FE70] =	vst v31  }
0x11: {  	v33 =	vadd.s32 $0x886, v0;
	[tilespmem:$0x1FE80] =	vst v32  }
0x12: {  	v34 =	vor.u32 $0x7, v0;
	[tilespmem:$0x1FE90] =	vst v33  }
0x13: {  	v35 =	vadd.s32 $0x887, v0;
	[tilespmem:$0x1FEA0] =	vst v34  }
0x14: {  	v36 =	vadd.s32 $0x1100, v0;
	[tilespmem:$0x1FEB0] =	vst v35  }
0x15: {  	v41 =	vadd.s32 $0x1980, v0;
	[tilespmem:$0x1FEC0] =	vst v36  }
0x16: {  	v42 =	vadd.s32 $0x1101, v0;
	[tilespmem:$0x1FED0] =	vst v41  }
0x17: {  	v43 =	vadd.s32 $0x1981, v0;
	[tilespmem:$0x1FEE0] =	vst v42  }
0x18: {  	v40 =	vadd.s32 $0x1102, v0;
	[tilespmem:$0x1FEF0] =	vst v43  }
0x19: {  	v10 =	vadd.s32 $0x1982, v0;
	[tilespmem:$0x1FF00] =	vst v40  }
0x1a: {  	s0 =	srdreg.scid;
	v46 =	vadd.s32 $0x1103, v0;
	[tilespmem:$0x1FF10] =	vst v10  }
0x1b: {  	s0 =	sand.u32 $0x1, s0;
	v48 =	vadd.s32 $0x1104, v0;
	[tilespmem:$0x1FF20] =	vst v46  }
0x1c: {  	s5 =	sshll.u32 s0, $0xA;
	v11 =	vadd.s32 $0x1984, v0;
	[tilespmem:$0x1FF30] =	vst v48  }
0x1d: {  	s0 =	ssub.s32 $0x2, s0;
	s4 =	sor.u32 s5, s4;
	v50 =	vadd.s32 $0x1105, v0;
	[tilespmem:$0x1FF40] =	vst v11  }
0x1e: {  	s7 =	sshrl.u32 s0, $0x1;
	v12 =	vadd.s32 $0x1985, v0;
	s5 =	sshrl.u32 s4, $0x3;
	[tilespmem:$0x1FF50] =	vst v50  }
0x1f: {  	v52 =	vadd.s32 $0x1106, v0;
	[tilespmem:$0x1FF60] =	vst v12;
	s6 =	sadd.s32 s5, s1;
	s5 =	sadd.s32 $0x61B000, s1;
	s1 =	sadd.s32 $0x19800, s1  }
0x20: {  	v53 =	vadd.s32 $0x1986, v0;
	s0 =	ssub.s32 s0, s7;
	[tilespmem:$0x1FF70] =	vst v52;
	[dreg:$0x3] =	wrdreg s1;
	s7 =	sadd.s32 $0x800, s6  }
0x21: {  	v45 =	vadd.s32 $0x1107, v0;
	[tilespmem:$0x1FF80] =	vst v53;
	s8 =	sadd.s32 $0x1800, s6;
	[dreg:$0x4] =	wrdreg s7  }
0x22: {  	v51 =	vadd.s32 $0x1987, v0;
	[tilespmem:$0x1FF90] =	vst v45;
	s9 =	sadd.s32 $0x2800, s6;
	[dreg:$0x5] =	wrdreg s8  }
0x23: {  	v54 =	vadd.s32 $0x2A82, v0;
	[tilespmem:$0x1FFA0] =	vst v51;
	s10 =	sadd.s32 $0x3800, s6;
	[dreg:$0x6] =	wrdreg s9  }
0x24: {  	v55 =	vadd.s32 $0x2A83, v0;
	[tilespmem:$0x1FFB0] =	vst v54;
	s11 =	sadd.s32 $0x4800, s6;
	[dreg:$0x7] =	wrdreg s10  }
0x25: {  	v44 =	vadd.s32 $0x3300, v0;
	[tilespmem:$0x1FFC0] =	vst v55;
	s12 =	sadd.s32 $0x5800, s6;
	[dreg:$0x8] =	wrdreg s11  }
0x26: {  	v47 =	vadd.s32 $0x3B80, v0;
	[tilespmem:$0x1FFD0] =	vst v44;
	s13 =	sadd.s32 $0x6800, s6;
	[dreg:$0x9] =	wrdreg s12  }
0x27: {  	v49 =	vadd.s32 $0x3301, v0;
	[tilespmem:$0x1FFE0] =	vst v47;
	s14 =	sadd.s32 $0x7800, s6;
	[dreg:$0xa] =	wrdreg s13  }
0x28: {  	v2 =	vadd.s32 $0x2200, v0;
	[tilespmem:$0x1FFF0] =	vst v49;
	s15 =	sadd.s32 $0x8800, s6;
	[dreg:$0xb] =	wrdreg s14  }
0x29: {  	[tilespmem:$0x1FCB0] =	vst v2;
	v2 =	vadd.s32 $0x2A80, v0;
	s16 =	sadd.s32 $0x9800, s6;
	[dreg:$0xc] =	wrdreg s15  }
0x2a: {  	s17 =	sadd.s32 $0xA800, s6;
	[tilespmem:$0x1FCC0] =	vst v2;
	v2 =	vadd.s32 $0x2201, v0;
	[dreg:$0xd] =	wrdreg s16  }
0x2b: {  	s18 =	sadd.s32 $0xB800, s6;
	[dreg:$0xe] =	wrdreg s17;
	[tilespmem:$0x1FCD0] =	vst v2;
	v2 =	vadd.s32 $0x2A81, v0  }
0x2c: {  	s19 =	sadd.s32 $0xC800, s6;
	[dreg:$0xf] =	wrdreg s18;
	[tilespmem:$0x1FCE0] =	vst v2;
	v2 =	vadd.s32 $0x2202, v0  }
0x2d: {  	s20 =	sadd.s32 $0xD800, s6;
	[dreg:$0x10] =	wrdreg s19;
	[tilespmem:$0x1FCF0] =	vst v2;
	v2 =	vadd.s32 $0x2203, v0  }
0x2e: {  	s21 =	sadd.s32 $0xE800, s6;
	[dreg:$0x11] =	wrdreg s20;
	[tilespmem:$0x1FD00] =	vst v2;
	v2 =	vadd.s32 $0x2204, v0  }
0x2f: {  	s22 =	sadd.s32 $0xF800, s6;
	[dreg:$0x12] =	wrdreg s21;
	[tilespmem:$0x1FD10] =	vst v2;
	v2 =	vadd.s32 $0x2A84, v0  }
0x30: {  	s23 =	sadd.s32 $0x10800, s6;
	[dreg:$0x13] =	wrdreg s22;
	[tilespmem:$0x1FD20] =	vst v2;
	v2 =	vadd.s32 $0x2205, v0  }
0x31: {  	s24 =	sadd.s32 $0x11800, s6;
	[dreg:$0x14] =	wrdreg s23;
	[tilespmem:$0x1FD30] =	vst v2;
	v2 =	vadd.s32 $0x2A85, v0  }
0x32: {  	s25 =	sadd.s32 $0x12800, s6;
	[dreg:$0x15] =	wrdreg s24;
	[tilespmem:$0x1FD40] =	vst v2;
	v2 =	vadd.s32 $0x2206, v0  }
0x33: {  	s0 =	smax.u32 s0, $0x1;
	s26 =	sadd.s32 $0x13800, s6;
	[dreg:$0x16] =	wrdreg s25;
	[tilespmem:$0x1FD50] =	vst v2;
	v2 =	vadd.s32 $0x2A86, v0  }
0x34: {  	s28 =	sadd.s32 $0x14800, s6;
	s29 =	sadd.s32 $0x15800, s6;
	[dreg:$0x17] =	wrdreg s26;
	[tilespmem:$0x1FD60] =	vst v2;
	v2 =	vadd.s32 $0x2207, v0  }
0x35: {  	s30 =	sadd.s32 $0x16800, s6;
	s31 =	sadd.s32 $0x17800, s6;
	[dreg:$0x18] =	wrdreg s28;
	[tilespmem:$0x1FD70] =	vst v2;
	v2 =	vadd.s32 $0x2A87, v0  }
0x36: {  	s1 =	sadd.s32 $0x18800, s6;
	s6 =	simm.s32 $0x1;
	[dreg:$0x19] =	wrdreg s29;
	[tilespmem:$0x1FD80] =	vst v2;
	v2 =	vadd.s32 $0x3B81, v0  }
0x37: {  	v1 =	vimm.s32 $0x0;
	vm0 =	vcmask $0x300;
	[dreg:$0x1a] =	wrdreg s30;
	s7 =	simm.s32 $0x3;
	s8 =	simm.s32 $0x80;
	[tilespmem:$0x1FD90] =	vst v2;
	v2 =	vadd.s32 $0x3302, v0  }
0x38: {  	v1 =	vsel vm0, $0x3, v1;
	v56 =	vadd.s32 $0x3B83, v0;
	s9 =	simm.s32 $0xBD00;
	s10 =	simm.s32 $0xCD00;
	s11 =	simm.s32 $0xDD00;
	[tilespmem:$0x1FDA0] =	vst v2;
	v2 =	vadd.s32 $0x3B82, v0  }
0x39: {  	v57 =	vadd.s32 $0x3304, v0;
	v58 =	vadd.s32 $0x3B84, v0;
	s12 =	simm.s32 $0xED00;
	s13 =	simm.s32 $0xFD00;
	s14 =	simm.s32 $0x2;
	[tilespmem:$0x1FDB0] =	vst v2;
	v2 =	vadd.s32 $0x3303, v0  }
0x3a: {  	v59 =	vadd.s32 $0x3305, v0;
	v60 =	vadd.s32 $0x3B85, v0;
	v61 =	vadd.s32 $0x3306, v0;
	s15 =	simm.s32 $0x14100;
	s16 =	simm.s32 $0x4;
	s17 =	simm.s32 $0x0;
	[tilespmem:$0x1FDC0] =	vst v2  }
.LBB2_1:
0x3b: {  	s18 =	rddreg [dreg:$0x3];
	s19 =	simm.s32 $0x6400  }
0x3c: {  	[tilespmem:s19], [sflag:$0x3] =	stream.linear.gather [hbm4b:s18+s3], $0x1900, $0x38;
	[tilespmem:$0x18500] =	vst v63  }
0x3d: {  	s23 =	rddreg [dreg:$0x4]  }
0x3e: {  	[tilespmem:s3], [sflag:$0x1] =	stream.linear.gather [hbm4b:s23+s3], $0x400, $0x38;
	[tilespmem:$0x18500] =	vst v63  }
0x3f: {  	s24 =	rddreg [dreg:$0x5];
	s25 =	simm.s32 $0x400  }
0x40: {  	[tilespmem:s25], [sflag:$0x1] =	stream.linear.gather [hbm4b:s24+s3], $0x400, $0x38;
	[tilespmem:$0x18500] =	vst v63  }
0x41: {  	s26 =	rddreg [dreg:$0x6];
	s28 =	simm.s32 $0x800  }
0x42: {  	[tilespmem:s28], [sflag:$0x1] =	stream.linear.gather [hbm4b:s26+s3], $0x400, $0x38;
	[tilespmem:$0x18500] =	vst v63  }
0x43: {  	s29 =	rddreg [dreg:$0x7];
	s30 =	simm.s32 $0xC00  }
0x44: {  	[tilespmem:s30], [sflag:$0x1] =	stream.linear.gather [hbm4b:s29+s3], $0x400, $0x38;
	[tilespmem:$0x18500] =	vst v63  }
0x45: {  	s20 =	rddreg [dreg:$0x8];
	s21 =	simm.s32 $0x1000  }
0x46: {  	[tilespmem:s21], [sflag:$0x1] =	stream.linear.gather [hbm4b:s20+s3], $0x400, $0x38;
	[tilespmem:$0x18500] =	vst v63  }
0x47: {  	s22 =	rddreg [dreg:$0x9];
	s23 =	simm.s32 $0x1400  }
0x48: {  	[tilespmem:s23], [sflag:$0x1] =	stream.linear.gather [hbm4b:s22+s3], $0x400, $0x38;
	[tilespmem:$0x18500] =	vst v63  }
0x49: {  	s24 =	rddreg [dreg:$0xa];
	s25 =	simm.s32 $0x1800  }
0x4a: {  	[tilespmem:s25], [sflag:$0x1] =	stream.linear.gather [hbm4b:s24+s3], $0x400, $0x38;
	[tilespmem:$0x18500] =	vst v63  }
0x4b: {  	s26 =	rddreg [dreg:$0xb];
	s28 =	simm.s32 $0x1C00  }
0x4c: {  	[tilespmem:s28], [sflag:$0x1] =	stream.linear.gather [hbm4b:s26+s3], $0x400, $0x38;
	[tilespmem:$0x18500] =	vst v63  }
0x4d: {  	s29 =	rddreg [dreg:$0xc];
	s30 =	simm.s32 $0x2000  }
0x4e: {  	[tilespmem:s30], [sflag:$0x1] =	stream.linear.gather [hbm4b:s29+s3], $0x400, $0x38;
	[tilespmem:$0x18500] =	vst v63  }
0x4f: {  	s20 =	rddreg [dreg:$0xd];
	s21 =	simm.s32 $0x2400  }
0x50: {  	[tilespmem:s21], [sflag:$0x1] =	stream.linear.gather [hbm4b:s20+s3], $0x400, $0x38;
	[tilespmem:$0x18500] =	vst v63  }
0x51: {  	s22 =	rddreg [dreg:$0xe];
	s23 =	simm.s32 $0x2800  }
0x52: {  	[tilespmem:s23], [sflag:$0x1] =	stream.linear.gather [hbm4b:s22+s3], $0x400, $0x38;
	[tilespmem:$0x18500] =	vst v63  }
0x53: {  	s24 =	rddreg [dreg:$0xf];
	s25 =	simm.s32 $0x2C00  }
0x54: {  	[tilespmem:s25], [sflag:$0x1] =	stream.linear.gather [hbm4b:s24+s3], $0x400, $0x38;
	[tilespmem:$0x18500] =	vst v63  }
0x55: {  	s26 =	rddreg [dreg:$0x10];
	s28 =	simm.s32 $0x3000  }
0x56: {  	[tilespmem:s28], [sflag:$0x1] =	stream.linear.gather [hbm4b:s26+s3], $0x400, $0x38;
	[tilespmem:$0x18500] =	vst v63  }
0x57: {  	s29 =	rddreg [dreg:$0x11];
	s30 =	simm.s32 $0x3400  }
0x58: {  	[tilespmem:s30], [sflag:$0x1] =	stream.linear.gather [hbm4b:s29+s3], $0x400, $0x38;
	[tilespmem:$0x18500] =	vst v63  }
0x59: {  	s20 =	rddreg [dreg:$0x12];
	s21 =	simm.s32 $0x3800  }
0x5a: {  	[tilespmem:s21], [sflag:$0x1] =	stream.linear.gather [hbm4b:s20+s3], $0x400, $0x38;
	[tilespmem:$0x18500] =	vst v63  }
0x5b: {  	s22 =	rddreg [dreg:$0x13];
	s23 =	simm.s32 $0x3C00  }
0x5c: {  	[tilespmem:s23], [sflag:$0x1] =	stream.linear.gather [hbm4b:s22+s3], $0x400, $0x38;
	[tilespmem:$0x18500] =	vst v63  }
0x5d: {  	s24 =	rddreg [dreg:$0x14];
	s25 =	simm.s32 $0x4000  }
0x5e: {  	[tilespmem:s25], [sflag:$0x1] =	stream.linear.gather [hbm4b:s24+s3], $0x400, $0x38;
	[tilespmem:$0x18500] =	vst v63  }
0x5f: {  	s26 =	rddreg [dreg:$0x15];
	s28 =	simm.s32 $0x4400  }
0x60: {  	[tilespmem:s28], [sflag:$0x1] =	stream.linear.gather [hbm4b:s26+s3], $0x400, $0x38;
	[tilespmem:$0x18500] =	vst v63  }
0x61: {  	s29 =	rddreg [dreg:$0x16];
	s30 =	simm.s32 $0x4800  }
0x62: {  	[tilespmem:s30], [sflag:$0x1] =	stream.linear.gather [hbm4b:s29+s3], $0x400, $0x38;
	[tilespmem:$0x18500] =	vst v63  }
0x63: {  	s20 =	rddreg [dreg:$0x17];
	s21 =	simm.s32 $0x4C00  }
0x64: {  	[tilespmem:s21], [sflag:$0x1] =	stream.linear.gather [hbm4b:s20+s3], $0x400, $0x38;
	[tilespmem:$0x18500] =	vst v63  }
0x65: {  	s22 =	rddreg [dreg:$0x18];
	s23 =	simm.s32 $0x5000  }
0x66: {  	[tilespmem:s23], [sflag:$0x1] =	stream.linear.gather [hbm4b:s22+s3], $0x400, $0x38;
	[tilespmem:$0x18500] =	vst v63  }
0x67: {  	s24 =	rddreg [dreg:$0x19];
	s25 =	simm.s32 $0x5400  }
0x68: {  	[tilespmem:s25], [sflag:$0x1] =	stream.linear.gather [hbm4b:s24+s3], $0x400, $0x38;
	[tilespmem:$0x18500] =	vst v63  }
0x69: {  	s26 =	rddreg [dreg:$0x1a];
	s28 =	simm.s32 $0x5800  }
0x6a: {  	[tilespmem:s28], [sflag:$0x1] =	stream.linear.gather [hbm4b:s26+s3], $0x400, $0x38;
	[tilespmem:$0x18500] =	vst v63  }
0x6b: {  	s29 =	simm.s32 $0x5C00  }
0x6c: {  	[tilespmem:s29], [sflag:$0x1] =	stream.linear.gather [hbm4b:s31+s3], $0x400, $0x38;
	[tilespmem:$0x18500] =	vst v63  }
0x6d: {  	s30 =	simm.s32 $0x6000  }
0x6e: {  	[tilespmem:s30], [sflag:$0x1] =	stream.linear.gather [hbm4b:s1+s3], $0x400, $0x38;
	[tilespmem:$0x18500] =	vst v63  }
0x6f: {  	_ =	swait.ge [sflag:s6], $0x400  }
0x70: {  	[sflag:s6] =	ssyncset.done $0x0  }
0x71: {  	[sflag:s6] =	ssyncadd.s32 $0xFFFFFC00  }
0x72: {  	_ =	swait.ge [sflag:s6], $0x400  }
0x73: {  	[sflag:s6] =	ssyncset.done $0x0  }
0x74: {  	[sflag:s6] =	ssyncadd.s32 $0xFFFFFC00  }
0x75: {  	_ =	swait.ge [sflag:s6], $0x400  }
0x76: {  	[sflag:s6] =	ssyncset.done $0x0  }
0x77: {  	[sflag:s6] =	ssyncadd.s32 $0xFFFFFC00  }
0x78: {  	_ =	swait.ge [sflag:s6], $0x400  }
0x79: {  	[sflag:s6] =	ssyncset.done $0x0  }
0x7a: {  	[sflag:s6] =	ssyncadd.s32 $0xFFFFFC00  }
0x7b: {  	_ =	swait.ge [sflag:s6], $0x400  }
0x7c: {  	[sflag:s6] =	ssyncset.done $0x0  }
0x7d: {  	[sflag:s6] =	ssyncadd.s32 $0xFFFFFC00  }
0x7e: {  	_ =	swait.ge [sflag:s6], $0x400  }
0x7f: {  	[sflag:s6] =	ssyncset.done $0x0  }
0x80: {  	[sflag:s6] =	ssyncadd.s32 $0xFFFFFC00  }
0x81: {  	_ =	swait.ge [sflag:s6], $0x400  }
0x82: {  	[sflag:s6] =	ssyncset.done $0x0  }
0x83: {  	[sflag:s6] =	ssyncadd.s32 $0xFFFFFC00  }
0x84: {  	_ =	swait.ge [sflag:s6], $0x400  }
0x85: {  	[sflag:s6] =	ssyncset.done $0x0  }
0x86: {  	[sflag:s6] =	ssyncadd.s32 $0xFFFFFC00  }
0x87: {  	_ =	swait.ge [sflag:s6], $0x400  }
0x88: {  	[sflag:s6] =	ssyncset.done $0x0  }
0x89: {  	[sflag:s6] =	ssyncadd.s32 $0xFFFFFC00  }
0x8a: {  	_ =	swait.ge [sflag:s6], $0x400  }
0x8b: {  	[sflag:s6] =	ssyncset.done $0x0  }
0x8c: {  	[sflag:s6] =	ssyncadd.s32 $0xFFFFFC00  }
0x8d: {  	_ =	swait.ge [sflag:s6], $0x400  }
0x8e: {  	[sflag:s6] =	ssyncset.done $0x0  }
0x8f: {  	[sflag:s6] =	ssyncadd.s32 $0xFFFFFC00  }
0x90: {  	_ =	swait.ge [sflag:s6], $0x400  }
0x91: {  	[sflag:s6] =	ssyncset.done $0x0  }
0x92: {  	[sflag:s6] =	ssyncadd.s32 $0xFFFFFC00  }
0x93: {  	_ =	swait.ge [sflag:s6], $0x400  }
0x94: {  	[sflag:s6] =	ssyncset.done $0x0  }
0x95: {  	[sflag:s6] =	ssyncadd.s32 $0xFFFFFC00  }
0x96: {  	_ =	swait.ge [sflag:s6], $0x400  }
0x97: {  	[sflag:s6] =	ssyncset.done $0x0  }
0x98: {  	[sflag:s6] =	ssyncadd.s32 $0xFFFFFC00  }
0x99: {  	_ =	swait.ge [sflag:s6], $0x400  }
0x9a: {  	[sflag:s6] =	ssyncset.done $0x0  }
0x9b: {  	[sflag:s6] =	ssyncadd.s32 $0xFFFFFC00  }
0x9c: {  	_ =	swait.ge [sflag:s6], $0x400  }
0x9d: {  	[sflag:s6] =	ssyncset.done $0x0  }
0x9e: {  	[sflag:s6] =	ssyncadd.s32 $0xFFFFFC00  }
0x9f: {  	_ =	swait.ge [sflag:s6], $0x400  }
0xa0: {  	[sflag:s6] =	ssyncset.done $0x0  }
0xa1: {  	[sflag:s6] =	ssyncadd.s32 $0xFFFFFC00  }
0xa2: {  	_ =	swait.ge [sflag:s6], $0x400  }
0xa3: {  	[sflag:s6] =	ssyncset.done $0x0  }
0xa4: {  	[sflag:s6] =	ssyncadd.s32 $0xFFFFFC00  }
0xa5: {  	_ =	swait.ge [sflag:s6], $0x400  }
0xa6: {  	[sflag:s6] =	ssyncset.done $0x0  }
0xa7: {  	[sflag:s6] =	ssyncadd.s32 $0xFFFFFC00  }
0xa8: {  	_ =	swait.ge [sflag:s6], $0x400  }
0xa9: {  	[sflag:s6] =	ssyncset.done $0x0  }
0xaa: {  	[sflag:s6] =	ssyncadd.s32 $0xFFFFFC00  }
0xab: {  	_ =	swait.ge [sflag:s6], $0x400  }
0xac: {  	[sflag:s6] =	ssyncset.done $0x0  }
0xad: {  	[sflag:s6] =	ssyncadd.s32 $0xFFFFFC00  }
0xae: {  	_ =	swait.ge [sflag:s6], $0x400  }
0xaf: {  	[sflag:s6] =	ssyncset.done $0x0  }
0xb0: {  	[sflag:s6] =	ssyncadd.s32 $0xFFFFFC00  }
0xb1: {  	_ =	swait.ge [sflag:s6], $0x400  }
0xb2: {  	[sflag:s6] =	ssyncset.done $0x0  }
0xb3: {  	[sflag:s6] =	ssyncadd.s32 $0xFFFFFC00  }
0xb4: {  	_ =	swait.ge [sflag:s6], $0x400  }
0xb5: {  	[sflag:s6] =	ssyncset.done $0x0  }
0xb6: {  	[sflag:s6] =	ssyncadd.s32 $0xFFFFFC00  }
0xb7: {  	_ =	swait.ge [sflag:s6], $0x400  }
0xb8: {  	[sflag:s6] =	ssyncset.done $0x0  }
0xb9: {  	[sflag:s6] =	ssyncadd.s32 $0xFFFFFC00  }
0xba: {  	_ =	swait.ge [sflag:s7], $0x1900  }
0xbb: {  	[sflag:s7] =	ssyncset.done $0x0  }
0xbc: {  	s18 =	simm.s32 $0x40;
	[sflag:s7] =	ssyncadd.s32 $0xFFFFE700  }
0xbd: {  	v5 =	vld [tilespmem:s18+$0x30]  }
0xbe: {  	v6 =	vld [tilespmem:s18+$0xFFFFFFD0]  }
0xbf: {  	v7 =	vld [tilespmem:s18+$0xFFFFFFE0]  }
0xc0: {  	v4 =	vld [tilespmem:s18+$0xFFFFFFF0]  }
0xc1: {  	v3 =	vld [tilespmem:s18+$0x0]  }
0xc2: {  	v2 =	vld [tilespmem:s18+$0x10];
	v8 =	vshll.u32 v5, $0x2  }
0xc3: {  	v9 =	vshll.u32 v6, $0x2;
	v5 =	vld [tilespmem:s18+$0x20];
	[tilespmem:s18+$0x30] =	vst v8  }
0xc4: {  	s19 =	simm.s32 $0x0;
	s20 =	simm.s32 $0xC0;
	v6 =	vld [tilespmem:s18+$0xFFFFFFC0];
	v7 =	vshll.u32 v7, $0x2;
	[tilespmem:s18+$0xFFFFFFD0] =	vst v9  }
.LBB2_2:
0xc5: {  	v8 =	vld [tilespmem:s20+$0x30];
	s19 =	sadd.s32 $0x80, s19;
	[tilespmem:s18+$0xFFFFFFE0] =	vst v7;
	v4 =	vshll.u32 v4, $0x2  }
0xc6: {  	v7 =	vld [tilespmem:s20+$0xFFFFFFD0];
	p0 =	slt.u32 s19, $0x6380;
	[tilespmem:s18+$0xFFFFFFF0] =	vst v4;
	v3 =	vshll.u32 v3, $0x2  }
0xc7: {  	v9 =	vld [tilespmem:s20+$0xFFFFFFE0];
	[tilespmem:s18+$0x0] =	vst v3;
	v2 =	vshll.u32 v2, $0x2  }
.Ltmp0:
0xc8: {  	v4 =	vld [tilespmem:s20+$0xFFFFFFF0];
	[tilespmem:s18+$0x10] =	vst v2;
	v2 =	vshll.u32 v5, $0x2;
	(pc) =	sbr.rel @p0 .LBB2_2-.Ltmp0, $4  }
0xc9: {  	v3 =	vld [tilespmem:s20+$0x0];
	v5 =	vshll.u32 v6, $0x2;
	[tilespmem:s18+$0x20] =	vst v2  }
0xca: {  	v2 =	vld [tilespmem:s20+$0x10];
	v6 =	vshll.u32 v8, $0x2;
	[tilespmem:s18+$0xFFFFFFC0] =	vst v5;
	s18 =	smov.u32 s20  }
0xcb: {  	v7 =	vshll.u32 v7, $0x2;
	v5 =	vld [tilespmem:s20+$0x20];
	[tilespmem:s20+$0x30] =	vst v6  }
0xcc: {  	s20 =	sadd.s32 $0x80, s20;
	v6 =	vld [tilespmem:s18+$0xFFFFFFC0];
	[tilespmem:s18+$0xFFFFFFD0] =	vst v7;
	v7 =	vshll.u32 v9, $0x2  }
0xcd: {  	[tilespmem:s18+$0xFFFFFFE0] =	vst v7;
	v4 =	vshll.u32 v4, $0x2  }
0xce: {  	[tilespmem:s18+$0xFFFFFFF0] =	vst v4;
	v3 =	vshll.u32 v3, $0x2  }
0xcf: {  	[tilespmem:s18+$0x0] =	vst v3;
	v2 =	vshll.u32 v2, $0x2  }
0xd0: {  	[tilespmem:s18+$0x10] =	vst v2;
	v2 =	vshll.u32 v5, $0x2  }
0xd1: {  	v3 =	vshll.u32 v6, $0x2;
	[tilespmem:s18+$0x20] =	vst v2  }
0xd2: {  	s19 =	simm.s32 $0x7D00;
	[tilespmem:s18+$0xFFFFFFC0] =	vst v3;
	s18 =	simm.s32 $0x0  }
0xd3: {  	[tilespmem:s19], [sflag:$0x1] =	stream.indirect.gather [hbm4b:s5+s8], $0x20, s18, s8, $0xb8;
	[tilespmem:$0x18500] =	vst v63  }
0xd4: {  	s26 =	simm.s32 $0x8D00  }
0xd5: {  	[tilespmem:s26], [sflag:$0x1] =	stream.indirect.gather [hbm4b:s5+s8], $0x20, s8, s8, $0xb8;
	[tilespmem:$0x18500] =	vst v63  }
0xd6: {  	s28 =	simm.s32 $0x100;
	s20 =	simm.s32 $0x9D00  }
0xd7: {  	[tilespmem:s20], [sflag:$0x1] =	stream.indirect.gather [hbm4b:s5+s8], $0x20, s28, s8, $0xb8;
	[tilespmem:$0x18500] =	vst v63  }
0xd8: {  	s29 =	simm.s32 $0x180;
	s30 =	simm.s32 $0xAD00;
	s19 =	simm.s32 $0x0  }
0xd9: {  	[tilespmem:s30], [sflag:$0x1] =	stream.indirect.gather [hbm4b:s5+s8], $0x20, s29, s8, $0xb8;
	[tilespmem:$0x18500] =	vst v63  }
.LBB2_4:
0xda: {  	_ =	swait.ge [sflag:s6], $0x4000  }
0xdb: {  	p0 =	seq.s32 s19, $0x0;
	s21 =	sshll.u32 s19, $0x3;
	[sflag:s6] =	ssyncset.done $0x0  }
0xdc: {  	s22 =	simm.s32 @!p0 $0x4;
	s20 =	sor.u32 $0x4, s21;
	[sflag:s6] =	ssyncadd.s32 $0xFFFFC000  }
0xdd: {  	s23 =	sshll.u32 s20, $0x7;
	_ =	swait.ge @!p0 [sflag:s22], $0x4000  }
0xde: {  	s24 =	sand.u32 $0x3FFFFF80, s23;
	s23 =	sor.u32 $0x5, s21;
	[sflag:s22] =	ssyncset.done @!p0 $0x0  }
0xdf: {  	s25 =	sshll.u32 s23, $0x7;
	[sflag:s22] =	ssyncadd.s32 @!p0 $0xFFFFC000  }
0xe0: {  	[tilespmem:s9], [sflag:$0x2] =	stream.indirect.gather [hbm4b:s5+s8], $0x20, s24, s8, $0xb8;
	[tilespmem:$0x18500] =	vst v63  }
0xe1: {  	s22 =	sand.u32 $0x3FFFFF80, s25  }
0xe2: {  	[tilespmem:s10], [sflag:$0x2] =	stream.indirect.gather [hbm4b:s5+s8], $0x20, s22, s8, $0xb8;
	[tilespmem:$0x18500] =	vst v63  }
0xe3: {  	s30 =	simm.s32 $0x2;
	s22 =	sor.u32 $0x6, s21  }
0xe4: {  	s28 =	simm.s32 $0x7;
	s21 =	sor.u32 $0x7, s21;
	s24 =	sshll.u32 s22, $0x7  }
0xe5: {  	s25 =	simm.s32 $0x1;
	s26 =	sshll.u32 s21, $0x7;
	s24 =	sand.u32 $0x3FFFFF80, s24  }
0xe6: {  	[tilespmem:s11], [sflag:$0x2] =	stream.indirect.gather [hbm4b:s5+s8], $0x20, s24, s8, $0xb8;
	[tilespmem:$0x18500] =	vst v63  }
0xe7: {  	v2 =	vmov s18;
	v6 =	vmov s30;
	s30 =	simm.s32 $0x5;
	v5 =	vmov s25;
	s25 =	simm.s32 $0x7D80;
	s24 =	sand.u32 $0x3FFFFF80, s26  }
0xe8: {  	v4 =	vshrl.u32 v2, $0x3;
	v3 =	vmov s28;
	v9 =	vmov s30;
	[tilespmem:s12], [sflag:$0x2] =	stream.indirect.gather [hbm4b:s5+s8], $0x20, s24, s8, $0xb8;
	[tilespmem:$0x18500] =	vst v63  }
0xe9: {  	s30 =	simm.s32 $0x6;
	v10 =	vshrl.u32 v3, $0x3;
	v11 =	vshll.u32 v4, v1;
	v6 =	vshrl.u32 v6, $0x3;
	v12 =	vld [tilespmem:s25+$0x60]  }
0xea: {  	v4 =	vmov s30;
	v10 =	vshll.u32 v10, v1;
	v9 =	vshrl.u32 v9, $0x3;
	s24 =	sshll.u32 s19, $0x8;
	v13 =	vld [tilespmem:s25+$0x70]  }
0xeb: {  	v6 =	vshll.u32 v6, v1;
	v10 =	vbroadcast v10, $0x0;
	v5 =	vshrl.u32 v5, $0x3;
	s24 =	sand.u32 $0x3FFFFF00, s24;
	v14 =	vld [tilespmem:s25+$0xFFFFFF90]  }
0xec: {  	v4 =	vshrl.u32 v4, $0x3;
	v9 =	vshll.u32 v9, v1;
	v5 =	vshll.u32 v5, v1;
	v2 =	vld [tilespmem:s24+$0x6400]  }
0xed: {  	v6 =	vbroadcast v6, $0x0;
	v21 =	vshll.u32 v4, v1;
	v5 =	vbroadcast v5, $0x0;
	s26 =	simm.s32 $0x3;
	v3 =	vld [tilespmem:s24+$0x6410]  }
0xee: {  	v15 =	vadd.s32 v34, v10;
	v10 =	vadd.s32 v35, v10;
	v7 =	vmov s26;
	s26 =	simm.s32 $0x4;
	v16 =	vld [tilespmem:s25+$0xFFFFFFA0]  }
0xef: {  	v18 =	vadd.s32 v38, v5;
	v8 =	vmov s26;
	v7 =	vshrl.u32 v7, $0x3;
	v17 =	vld [tilespmem:s25+$0xFFFFFFB0]  }
0xf0: {  	v5 =	vadd.s32 v39, v5;
	v8 =	vshrl.u32 v8, $0x3;
	v7 =	vshll.u32 v7, v1;
	v19 =	vld [tilespmem:s25+$0xFFFFFFC0]  }
0xf1: {  	v20 =	vld [tilespmem:s25+$0xFFFFFFD0];
	v8 =	vshll.u32 v8, v1;
	v7 =	vbroadcast v7, $0x0;
	v12 =	vadd.f32 v12, v2  }
0xf2: {  	v22 =	vld [tilespmem:s25+$0xFFFFFFE0];
	v13 =	vadd.f32 v13, v3;
	v4 =	vadd.f32 v14, v3;
	v14 =	vadd.s32 v24, v6  }
0xf3: {  	v6 =	vadd.s32 v25, v6;
	[tilespmem:v15+s13+$0x0] =	vst.idx.msk $0xffff, v12;
	v12 =	vadd.f32 v16, v2;
	v15 =	vld [tilespmem:s25+$0xFFFFFFF0]  }
0xf4: {  	v8 =	vbroadcast v8, $0x0;
	v16 =	vld [tilespmem:s25+$0x0];
	[tilespmem:v10+s13+$0x0] =	vst.idx.msk $0xffff, v13;
	v10 =	vadd.f32 v17, v3;
	v13 =	vadd.s32 v26, v7  }
0xf5: {  	v7 =	vadd.s32 v27, v7;
	v17 =	vld [tilespmem:s25+$0x10];
	[tilespmem:v18+s13+$0x0] =	vst.idx.msk $0xffff, v12;
	v12 =	vadd.f32 v19, v2  }
0xf6: {  	v18 =	vadd.s32 v28, v8;
	[tilespmem:v5+s13+$0x0] =	vst.idx.msk $0xffff, v10;
	v5 =	vadd.f32 v20, v3  }
0xf7: {  	[tilespmem:v14+s13+$0x0] =	vst.idx.msk $0xffff, v12;
	v12 =	vadd.f32 v22, v2;
	v14 =	vadd.s32 v29, v8  }
0xf8: {  	v9 =	vbroadcast v9, $0x0;
	v19 =	vld [tilespmem:s25+$0x20];
	[tilespmem:v6+s13+$0x0] =	vst.idx.msk $0xffff, v5;
	v6 =	vadd.f32 v15, v3  }
0xf9: {  	v62 =	vld [tilespmem:s25+$0x30];
	[tilespmem:v13+s13+$0x0] =	vst.idx.msk $0xffff, v12;
	v12 =	vadd.f32 v16, v2  }
0xfa: {  	v21 =	vbroadcast v21, $0x0;
	s26 =	simm.s32 $0x8;
	v63 =	vld [tilespmem:s25+$0x40];
	v15 =	vadd.s32 v30, v9;
	[tilespmem:v7+s13+$0x0] =	vst.idx.msk $0xffff, v6;
	v6 =	vadd.f32 v17, v3  }
0xfb: {  	v23 =	vld [tilespmem:s25+$0x50];
	v10 =	vmov s26;
	v16 =	vadd.s32 v31, v9;
	[tilespmem:v18+s13+$0x0] =	vst.idx.msk $0xffff, v12  }
0xfc: {  	s28 =	simm.s32 $0x9;
	v8 =	vadd.s32 v32, v21;
	v5 =	vshrl.u32 v10, $0x3;
	v13 =	vbroadcast v11, $0x0;
	[tilespmem:v14+s13+$0x0] =	vst.idx.msk $0xffff, v6;
	v14 =	vld [tilespmem:s25+$0xFFFFFF80]  }
0xfd: {  	v10 =	vmov s28;
	s28 =	simm.s32 $0xA;
	v9 =	vadd.s32 v33, v21;
	v17 =	vadd.f32 v19, v2  }
0xfe: {  	v11 =	vmov s28;
	s28 =	simm.s32 $0xB;
	v7 =	vadd.s32 v0, v13;
	v18 =	vadd.f32 v62, v3  }
0xff: {  	s30 =	simm.s32 $0xF;
	v12 =	vmov s28;
	s28 =	simm.s32 $0xC;
	v6 =	vadd.s32 v37, v13;
	[tilespmem:v15+s13+$0x0] =	vst.idx.msk $0xffff, v17;
	v15 =	vadd.f32 v63, v2  }
0x100: {  	s29 =	simm.s32 $0xD;
	v13 =	vmov s28;
	s28 =	simm.s32 $0x10;
	v17 =	vmov s30;
	[tilespmem:v16+s13+$0x0] =	vst.idx.msk $0xffff, v18;
	v16 =	vadd.f32 v23, v3  }
.LBB2_5:
0x101: {  	p0 =	slt.u32 s28, $0x78;
	v18 =	vmov s29;
	s29 =	sadd.s32 $0x6, s26;
	v17 =	vshrl.u32 v17, $0x3;
	v14 =	vadd.f32 v14, v2;
	[tilespmem:v8+s13+$0x0] =	vst.idx.msk $0xffff, v15;
	s26 =	smov.u32 s28  }
0x102: {  	v8 =	vshll.u32 v5, v1;
	s25 =	sadd.s32 $0x100, s25;
	v5 =	vmov s29;
	v15 =	vshll.u32 v17, v1;
	[tilespmem:v9+s13+$0x0] =	vst.idx.msk $0xffff, v16  }
0x103: {  	v9 =	vshrl.u32 v10, $0x3;
	v10 =	vshrl.u32 v11, $0x3;
	v11 =	vld [tilespmem:s25+$0x60];
	v15 =	vbroadcast v15, $0x0;
	[tilespmem:v7+s13+$0x0] =	vst.idx.msk $0xffff, v14  }
0x104: {  	v7 =	vshrl.u32 v12, $0x3;
	v12 =	vshrl.u32 v13, $0x3;
	v13 =	vshrl.u32 v18, $0x3;
	v14 =	vld [tilespmem:s25+$0x70];
	[tilespmem:v6+s13+$0x0] =	vst.idx.msk $0xffff, v4  }
0x105: {  	v5 =	vshrl.u32 v5, $0x3;
	v6 =	vshll.u32 v9, v1;
	v4 =	vld [tilespmem:s25+$0xFFFFFF90];
	v9 =	vadd.s32 v34, v15  }
0x106: {  	v10 =	vshll.u32 v10, v1;
	v6 =	vbroadcast v6, $0x0;
	v15 =	vadd.s32 v35, v15;
	v16 =	vld [tilespmem:s25+$0xFFFFFFA0]  }
0x107: {  	v7 =	vshll.u32 v7, v1;
	v12 =	vshll.u32 v12, v1;
	v13 =	vshll.u32 v13, v1;
	v17 =	vld [tilespmem:s25+$0xFFFFFFB0]  }
0x108: {  	v10 =	vbroadcast v10, $0x0;
	v18 =	vadd.s32 v38, v6;
	v19 =	vld [tilespmem:s25+$0xFFFFFFC0];
	v11 =	vadd.f32 v11, v2  }
0x109: {  	v5 =	vshll.u32 v5, v1;
	v6 =	vadd.s32 v39, v6;
	v20 =	vld [tilespmem:s25+$0xFFFFFFD0];
	v14 =	vadd.f32 v14, v3  }
0x10a: {  	v7 =	vbroadcast v7, $0x0;
	v21 =	vadd.s32 v24, v10;
	v4 =	vadd.f32 v4, v3;
	v22 =	vld [tilespmem:s25+$0xFFFFFFE0];
	[tilespmem:v9+s13+$0x0] =	vst.idx.msk $0xffff, v11  }
0x10b: {  	v10 =	vadd.s32 v25, v10;
	v9 =	vadd.f32 v16, v2;
	v11 =	vld [tilespmem:s25+$0xFFFFFFF0];
	[tilespmem:v15+s13+$0x0] =	vst.idx.msk $0xffff, v14  }
0x10c: {  	v12 =	vbroadcast v12, $0x0;
	v15 =	vadd.s32 v26, v7;
	v14 =	vadd.f32 v17, v3;
	v16 =	vld [tilespmem:s25+$0x0]  }
0x10d: {  	v7 =	vadd.s32 v27, v7;
	[tilespmem:v18+s13+$0x0] =	vst.idx.msk $0xffff, v9;
	v9 =	vadd.f32 v19, v2;
	v17 =	vld [tilespmem:s25+$0x10]  }
0x10e: {  	v13 =	vbroadcast v13, $0x0;
	v18 =	vadd.s32 v28, v12;
	[tilespmem:v6+s13+$0x0] =	vst.idx.msk $0xffff, v14;
	v6 =	vadd.f32 v20, v3;
	v19 =	vld [tilespmem:s25+$0x20]  }
0x10f: {  	v12 =	vadd.s32 v29, v12;
	v14 =	vmov s28;
	[tilespmem:v21+s13+$0x0] =	vst.idx.msk $0xffff, v9;
	v9 =	vadd.f32 v22, v2;
	v20 =	vld [tilespmem:s25+$0x30]  }
0x110: {  	v21 =	vadd.s32 v30, v13;
	[tilespmem:v10+s13+$0x0] =	vst.idx.msk $0xffff, v6;
	v6 =	vadd.f32 v11, v3;
	v22 =	vld [tilespmem:s25+$0x40];
	v11 =	vbroadcast v5, $0x0  }
0x111: {  	v5 =	vshrl.u32 v14, $0x3;
	[tilespmem:v15+s13+$0x0] =	vst.idx.msk $0xffff, v9;
	v9 =	vadd.f32 v16, v2;
	v16 =	vadd.s32 v31, v13;
	v23 =	vld [tilespmem:s25+$0x50]  }
.Ltmp1:
0x112: {  	s29 =	sadd.s32 $0x1, s28;
	v13 =	vbroadcast v8, $0x0;
	v14 =	vld [tilespmem:s25+$0xFFFFFF80];
	[tilespmem:v7+s13+$0x0] =	vst.idx.msk $0xffff, v6;
	v6 =	vadd.f32 v17, v3;
	v8 =	vadd.s32 v32, v11;
	(pc) =	sbr.rel @p0 .LBB2_5-.Ltmp1, $4  }
0x113: {  	v10 =	vmov s29;
	s29 =	sadd.s32 $0x2, s28;
	[tilespmem:v18+s13+$0x0] =	vst.idx.msk $0xffff, v9;
	v15 =	vadd.f32 v19, v2;
	v9 =	vadd.s32 v33, v11  }
0x114: {  	v11 =	vmov s29;
	s29 =	sadd.s32 $0x3, s28;
	v7 =	vadd.s32 v0, v13;
	[tilespmem:v12+s13+$0x0] =	vst.idx.msk $0xffff, v6;
	v18 =	vadd.f32 v20, v3  }
0x115: {  	s30 =	sadd.s32 $0x7, s28;
	v12 =	vmov s29;
	s29 =	sadd.s32 $0x4, s28;
	v6 =	vadd.s32 v37, v13;
	[tilespmem:v21+s13+$0x0] =	vst.idx.msk $0xffff, v15;
	v15 =	vadd.f32 v22, v2  }
0x116: {  	v17 =	vmov s30;
	s28 =	sadd.s32 $0x8, s28;
	v13 =	vmov s29;
	s29 =	sadd.s32 $0x5, s26;
	[tilespmem:v16+s13+$0x0] =	vst.idx.msk $0xffff, v18;
	v16 =	vadd.f32 v23, v3  }
0x117: {  	v18 =	vmov s29;
	v17 =	vshrl.u32 v17, $0x3  }
0x118: {  	v14 =	vadd.f32 v14, v2;
	v5 =	vshll.u32 v5, v1;
	v10 =	vshrl.u32 v10, $0x3  }
0x119: {  	s26 =	sadd.s32 $0x6, s26;
	s25 =	sadd.s32 $0x100, s25;
	v11 =	vshrl.u32 v11, $0x3;
	v12 =	vshrl.u32 v12, $0x3;
	v17 =	vshll.u32 v17, v1  }
0x11a: {  	v13 =	vshrl.u32 v13, $0x3;
	v19 =	vmov s26;
	v20 =	vld [tilespmem:s25+$0x60];
	v17 =	vbroadcast v17, $0x0  }
0x11b: {  	[tilespmem:v8+s13+$0x0] =	vst.idx.msk $0xffff, v15;
	v8 =	vshrl.u32 v18, $0x3;
	v15 =	vld [tilespmem:s25+$0x70];
	v10 =	vshll.u32 v10, v1;
	v11 =	vshll.u32 v11, v1  }
0x11c: {  	[tilespmem:v9+s13+$0x0] =	vst.idx.msk $0xffff, v16;
	v16 =	vld [tilespmem:s25+$0xFFFFFFA0];
	v12 =	vshll.u32 v12, v1;
	v10 =	vbroadcast v10, $0x0;
	v9 =	vadd.s32 v34, v17  }
0x11d: {  	v13 =	vshll.u32 v13, v1;
	v18 =	vshrl.u32 v19, $0x3;
	v19 =	vld [tilespmem:s25+$0xFFFFFFB0];
	v17 =	vadd.s32 v35, v17  }
0x11e: {  	[tilespmem:v7+s13+$0x0] =	vst.idx.msk $0xffff, v14;
	v7 =	vshll.u32 v8, v1;
	v14 =	vld [tilespmem:s25+$0xFFFFFFC0];
	v11 =	vbroadcast v11, $0x0;
	v8 =	vadd.s32 v38, v10  }
0x11f: {  	v21 =	vld [tilespmem:s25+$0xFFFFFFD0];
	v18 =	vshll.u32 v18, v1;
	v10 =	vadd.s32 v39, v10;
	v20 =	vadd.f32 v20, v2  }
0x120: {  	v12 =	vbroadcast v12, $0x0;
	[tilespmem:v6+s13+$0x0] =	vst.idx.msk $0xffff, v4;
	v6 =	vadd.s32 v24, v11;
	v4 =	vadd.f32 v15, v3;
	v15 =	vld [tilespmem:s25+$0xFFFFFFE0]  }
0x121: {  	v11 =	vadd.s32 v25, v11;
	[tilespmem:v9+s13+$0x0] =	vst.idx.msk $0xffff, v20;
	v9 =	vadd.f32 v16, v2;
	v16 =	vld [tilespmem:s25+$0xFFFFFFF0]  }
0x122: {  	v13 =	vbroadcast v13, $0x0;
	[tilespmem:v17+s13+$0x0] =	vst.idx.msk $0xffff, v4;
	v4 =	vadd.f32 v19, v3;
	v17 =	vadd.s32 v26, v12;
	v19 =	vld [tilespmem:s25+$0x0]  }
0x123: {  	[tilespmem:v8+s13+$0x0] =	vst.idx.msk $0xffff, v9;
	v8 =	vadd.f32 v14, v2;
	v9 =	vadd.s32 v27, v12;
	v12 =	vld [tilespmem:s25+$0x10]  }
0x124: {  	v7 =	vbroadcast v7, $0x0;
	v14 =	vld [tilespmem:s25+$0x20];
	[tilespmem:v10+s13+$0x0] =	vst.idx.msk $0xffff, v4;
	v4 =	vadd.f32 v21, v3;
	v10 =	vadd.s32 v28, v13  }
0x125: {  	[tilespmem:v6+s13+$0x0] =	vst.idx.msk $0xffff, v8;
	v6 =	vadd.f32 v15, v2;
	v8 =	vadd.s32 v29, v13;
	v13 =	vld [tilespmem:s25+$0x30]  }
0x126: {  	v15 =	vld [tilespmem:s25+$0x40];
	[tilespmem:v11+s13+$0x0] =	vst.idx.msk $0xffff, v4;
	v4 =	vadd.f32 v16, v3;
	v11 =	vadd.s32 v30, v7;
	v16 =	vbroadcast v18, $0x0  }
0x127: {  	v7 =	vadd.s32 v31, v7;
	[tilespmem:v17+s13+$0x0] =	vst.idx.msk $0xffff, v6;
	v6 =	vadd.f32 v19, v2;
	v17 =	vld [tilespmem:s25+$0x50]  }
0x128: {  	v5 =	vbroadcast v5, $0x0;
	v18 =	vld [tilespmem:s25+$0xFFFFFF80];
	[tilespmem:v9+s13+$0x0] =	vst.idx.msk $0xffff, v4;
	v4 =	vadd.f32 v12, v3;
	v9 =	vadd.s32 v32, v16  }
0x129: {  	v12 =	vld [tilespmem:s25+$0xFFFFFF90];
	[tilespmem:v10+s13+$0x0] =	vst.idx.msk $0xffff, v6;
	v6 =	vadd.f32 v14, v2;
	v10 =	vadd.s32 v33, v16  }
0x12a: {  	v14 =	vadd.s32 v0, v5;
	[tilespmem:v8+s13+$0x0] =	vst.idx.msk $0xffff, v4;
	v4 =	vadd.f32 v13, v3  }
0x12b: {  	v5 =	vadd.s32 v37, v5;
	[tilespmem:v11+s13+$0x0] =	vst.idx.msk $0xffff, v6;
	v6 =	vadd.f32 v15, v2  }
0x12c: {  	[tilespmem:v7+s13+$0x0] =	vst.idx.msk $0xffff, v4;
	v4 =	vadd.f32 v17, v3  }
0x12d: {  	v2 =	vadd.f32 v18, v2;
	[tilespmem:v9+s13+$0x0] =	vst.idx.msk $0xffff, v6  }
0x12e: {  	v3 =	vadd.f32 v12, v3;
	[tilespmem:v10+s13+$0x0] =	vst.idx.msk $0xffff, v4  }
0x12f: {  	[tilespmem:v14+s13+$0x0] =	vst.idx.msk $0xffff, v2  }
0x130: {  	[tilespmem:v5+s13+$0x0] =	vst.idx.msk $0xffff, v3  }
0x131: {  	v3 =	vld [tilespmem:s24+$0x6420]  }
0x132: {  	s30 =	simm.s32 $0x8DF0;
	v2 =	vld [tilespmem:s24+$0x6430]  }
0x133: {  	v13 =	vld [tilespmem:s30+$0xFFFFFFB0]  }
0x134: {  	v4 =	vld [tilespmem:s30+$0xFFFFFF80]  }
0x135: {  	v16 =	vld [tilespmem:s30+$0xFFFFFFE0]  }
0x136: {  	v10 =	vld [tilespmem:s30+$0xFFFFFF60]  }
0x137: {  	s25 =	simm.s32 $0x0;
	v23 =	vld [tilespmem:s30+$0xFFFFFF50]  }
0x138: {  	v5 =	vmov s25;
	v14 =	vld [tilespmem:s30+$0xFFFFFF20]  }
0x139: {  	v5 =	vshrl.u32 v5, $0x3;
	v9 =	vld [tilespmem:s30+$0xFFFFFF40]  }
0x13a: {  	v21 =	vld [tilespmem:s30+$0xFFFFFFC0];
	v5 =	vshll.u32 v5, $0x3  }
0x13b: {  	v22 =	vld [tilespmem:s30+$0xFFFFFF30];
	v5 =	vbroadcast v5, $0x0  }
0x13c: {  	v24 =	vld [tilespmem:s30+$0x0]  }
0x13d: {  	v30 =	vld [tilespmem:s30+$0xFFFFFF70];
	v29 =	vadd.s32 v42, v5  }
0x13e: {  	v26 =	vld [tilespmem:s30+$0xFFFFFFD0]  }
0x13f: {  	v11 =	vld [tilespmem:s30+$0xFFFFFF90]  }
0x140: {  	v27 =	vld [tilespmem:s30+$0xFFFFFFF0];
	v31 =	vadd.f32 v22, v3  }
0x141: {  	v7 =	vadd.s32 v36, v5;
	v17 =	vadd.s32 v40, v5;
	v18 =	vadd.s32 v46, v5;
	v22 =	vld [tilespmem:s30+$0xFFFFFF10]  }
0x142: {  	v28 =	vadd.f32 v23, v3;
	v23 =	vadd.f32 v24, v2;
	v24 =	vld [tilespmem:s30+$0xFFFFFFA0];
	[tilespmem:v29+s13+$0x0] =	vst.idx.msk $0xffff, v31  }
0x143: {  	v54 =	vmovc v45;
	v15 =	vadd.f32 v9, v2;
	v9 =	vadd.f32 v21, v2;
	v21 =	vadd.s32 v45, v5;
	v45 =	vld [tilespmem:$0x1FF10]  }
0x144: {  	v55 =	vmovc v51;
	v62 =	vadd.s32 v41, v5;
	v19 =	vadd.s32 v51, v5;
	v25 =	vadd.s32 v52, v5;
	v51 =	vld [tilespmem:$0x1FF60]  }
0x145: {  	v44 =	vmovc v40;
	v12 =	vadd.s32 v43, v5;
	v6 =	vadd.s32 v48, v5;
	v20 =	vadd.s32 v50, v5;
	v49 =	vld [tilespmem:$0x1FF40]  }
0x146: {  	s26 =	simm.s32 $0x8EF0;
	v8 =	vadd.s32 v53, v5;
	v40 =	vmovc v36;
	v16 =	vadd.f32 v16, v2;
	v29 =	vadd.f32 v30, v3;
	v47 =	vld [tilespmem:$0x1FCA0]  }
.LBB2_7:
0x147: {  	s25 =	sadd.s32 $0x8, s25;
	v30 =	vld [tilespmem:s26+$0xFFFFFFB0];
	v31 =	vadd.f32 v14, v2;
	[tilespmem:v17+s13+$0x0] =	vst.idx.msk $0xffff, v28;
	v14 =	vadd.f32 v26, v3  }
0x148: {  	v28 =	vadd.f32 v4, v2;
	v13 =	vadd.f32 v13, v3;
	v17 =	vmov s25;
	p0 =	slt.u32 s25, $0x78;
	[tilespmem:v18+s13+$0x0] =	vst.idx.msk $0xffff, v29;
	v4 =	vld [tilespmem:s26+$0xFFFFFF80]  }
0x149: {  	v29 =	vadd.s32 v51, v5;
	v17 =	vshrl.u32 v17, $0x3;
	v63 =	vld [tilespmem:s26+$0xFFFFFFE0];
	[tilespmem:v25+s13+$0x0] =	vst.idx.msk $0xffff, v14;
	v14 =	vadd.f32 v27, v3  }
0x14a: {  	v26 =	vadd.s32 v45, v5;
	v32 =	vadd.s32 v49, v5;
	v17 =	vshll.u32 v17, $0x3;
	v25 =	vld [tilespmem:s26+$0xFFFFFF60];
	[tilespmem:v20+s13+$0x0] =	vst.idx.msk $0xffff, v13  }
0x14b: {  	v27 =	vadd.s32 v47, v5;
	v33 =	vld [tilespmem:s26+$0xFFFFFF50];
	v5 =	vbroadcast v17, $0x0;
	v24 =	vadd.f32 v24, v2;
	[tilespmem:v21+s13+$0x0] =	vst.idx.msk $0xffff, v14  }
0x14c: {  	v34 =	vadd.f32 v10, v2;
	v20 =	vadd.f32 v22, v3;
	v14 =	vld [tilespmem:s26+$0xFFFFFF20];
	[tilespmem:v19+s13+$0x0] =	vst.idx.msk $0xffff, v23;
	v13 =	vmov v30  }
0x14d: {  	v19 =	vadd.s32 v40, v5;
	v21 =	vld [tilespmem:s26+$0xFFFFFF40];
	v17 =	vadd.s32 v44, v5;
	[tilespmem:v12+s13+$0x0] =	vst.idx.msk $0xffff, v15  }
0x14e: {  	v30 =	vadd.s32 v42, v5;
	v18 =	vadd.s32 v46, v5;
	v22 =	vld [tilespmem:s26+$0xFFFFFFC0];
	[tilespmem:v7+s13+$0x0] =	vst.idx.msk $0xffff, v20;
	v7 =	vmov v19  }
0x14f: {  	v15 =	vadd.s32 v41, v5;
	v12 =	vadd.s32 v43, v5;
	v23 =	vld [tilespmem:s26+$0xFFFFFF30];
	[tilespmem:v26+s13+$0x0] =	vst.idx.msk $0xffff, v34;
	v10 =	vmov v25  }
0x150: {  	v19 =	vadd.s32 v53, v5;
	v34 =	vadd.s32 v48, v5;
	v35 =	vld [tilespmem:s26+$0x0];
	[tilespmem:v62+s13+$0x0] =	vst.idx.msk $0xffff, v31;
	v62 =	vmov v15  }
0x151: {  	v36 =	vadd.f32 v11, v3;
	v20 =	vadd.s32 v50, v5;
	v31 =	vld [tilespmem:s26+$0xFFFFFF70];
	[tilespmem:v8+s13+$0x0] =	vst.idx.msk $0xffff, v16;
	v8 =	vmov v19  }
.Ltmp2:
0x152: {  	v19 =	vadd.s32 v55, v5;
	v15 =	vadd.f32 v21, v2;
	v26 =	vld [tilespmem:s26+$0xFFFFFFD0];
	[tilespmem:v27+s13+$0x0] =	vst.idx.msk $0xffff, v28;
	(pc) =	sbr.rel @p0 .LBB2_7-.Ltmp2, $4  }
0x153: {  	v25 =	vadd.s32 v52, v5;
	v11 =	vld [tilespmem:s26+$0xFFFFFF90];
	v16 =	vadd.f32 v22, v2;
	[tilespmem:v6+s13+$0x0] =	vst.idx.msk $0xffff, v36;
	v6 =	vmov v34  }
0x154: {  	v21 =	vadd.s32 v54, v5;
	v34 =	vadd.f32 v23, v3;
	v27 =	vld [tilespmem:s26+$0xFFFFFFF0];
	[tilespmem:v32+s13+$0x0] =	vst.idx.msk $0xffff, v24  }
0x155: {  	v28 =	vadd.f32 v33, v3;
	v22 =	vld [tilespmem:s26+$0xFFFFFF10];
	v23 =	vadd.f32 v35, v2;
	[tilespmem:v29+s13+$0x0] =	vst.idx.msk $0xffff, v9;
	v9 =	vmov v16  }
0x156: {  	v16 =	vadd.f32 v63, v2;
	[tilespmem:v30+s13+$0x0] =	vst.idx.msk $0xffff, v34;
	v29 =	vadd.f32 v31, v3;
	v24 =	vld [tilespmem:s26+$0xFFFFFFA0];
	s26 =	sadd.s32 $0x100, s26  }
0x157: {  	_ =	sdelay $0x3  }
0x158: {  	[tilespmem:v17+s13+$0x0] =	vst.idx.msk $0xffff, v28  }
0x159: {  	v17 =	vadd.f32 v26, v3;
	[tilespmem:v12+s13+$0x0] =	vst.idx.msk $0xffff, v15  }
0x15a: {  	v13 =	vadd.f32 v13, v3;
	[tilespmem:v18+s13+$0x0] =	vst.idx.msk $0xffff, v29  }
0x15b: {  	[tilespmem:v25+s13+$0x0] =	vst.idx.msk $0xffff, v17  }
0x15c: {  	v17 =	vadd.f32 v27, v3;
	[tilespmem:v20+s13+$0x0] =	vst.idx.msk $0xffff, v13  }
0x15d: {  	v18 =	vadd.s32 v45, v5;
	[tilespmem:v8+s13+$0x0] =	vst.idx.msk $0xffff, v16  }
0x15e: {  	v13 =	vadd.f32 v22, v3;
	[tilespmem:v21+s13+$0x0] =	vst.idx.msk $0xffff, v17  }
0x15f: {  	v3 =	vadd.f32 v11, v3;
	v17 =	vadd.s32 v47, v5;
	[tilespmem:v19+s13+$0x0] =	vst.idx.msk $0xffff, v23  }
0x160: {  	v10 =	vadd.f32 v10, v2;
	[tilespmem:v7+s13+$0x0] =	vst.idx.msk $0xffff, v13;
	v7 =	vadd.s32 v49, v5  }
0x161: {  	v12 =	vadd.f32 v14, v2;
	v5 =	vadd.s32 v51, v5;
	[tilespmem:v6+s13+$0x0] =	vst.idx.msk $0xffff, v3  }
0x162: {  	v4 =	vadd.f32 v4, v2;
	[tilespmem:v18+s13+$0x0] =	vst.idx.msk $0xffff, v10  }
0x163: {  	v2 =	vadd.f32 v24, v2;
	[tilespmem:v62+s13+$0x0] =	vst.idx.msk $0xffff, v12  }
0x164: {  	[tilespmem:v17+s13+$0x0] =	vst.idx.msk $0xffff, v4  }
0x165: {  	[tilespmem:v7+s13+$0x0] =	vst.idx.msk $0xffff, v2  }
0x166: {  	[tilespmem:v5+s13+$0x0] =	vst.idx.msk $0xffff, v9  }
0x167: {  	v3 =	vld [tilespmem:s24+$0x6440]  }
0x168: {  	s26 =	simm.s32 $0x9DF0;
	v2 =	vld [tilespmem:s24+$0x6450]  }
0x169: {  	v13 =	vld [tilespmem:s26+$0xFFFFFFB0]  }
0x16a: {  	v4 =	vld [tilespmem:s26+$0xFFFFFF80]  }
0x16b: {  	v16 =	vld [tilespmem:s26+$0xFFFFFFE0]  }
0x16c: {  	v10 =	vld [tilespmem:s26+$0xFFFFFF60]  }
0x16d: {  	v23 =	vld [tilespmem:s26+$0xFFFFFF50]  }
0x16e: {  	v14 =	vld [tilespmem:s26+$0xFFFFFF20]  }
0x16f: {  	v9 =	vld [tilespmem:s26+$0xFFFFFF40]  }
0x170: {  	v21 =	vld [tilespmem:s26+$0xFFFFFFC0]  }
0x171: {  	v22 =	vld [tilespmem:s26+$0xFFFFFF30]  }
0x172: {  	v40 =	vld [tilespmem:$0x1FCB0]  }
0x173: {  	v44 =	vld [tilespmem:$0x1FCF0]  }
0x174: {  	v24 =	vld [tilespmem:s26+$0x0]  }
0x175: {  	v42 =	vld [tilespmem:$0x1FCD0]  }
0x176: {  	v46 =	vld [tilespmem:$0x1FD00]  }
0x177: {  	v41 =	vld [tilespmem:$0x1FCC0]  }
0x178: {  	v30 =	vld [tilespmem:s26+$0xFFFFFF70]  }
0x179: {  	s25 =	simm.s32 $0x0;
	v43 =	vld [tilespmem:$0x1FCE0]  }
0x17a: {  	v5 =	vmov s25;
	v48 =	vld [tilespmem:$0x1FD10]  }
0x17b: {  	v5 =	vshrl.u32 v5, $0x3;
	v53 =	vld [tilespmem:$0x1FD60]  }
0x17c: {  	v26 =	vld [tilespmem:s26+$0xFFFFFFD0];
	v5 =	vshll.u32 v5, $0x3  }
0x17d: {  	v50 =	vld [tilespmem:$0x1FD30];
	v5 =	vbroadcast v5, $0x0  }
0x17e: {  	v55 =	vld [tilespmem:$0x1FD80]  }
0x17f: {  	v11 =	vld [tilespmem:s26+$0xFFFFFF90];
	v29 =	vadd.s32 v42, v5  }
0x180: {  	v52 =	vld [tilespmem:$0x1FD50]  }
0x181: {  	v27 =	vld [tilespmem:s26+$0xFFFFFFF0]  }
0x182: {  	v54 =	vld [tilespmem:$0x1FD70];
	v31 =	vadd.f32 v22, v3  }
0x183: {  	v7 =	vadd.s32 v40, v5;
	v17 =	vadd.s32 v44, v5;
	v18 =	vadd.s32 v46, v5;
	v22 =	vld [tilespmem:s26+$0xFFFFFF10]  }
0x184: {  	v28 =	vadd.f32 v23, v3;
	v23 =	vadd.f32 v24, v2;
	v24 =	vld [tilespmem:s26+$0xFFFFFFA0];
	[tilespmem:v29+s13+$0x0] =	vst.idx.msk $0xffff, v31  }
0x185: {  	v62 =	vadd.s32 v41, v5;
	v12 =	vadd.s32 v43, v5;
	v6 =	vadd.s32 v48, v5;
	v45 =	vld [tilespmem:$0x1FFB0]  }
0x186: {  	v8 =	vadd.s32 v53, v5;
	v20 =	vadd.s32 v50, v5;
	v25 =	vadd.s32 v52, v5;
	v51 =	vld [tilespmem:$0x1FD40]  }
0x187: {  	v15 =	vadd.f32 v9, v2;
	v19 =	vadd.s32 v55, v5;
	v9 =	vadd.f32 v21, v2;
	v49 =	vld [tilespmem:$0x1FD20]  }
0x188: {  	v21 =	vadd.s32 v54, v5;
	v16 =	vadd.f32 v16, v2;
	s26 =	simm.s32 $0x9EF0;
	v29 =	vadd.f32 v30, v3;
	v47 =	vld [tilespmem:$0x1FFC0]  }
.LBB2_9:
0x189: {  	s25 =	sadd.s32 $0x8, s25;
	v30 =	vld [tilespmem:s26+$0xFFFFFFB0];
	v31 =	vadd.f32 v14, v2;
	[tilespmem:v17+s13+$0x0] =	vst.idx.msk $0xffff, v28;
	v14 =	vadd.f32 v26, v3  }
0x18a: {  	v28 =	vadd.f32 v4, v2;
	v13 =	vadd.f32 v13, v3;
	v17 =	vmov s25;
	p0 =	slt.u32 s25, $0x78;
	[tilespmem:v18+s13+$0x0] =	vst.idx.msk $0xffff, v29;
	v4 =	vld [tilespmem:s26+$0xFFFFFF80]  }
0x18b: {  	v29 =	vadd.s32 v51, v5;
	v17 =	vshrl.u32 v17, $0x3;
	v32 =	vld [tilespmem:s26+$0xFFFFFFE0];
	[tilespmem:v25+s13+$0x0] =	vst.idx.msk $0xffff, v14;
	v14 =	vadd.f32 v27, v3  }
0x18c: {  	v26 =	vadd.s32 v45, v5;
	v33 =	vadd.s32 v49, v5;
	v17 =	vshll.u32 v17, $0x3;
	v25 =	vld [tilespmem:s26+$0xFFFFFF60];
	[tilespmem:v20+s13+$0x0] =	vst.idx.msk $0xffff, v13  }
0x18d: {  	v27 =	vadd.s32 v47, v5;
	v34 =	vld [tilespmem:s26+$0xFFFFFF50];
	v5 =	vbroadcast v17, $0x0;
	v24 =	vadd.f32 v24, v2;
	[tilespmem:v21+s13+$0x0] =	vst.idx.msk $0xffff, v14  }
0x18e: {  	v35 =	vadd.f32 v10, v2;
	v20 =	vadd.f32 v22, v3;
	v14 =	vld [tilespmem:s26+$0xFFFFFF20];
	[tilespmem:v19+s13+$0x0] =	vst.idx.msk $0xffff, v23;
	v13 =	vmov v30  }
0x18f: {  	v19 =	vadd.s32 v40, v5;
	v21 =	vld [tilespmem:s26+$0xFFFFFF40];
	v17 =	vadd.s32 v44, v5;
	[tilespmem:v12+s13+$0x0] =	vst.idx.msk $0xffff, v15  }
0x190: {  	v30 =	vadd.s32 v42, v5;
	v18 =	vadd.s32 v46, v5;
	v22 =	vld [tilespmem:s26+$0xFFFFFFC0];
	[tilespmem:v7+s13+$0x0] =	vst.idx.msk $0xffff, v20;
	v7 =	vmov v19  }
0x191: {  	v15 =	vadd.s32 v41, v5;
	v12 =	vadd.s32 v43, v5;
	v23 =	vld [tilespmem:s26+$0xFFFFFF30];
	[tilespmem:v26+s13+$0x0] =	vst.idx.msk $0xffff, v35;
	v10 =	vmov v25  }
0x192: {  	v19 =	vadd.s32 v53, v5;
	v35 =	vadd.s32 v48, v5;
	v36 =	vld [tilespmem:s26+$0x0];
	[tilespmem:v62+s13+$0x0] =	vst.idx.msk $0xffff, v31;
	v62 =	vmov v15  }
0x193: {  	v63 =	vadd.f32 v11, v3;
	v20 =	vadd.s32 v50, v5;
	v31 =	vld [tilespmem:s26+$0xFFFFFF70];
	[tilespmem:v8+s13+$0x0] =	vst.idx.msk $0xffff, v16;
	v8 =	vmov v19  }
.Ltmp3:
0x194: {  	v19 =	vadd.s32 v55, v5;
	v15 =	vadd.f32 v21, v2;
	v26 =	vld [tilespmem:s26+$0xFFFFFFD0];
	[tilespmem:v27+s13+$0x0] =	vst.idx.msk $0xffff, v28;
	(pc) =	sbr.rel @p0 .LBB2_9-.Ltmp3, $4  }
0x195: {  	v25 =	vadd.s32 v52, v5;
	v11 =	vld [tilespmem:s26+$0xFFFFFF90];
	v16 =	vadd.f32 v22, v2;
	[tilespmem:v6+s13+$0x0] =	vst.idx.msk $0xffff, v63;
	v6 =	vmov v35  }
0x196: {  	v21 =	vadd.s32 v54, v5;
	v35 =	vadd.f32 v23, v3;
	v27 =	vld [tilespmem:s26+$0xFFFFFFF0];
	[tilespmem:v33+s13+$0x0] =	vst.idx.msk $0xffff, v24  }
0x197: {  	v28 =	vadd.f32 v34, v3;
	v22 =	vld [tilespmem:s26+$0xFFFFFF10];
	v23 =	vadd.f32 v36, v2;
	[tilespmem:v29+s13+$0x0] =	vst.idx.msk $0xffff, v9;
	v9 =	vmov v16  }
0x198: {  	v16 =	vadd.f32 v32, v2;
	[tilespmem:v30+s13+$0x0] =	vst.idx.msk $0xffff, v35;
	v29 =	vadd.f32 v31, v3;
	v24 =	vld [tilespmem:s26+$0xFFFFFFA0];
	s26 =	sadd.s32 $0x100, s26  }
0x199: {  	_ =	sdelay $0x3  }
0x19a: {  	[tilespmem:v17+s13+$0x0] =	vst.idx.msk $0xffff, v28  }
0x19b: {  	v17 =	vadd.f32 v26, v3;
	[tilespmem:v12+s13+$0x0] =	vst.idx.msk $0xffff, v15  }
0x19c: {  	v13 =	vadd.f32 v13, v3;
	[tilespmem:v18+s13+$0x0] =	vst.idx.msk $0xffff, v29  }
0x19d: {  	[tilespmem:v25+s13+$0x0] =	vst.idx.msk $0xffff, v17  }
0x19e: {  	v17 =	vadd.f32 v27, v3;
	[tilespmem:v20+s13+$0x0] =	vst.idx.msk $0xffff, v13  }
0x19f: {  	v18 =	vadd.s32 v45, v5;
	[tilespmem:v8+s13+$0x0] =	vst.idx.msk $0xffff, v16  }
0x1a0: {  	v13 =	vadd.f32 v22, v3;
	[tilespmem:v21+s13+$0x0] =	vst.idx.msk $0xffff, v17  }
0x1a1: {  	v3 =	vadd.f32 v11, v3;
	v17 =	vadd.s32 v47, v5;
	[tilespmem:v19+s13+$0x0] =	vst.idx.msk $0xffff, v23  }
0x1a2: {  	v10 =	vadd.f32 v10, v2;
	[tilespmem:v7+s13+$0x0] =	vst.idx.msk $0xffff, v13;
	v7 =	vadd.s32 v49, v5  }
0x1a3: {  	v12 =	vadd.f32 v14, v2;
	v5 =	vadd.s32 v51, v5;
	[tilespmem:v6+s13+$0x0] =	vst.idx.msk $0xffff, v3  }
0x1a4: {  	v4 =	vadd.f32 v4, v2;
	[tilespmem:v18+s13+$0x0] =	vst.idx.msk $0xffff, v10  }
0x1a5: {  	v2 =	vadd.f32 v24, v2;
	[tilespmem:v62+s13+$0x0] =	vst.idx.msk $0xffff, v12  }
0x1a6: {  	[tilespmem:v17+s13+$0x0] =	vst.idx.msk $0xffff, v4  }
0x1a7: {  	[tilespmem:v7+s13+$0x0] =	vst.idx.msk $0xffff, v2  }
0x1a8: {  	[tilespmem:v5+s13+$0x0] =	vst.idx.msk $0xffff, v9  }
0x1a9: {  	v4 =	vld [tilespmem:s24+$0x6460]  }
0x1aa: {  	s25 =	simm.s32 $0xADF0;
	v3 =	vld [tilespmem:s24+$0x6470]  }
0x1ab: {  	v2 =	vld [tilespmem:s25+$0xFFFFFFB0]  }
0x1ac: {  	v9 =	vld [tilespmem:s25+$0xFFFFFF60]  }
0x1ad: {  	v12 =	vld [tilespmem:s25+$0xFFFFFFE0]  }
0x1ae: {  	v6 =	vld [tilespmem:s25+$0xFFFFFF50]  }
0x1af: {  	v11 =	vld [tilespmem:s25+$0xFFFFFF40]  }
0x1b0: {  	v17 =	vld [tilespmem:s25+$0xFFFFFF20]  }
0x1b1: {  	v15 =	vld [tilespmem:s25+$0xFFFFFFC0]  }
0x1b2: {  	v20 =	vld [tilespmem:s25+$0xFFFFFF30]  }
0x1b3: {  	v36 =	vld [tilespmem:$0x1FFD0]  }
0x1b4: {  	s24 =	simm.s32 $0x0;
	v48 =	vld [tilespmem:$0x1FDA0]  }
0x1b5: {  	v42 =	vld [tilespmem:$0x1FFF0];
	v5 =	vmov s24  }
0x1b6: {  	v26 =	vld [tilespmem:s25+$0x0];
	v5 =	vshrl.u32 v5, $0x3  }
0x1b7: {  	v54 =	vld [tilespmem:$0x1FDC0];
	v5 =	vshll.u32 v5, $0x3  }
0x1b8: {  	v40 =	vld [tilespmem:$0x1FFE0];
	v5 =	vbroadcast v5, $0x0  }
0x1b9: {  	v27 =	vld [tilespmem:s25+$0xFFFFFF70]  }
0x1ba: {  	v44 =	vld [tilespmem:$0x1FD90];
	v23 =	vadd.s32 v42, v5  }
0x1bb: {  	v28 =	vld [tilespmem:s25+$0xFFFFFF10];
	v29 =	vadd.s32 v59, v5  }
0x1bc: {  	v14 =	vld [tilespmem:s25+$0xFFFFFFD0]  }
0x1bd: {  	v25 =	vld [tilespmem:s25+$0xFFFFFF90];
	v20 =	vadd.f32 v20, v4  }
0x1be: {  	v24 =	vld [tilespmem:s25+$0xFFFFFFF0];
	v2 =	vadd.f32 v2, v4  }
0x1bf: {  	v13 =	vadd.f32 v11, v3;
	v11 =	vadd.f32 v15, v3;
	v15 =	vld [tilespmem:s25+$0xFFFFFFA0];
	[tilespmem:v23+s13+$0x0] =	vst.idx.msk $0xffff, v20  }
0x1c0: {  	v23 =	vld [tilespmem:s25+$0xFFFFFF80];
	[tilespmem:v29+s13+$0x0] =	vst.idx.msk $0xffff, v2  }
0x1c1: {  	v41 =	vld [tilespmem:$0x1FEE0]  }
0x1c2: {  	v43 =	vld [tilespmem:$0x1FF00]  }
0x1c3: {  	v45 =	vld [tilespmem:$0x1FF20]  }
0x1c4: {  	v46 =	vld [tilespmem:$0x1FF30]  }
0x1c5: {  	v47 =	vld [tilespmem:$0x1FF50]  }
0x1c6: {  	v63 =	vadd.s32 $0x3307, v0;
	v62 =	vadd.s32 $0x3B86, v0;
	v21 =	vadd.s32 v54, v5;
	v49 =	vld [tilespmem:$0x1FF70]  }
0x1c7: {  	v9 =	vadd.f32 v9, v3;
	v27 =	vadd.f32 v27, v4;
	v16 =	vadd.s32 v36, v5;
	v51 =	vld [tilespmem:$0x1FF80]  }
0x1c8: {  	v12 =	vadd.f32 v12, v3;
	v8 =	vadd.s32 v48, v5;
	v18 =	vadd.s32 v40, v5;
	v52 =	vld [tilespmem:$0x1FF90]  }
0x1c9: {  	v10 =	vadd.s32 v44, v5;
	v19 =	vadd.s32 v57, v5;
	v7 =	vadd.s32 v62, v5;
	v53 =	vld [tilespmem:$0x1FFA0]  }
0x1ca: {  	v22 =	vadd.s32 v63, v5;
	v20 =	vadd.f32 v26, v3;
	v26 =	vadd.f32 v28, v4;
	s25 =	simm.s32 $0xAEF0;
	v50 =	vld [tilespmem:$0x1FDB0]  }
.LBB2_11:
0x1cb: {  	s24 =	sadd.s32 $0x8, s24;
	v28 =	vld [tilespmem:s25+$0xFFFFFFB0];
	v17 =	vadd.f32 v17, v3;
	[tilespmem:v21+s13+$0x0] =	vst.idx.msk $0xffff, v27;
	v27 =	vadd.s32 v58, v5;
	v2 =	vadd.s32 $0x3B87, v0  }
0x1cc: {  	v21 =	vmov s24;
	v29 =	vld [tilespmem:s25+$0xFFFFFF60];
	p0 =	slt.u32 s24, $0x78;
	[tilespmem:v16+s13+$0x0] =	vst.idx.msk $0xffff, v26;
	v16 =	vadd.f32 v25, v4;
	v25 =	vadd.s32 v61, v5  }
0x1cd: {  	v21 =	vshrl.u32 v21, $0x3;
	v30 =	vld [tilespmem:s25+$0xFFFFFFE0];
	[tilespmem:v18+s13+$0x0] =	vst.idx.msk $0xffff, v17;
	v18 =	vadd.s32 v56, v5;
	v17 =	vadd.f32 v24, v4  }
0x1ce: {  	v24 =	vadd.f32 v6, v4;
	v21 =	vshll.u32 v21, $0x3;
	v6 =	vld [tilespmem:s25+$0xFFFFFF50];
	[tilespmem:v19+s13+$0x0] =	vst.idx.msk $0xffff, v16;
	v19 =	vadd.s32 v2, v5  }
0x1cf: {  	v31 =	vadd.s32 v50, v5;
	v23 =	vadd.f32 v23, v3;
	v21 =	vbroadcast v21, $0x0;
	v26 =	vld [tilespmem:s25+$0xFFFFFF40];
	[tilespmem:v22+s13+$0x0] =	vst.idx.msk $0xffff, v17  }
0x1d0: {  	v22 =	vadd.s32 v60, v5;
	v17 =	vld [tilespmem:s25+$0xFFFFFF20];
	[tilespmem:v8+s13+$0x0] =	vst.idx.msk $0xffff, v24;
	v24 =	vadd.f32 v14, v4  }
0x1d1: {  	v16 =	vadd.s32 v36, v21;
	v8 =	vadd.s32 v48, v21;
	v32 =	vld [tilespmem:s25+$0xFFFFFFC0];
	[tilespmem:v10+s13+$0x0] =	vst.idx.msk $0xffff, v13;
	v5 =	vmov v21  }
0x1d2: {  	v33 =	vld [tilespmem:s25+$0xFFFFFF30];
	v34 =	vadd.s32 v42, v5;
	v21 =	vadd.s32 v54, v5;
	[tilespmem:v18+s13+$0x0] =	vst.idx.msk $0xffff, v23  }
0x1d3: {  	v18 =	vadd.s32 v40, v5;
	v10 =	vadd.s32 v44, v5;
	v35 =	vld [tilespmem:s25+$0x0];
	[tilespmem:v19+s13+$0x0] =	vst.idx.msk $0xffff, v20  }
0x1d4: {  	v23 =	vadd.s32 v62, v5;
	v19 =	vadd.s32 v57, v5;
	v20 =	vld [tilespmem:s25+$0xFFFFFF70];
	[tilespmem:v31+s13+$0x0] =	vst.idx.msk $0xffff, v9  }
0x1d5: {  	v9 =	vadd.f32 v29, v3;
	v29 =	vadd.s32 v59, v5;
	v31 =	vld [tilespmem:s25+$0xFFFFFF10];
	[tilespmem:v22+s13+$0x0] =	vst.idx.msk $0xffff, v11  }
.Ltmp4:
0x1d6: {  	v15 =	vadd.f32 v15, v3;
	v13 =	vadd.f32 v26, v3;
	v14 =	vld [tilespmem:s25+$0xFFFFFFD0];
	[tilespmem:v25+s13+$0x0] =	vst.idx.msk $0xffff, v24;
	(pc) =	sbr.rel @p0 .LBB2_11-.Ltmp4, $4  }
0x1d7: {  	v11 =	vadd.f32 v32, v3;
	v26 =	vadd.f32 v33, v4;
	v25 =	vld [tilespmem:s25+$0xFFFFFF90];
	[tilespmem:v7+s13+$0x0] =	vst.idx.msk $0xffff, v12  }
0x1d8: {  	v22 =	vadd.s32 v63, v5;
	v12 =	vadd.f32 v28, v4;
	v7 =	vmov v23;
	v24 =	vld [tilespmem:s25+$0xFFFFFFF0];
	[tilespmem:v27+s13+$0x0] =	vst.idx.msk $0xffff, v15  }
0x1d9: {  	[tilespmem:v34+s13+$0x0] =	vst.idx.msk $0xffff, v26;
	v23 =	vld [tilespmem:s25+$0xFFFFFF80];
	v27 =	vadd.f32 v20, v4;
	v20 =	vadd.f32 v35, v3  }
0x1da: {  	v26 =	vadd.f32 v31, v4;
	v15 =	vld [tilespmem:s25+$0xFFFFFFA0];
	[tilespmem:v29+s13+$0x0] =	vst.idx.msk $0xffff, v12;
	v12 =	vadd.f32 v30, v3;
	s25 =	sadd.s32 $0x100, s25  }
0x1db: {  	_ =	sdelay $0x3  }
0x1dc: {  	[tilespmem:v21+s13+$0x0] =	vst.idx.msk $0xffff, v27  }
0x1dd: {  	v17 =	vadd.f32 v17, v3;
	[tilespmem:v10+s13+$0x0] =	vst.idx.msk $0xffff, v13  }
0x1de: {  	v35 =	vadd.s32 v56, v5;
	v6 =	vadd.f32 v6, v4;
	[tilespmem:v16+s13+$0x0] =	vst.idx.msk $0xffff, v26  }
0x1df: {  	v40 =	vadd.s32 v2, v5;
	v34 =	vadd.f32 v25, v4;
	[tilespmem:v18+s13+$0x0] =	vst.idx.msk $0xffff, v17  }
0x1e0: {  	v42 =	vadd.s32 v50, v5;
	v36 =	vadd.f32 v24, v4;
	[tilespmem:v8+s13+$0x0] =	vst.idx.msk $0xffff, v6  }
0x1e1: {  	v48 =	vadd.s32 v60, v5;
	[tilespmem:v19+s13+$0x0] =	vst.idx.msk $0xffff, v34;
	v44 =	vadd.f32 v23, v3  }
0x1e2: {  	v50 =	vadd.s32 v61, v5;
	[tilespmem:v22+s13+$0x0] =	vst.idx.msk $0xffff, v36  }
0x1e3: {  	[tilespmem:v35+s13+$0x0] =	vst.idx.msk $0xffff, v44  }
0x1e4: {  	v54 =	vadd.s32 v58, v5;
	[tilespmem:v40+s13+$0x0] =	vst.idx.msk $0xffff, v20  }
0x1e5: {  	v55 =	vadd.f32 v14, v4;
	[tilespmem:v42+s13+$0x0] =	vst.idx.msk $0xffff, v9  }
0x1e6: {  	s24 =	sshll.u32 s19, $0x14;
	[tilespmem:v48+s13+$0x0] =	vst.idx.msk $0xffff, v11  }
0x1e7: {  	s24 =	sor.u32 s4, s24;
	v3 =	vadd.f32 v15, v3;
	[tilespmem:v50+s13+$0x0] =	vst.idx.msk $0xffff, v55  }
0x1e8: {  	s24 =	sshrl.u32 s24, $0x3;
	[tilespmem:v7+s13+$0x0] =	vst.idx.msk $0xffff, v12  }
0x1e9: {  	s26 =	simm.s32 $0xFD00;
	s25 =	sadd.s32 s2, s24;
	[tilespmem:v54+s13+$0x0] =	vst.idx.msk $0xffff, v3  }
0x1ea: {  	[hbm4b:s25+s3] =	stream.linear.scatter [tilespmem:s26], [sflag:$0x3], $0x80, $0x38;
	[tilespmem:$0x18500] =	vst v63  }
0x1eb: {  	s30 =	simm.s32 $0xFD88;
	s26 =	sadd.s32 $0x10, s25  }
0x1ec: {  	[hbm4b:s26+s3] =	stream.linear.scatter [tilespmem:s30], [sflag:$0x3], $0x80, $0x38;
	[tilespmem:$0x18500] =	vst v63  }
0x1ed: {  	s26 =	simm.s32 $0xFE10;
	s30 =	sadd.s32 $0x20, s25  }
0x1ee: {  	[hbm4b:s30+s3] =	stream.linear.scatter [tilespmem:s26], [sflag:$0x3], $0x80, $0x38;
	[tilespmem:$0x18500] =	vst v63  }
0x1ef: {  	s26 =	simm.s32 $0xFE98;
	s30 =	sadd.s32 $0x30, s25  }
0x1f0: {  	[hbm4b:s30+s3] =	stream.linear.scatter [tilespmem:s26], [sflag:$0x3], $0x80, $0x38;
	[tilespmem:$0x18500] =	vst v63  }
0x1f1: {  	s26 =	simm.s32 $0xFF20;
	s30 =	sadd.s32 $0x40, s25  }
0x1f2: {  	[hbm4b:s30+s3] =	stream.linear.scatter [tilespmem:s26], [sflag:$0x3], $0x80, $0x38;
	[tilespmem:$0x18500] =	vst v63  }
0x1f3: {  	s28 =	simm.s32 $0x100B8;
	s26 =	simm.s32 $0xFFA8;
	s30 =	sadd.s32 $0x50, s25  }
0x1f4: {  	[hbm4b:s30+s3] =	stream.linear.scatter [tilespmem:s26], [sflag:$0x3], $0x80, $0x38;
	[tilespmem:$0x18500] =	vst v63  }
0x1f5: {  	s24 =	simm.s32 $0x440;
	s26 =	simm.s32 $0x10030;
	s30 =	sadd.s32 $0x60, s25  }
0x1f6: {  	[hbm4b:s30+s3] =	stream.linear.scatter [tilespmem:s26], [sflag:$0x3], $0x80, $0x38;
	[tilespmem:$0x18500] =	vst v63  }
0x1f7: {  	s29 =	sadd.s32 $0x70, s25;
	v36 =	vld [tilespmem:$0x1FEB0];
	s25 =	sadd.s32 $0x1000, s25;
	s26 =	simm.s32 $0x2200  }
.LBB2_13:
0x1f8: {  	[hbm4b:s29+s3] =	stream.linear.scatter [tilespmem:s28], [sflag:$0x3], $0x80, $0x38;
	[tilespmem:$0x18500] =	vst v63  }
0x1f9: {  	s28 =	smov.u32 s24;
	s24 =	smov.u32 s26  }
0x1fa: {  	s30 =	sadd.s32 $0x1100, s26;
	s24 =	sshra.s32 s24, $0x2;
	s29 =	sadd.s32 $0xFD00, s28  }
0x1fb: {  	[hbm4b:s25+s3] =	stream.linear.scatter [tilespmem:s29], [sflag:$0x3], $0x80, $0x38;
	[tilespmem:$0x18500] =	vst v63  }
0x1fc: {  	p0 =	sne.s32 s26, $0xFF00;
	s26 =	sadd.s32 $0xFD88, s28;
	s29 =	sadd.s32 $0x10, s25  }
0x1fd: {  	[hbm4b:s29+s3] =	stream.linear.scatter [tilespmem:s26], [sflag:$0x3], $0x80, $0x38;
	[tilespmem:$0x18500] =	vst v63  }
0x1fe: {  	s26 =	sadd.s32 $0xFE10, s28;
	s29 =	sadd.s32 $0x20, s25  }
0x1ff: {  	[hbm4b:s29+s3] =	stream.linear.scatter [tilespmem:s26], [sflag:$0x3], $0x80, $0x38;
	[tilespmem:$0x18500] =	vst v63  }
0x200: {  	s26 =	sadd.s32 $0xFE98, s28;
	s29 =	sadd.s32 $0x30, s25  }
0x201: {  	[hbm4b:s29+s3] =	stream.linear.scatter [tilespmem:s26], [sflag:$0x3], $0x80, $0x38;
	[tilespmem:$0x18500] =	vst v63  }
0x202: {  	s26 =	sadd.s32 $0xFF20, s28;
	s29 =	sadd.s32 $0x40, s25  }
0x203: {  	[hbm4b:s29+s3] =	stream.linear.scatter [tilespmem:s26], [sflag:$0x3], $0x80, $0x38;
	[tilespmem:$0x18500] =	vst v63  }
.Ltmp5:
0x204: {  	s26 =	sadd.s32 $0xFFA8, s28;
	s29 =	sadd.s32 $0x50, s25;
	(pc) =	sbr.rel @p0 .LBB2_13-.Ltmp5, $4  }
0x205: {  	[hbm4b:s29+s3] =	stream.linear.scatter [tilespmem:s26], [sflag:$0x3], $0x80, $0x38;
	[tilespmem:$0x18500] =	vst v63  }
0x206: {  	s26 =	sadd.s32 $0x10030, s28;
	s29 =	sadd.s32 $0x60, s25;
	s28 =	sadd.s32 $0x100B8, s28  }
0x207: {  	[hbm4b:s29+s3] =	stream.linear.scatter [tilespmem:s26], [sflag:$0x3], $0x80, $0x38;
	[tilespmem:$0x18500] =	vst v63  }
0x208: {  	s29 =	sadd.s32 $0x70, s25;
	s25 =	sadd.s32 $0x1000, s25;
	s26 =	smov.u32 s30  }
0x209: {  	[hbm4b:s29+s3] =	stream.linear.scatter [tilespmem:s28], [sflag:$0x3], $0x80, $0x38;
	[tilespmem:$0x18500] =	vst v63  }
0x20a: {  	s26 =	sadd.s32 $0xFD00, s24  }
0x20b: {  	[hbm4b:s25+s3] =	stream.linear.scatter [tilespmem:s26], [sflag:$0x3], $0x80, $0x38;
	[tilespmem:$0x18500] =	vst v63  }
0x20c: {  	s29 =	sadd.s32 $0xFD88, s24;
	s28 =	sadd.s32 $0x10, s25  }
0x20d: {  	[hbm4b:s28+s3] =	stream.linear.scatter [tilespmem:s29], [sflag:$0x3], $0x80, $0x38;
	[tilespmem:$0x18500] =	vst v63  }
0x20e: {  	s30 =	sadd.s32 $0xFE10, s24;
	s28 =	sadd.s32 $0x20, s25  }
0x20f: {  	[hbm4b:s28+s3] =	stream.linear.scatter [tilespmem:s30], [sflag:$0x3], $0x80, $0x38;
	[tilespmem:$0x18500] =	vst v63  }
0x210: {  	s29 =	sadd.s32 $0xFE98, s24;
	s28 =	sadd.s32 $0x30, s25  }
0x211: {  	[hbm4b:s28+s3] =	stream.linear.scatter [tilespmem:s29], [sflag:$0x3], $0x80, $0x38;
	[tilespmem:$0x18500] =	vst v63  }
0x212: {  	s30 =	sadd.s32 $0xFF20, s24;
	s28 =	sadd.s32 $0x40, s25  }
0x213: {  	[hbm4b:s28+s3] =	stream.linear.scatter [tilespmem:s30], [sflag:$0x3], $0x80, $0x38;
	[tilespmem:$0x18500] =	vst v63  }
0x214: {  	s29 =	sadd.s32 $0xFFA8, s24;
	s28 =	sadd.s32 $0x50, s25  }
0x215: {  	[hbm4b:s28+s3] =	stream.linear.scatter [tilespmem:s29], [sflag:$0x3], $0x80, $0x38;
	[tilespmem:$0x18500] =	vst v63  }
0x216: {  	s30 =	sadd.s32 $0x10030, s24;
	s28 =	sadd.s32 $0x60, s25  }
0x217: {  	[hbm4b:s28+s3] =	stream.linear.scatter [tilespmem:s30], [sflag:$0x3], $0x80, $0x38;
	[tilespmem:$0x18500] =	vst v63  }
0x218: {  	s26 =	sadd.s32 $0x100B8, s24;
	s29 =	sadd.s32 $0x70, s25  }
0x219: {  	[hbm4b:s29+s3] =	stream.linear.scatter [tilespmem:s26], [sflag:$0x3], $0x80, $0x38;
	[tilespmem:$0x18500] =	vst v63  }
0x21a: {  	_ =	swait.ge [sflag:s14], $0x4000  }
0x21b: {  	p0 =	seq.s32 s19, $0x18;
	[sflag:s14] =	ssyncset.done $0x0  }
0x21c: {  	s24 =	sshll.u32 @!p0 s19, $0xA;
	[sflag:s14] =	ssyncadd.s32 $0xFFFFC000  }
0x21d: {  	s24 =	sand.u32 @!p0 $0x3FFFFC00, s24;
	_ =	swait.ge [sflag:s7], $0x4000  }
0x21e: {  	s25 =	sadd.s32 @!p0 $0x400, s24;
	[sflag:s7] =	ssyncset.done $0x0  }
0x21f: {  	s28 =	simm.s32 @!p0 $0x7D00;
	s26 =	simm.s32 @!p0 $0x80;
	[sflag:s7] =	ssyncadd.s32 $0xFFFFC000  }
0x220: {  	[tilespmem:s28], [sflag:$0x1] =	stream.indirect.gather @!p0 [hbm4b:s5+s26], $0x20, s25, s26, $0xb8;
	[tilespmem:$0x18500] =	vst v63  }
0x221: {  	s25 =	sadd.s32 @!p0 $0x480, s24;
	s28 =	simm.s32 @!p0 $0x8D00  }
0x222: {  	[tilespmem:s28], [sflag:$0x1] =	stream.indirect.gather @!p0 [hbm4b:s5+s26], $0x20, s25, s26, $0xb8;
	[tilespmem:$0x18500] =	vst v63  }
0x223: {  	s25 =	sadd.s32 @!p0 $0x500, s24;
	s28 =	simm.s32 @!p0 $0x9D00  }
0x224: {  	[tilespmem:s28], [sflag:$0x1] =	stream.indirect.gather @!p0 [hbm4b:s5+s26], $0x20, s25, s26, $0xb8;
	[tilespmem:$0x18500] =	vst v63  }
0x225: {  	s24 =	sadd.s32 @!p0 $0x580, s24;
	s25 =	simm.s32 @!p0 $0xAD00;
	s28 =	simm.s32 $0x7  }
0x226: {  	[tilespmem:s25], [sflag:$0x1] =	stream.indirect.gather @!p0 [hbm4b:s5+s26], $0x20, s24, s26, $0xb8;
	[tilespmem:$0x18500] =	vst v63  }
0x227: {  	v35 =	vld [tilespmem:$0x1FEA0];
	v4 =	vmov s28;
	s24 =	simm.s32 $0xBDF0  }
0x228: {  	s30 =	simm.s32 $0x0;
	s25 =	sshll.u32 s20, $0x5;
	s26 =	simm.s32 $0x1;
	v11 =	vshrl.u32 v4, $0x3;
	v13 =	vld [tilespmem:s24+$0xFFFFFFF0]  }
0x229: {  	v3 =	vmov s30;
	v6 =	vmov s26;
	s25 =	sand.u32 $0x3FFFFFE0, s25;
	v11 =	vshll.u32 v11, v1;
	v14 =	vld [tilespmem:s24+$0x0]  }
0x22a: {  	v5 =	vshrl.u32 v3, $0x3;
	v3 =	vld [tilespmem:s25+$0x6400];
	v6 =	vshrl.u32 v6, $0x3;
	v11 =	vbroadcast v11, $0x0  }
0x22b: {  	v4 =	vld [tilespmem:s25+$0x6410];
	v6 =	vshll.u32 v6, v1  }
0x22c: {  	v17 =	vld [tilespmem:s24+$0xFFFFFF30];
	v16 =	vadd.s32 v35, v11;
	v6 =	vbroadcast v6, $0x0  }
0x22d: {  	s30 =	simm.s32 $0x3;
	v18 =	vld [tilespmem:s24+$0xFFFFFF40];
	v11 =	vadd.s32 v36, v11  }
0x22e: {  	s29 =	simm.s32 $0x2;
	v8 =	vmov s30;
	v25 =	vld [tilespmem:$0x1FE00];
	v19 =	vadd.s32 v38, v6  }
0x22f: {  	v7 =	vmov s29;
	v15 =	vld [tilespmem:s24+$0xFFFFFF20];
	v6 =	vadd.s32 v39, v6;
	v13 =	vadd.f32 v13, v3  }
0x230: {  	s30 =	simm.s32 $0x6;
	v12 =	vshll.u32 v5, v1;
	v7 =	vshrl.u32 v7, $0x3;
	v20 =	vld [tilespmem:s24+$0xFFFFFF50];
	v14 =	vadd.f32 v14, v4  }
0x231: {  	v5 =	vmov s30;
	v7 =	vshll.u32 v7, v1;
	v21 =	vld [tilespmem:s24+$0xFFFFFF60];
	[tilespmem:v16+s15+$0x0] =	vst.idx.msk $0xffff, v13;
	v13 =	vadd.f32 v17, v3  }
0x232: {  	v5 =	vshrl.u32 v5, $0x3;
	v7 =	vbroadcast v7, $0x0;
	v26 =	vld [tilespmem:$0x1FE10];
	[tilespmem:v11+s15+$0x0] =	vst.idx.msk $0xffff, v14;
	v11 =	vadd.f32 v18, v4  }
0x233: {  	v22 =	vshll.u32 v5, v1;
	v27 =	vld [tilespmem:$0x1FE20];
	[tilespmem:v19+s15+$0x0] =	vst.idx.msk $0xffff, v13  }
0x234: {  	v8 =	vshrl.u32 v8, $0x3;
	s26 =	simm.s32 $0x4;
	v5 =	vadd.f32 v15, v4;
	v15 =	vadd.s32 v25, v7;
	v28 =	vld [tilespmem:$0x1FE30];
	[tilespmem:v6+s15+$0x0] =	vst.idx.msk $0xffff, v11  }
0x235: {  	v8 =	vshll.u32 v8, v1;
	v9 =	vmov s26;
	v29 =	vld [tilespmem:$0x1FE40]  }
0x236: {  	v8 =	vbroadcast v8, $0x0;
	v23 =	vld [tilespmem:s24+$0xFFFFFF70];
	v9 =	vshrl.u32 v9, $0x3  }
0x237: {  	v9 =	vshll.u32 v9, v1;
	v16 =	vld [tilespmem:s24+$0xFFFFFF80];
	v13 =	vadd.f32 v20, v3;
	v7 =	vadd.s32 v26, v7  }
0x238: {  	v9 =	vbroadcast v9, $0x0;
	v17 =	vld [tilespmem:s24+$0xFFFFFF90];
	v14 =	vadd.s32 v27, v8  }
0x239: {  	[tilespmem:v15+s15+$0x0] =	vst.idx.msk $0xffff, v13;
	v8 =	vadd.s32 v28, v8  }
0x23a: {  	v6 =	vadd.f32 v21, v4;
	v30 =	vld [tilespmem:$0x1FE50];
	v19 =	vadd.s32 v29, v9  }
0x23b: {  	v18 =	vld [tilespmem:s24+$0xFFFFFFA0];
	v13 =	vadd.f32 v23, v3  }
0x23c: {  	s29 =	simm.s32 $0x5;
	v20 =	vld [tilespmem:s24+$0xFFFFFFB0];
	[tilespmem:v7+s15+$0x0] =	vst.idx.msk $0xffff, v6;
	v7 =	vadd.f32 v16, v4  }
0x23d: {  	v10 =	vmov s29;
	v31 =	vld [tilespmem:$0x1FE60];
	[tilespmem:v14+s15+$0x0] =	vst.idx.msk $0xffff, v13;
	v13 =	vadd.f32 v17, v3  }
0x23e: {  	v10 =	vshrl.u32 v10, $0x3;
	v32 =	vld [tilespmem:$0x1FE70];
	[tilespmem:v8+s15+$0x0] =	vst.idx.msk $0xffff, v7  }
0x23f: {  	v10 =	vshll.u32 v10, v1;
	v15 =	vadd.s32 v30, v9;
	v33 =	vld [tilespmem:$0x1FE80];
	[tilespmem:v19+s15+$0x0] =	vst.idx.msk $0xffff, v13  }
0x240: {  	v10 =	vbroadcast v10, $0x0;
	v34 =	vld [tilespmem:$0x1FE90]  }
0x241: {  	v54 =	vld [tilespmem:s24+$0xFFFFFFC0]  }
0x242: {  	v22 =	vbroadcast v22, $0x0;
	v55 =	vld [tilespmem:s24+$0xFFFFFFD0];
	s25 =	simm.s32 $0x8;
	v7 =	vadd.f32 v18, v4;
	v16 =	vadd.s32 v31, v10  }
0x243: {  	v24 =	vld [tilespmem:s24+$0xFFFFFFE0];
	v11 =	vmov s25;
	v17 =	vadd.s32 v32, v10  }
0x244: {  	s29 =	simm.s32 $0x9;
	v6 =	vshrl.u32 v11, $0x3;
	v14 =	vbroadcast v12, $0x0;
	[tilespmem:v15+s15+$0x0] =	vst.idx.msk $0xffff, v7;
	v15 =	vld [tilespmem:s24+$0xFFFFFF10];
	v9 =	vadd.s32 v33, v22  }
0x245: {  	s30 =	simm.s32 $0xA;
	v11 =	vmov s29;
	v18 =	vadd.f32 v20, v3;
	v10 =	vadd.s32 v34, v22  }
0x246: {  	s29 =	simm.s32 $0xB;
	v12 =	vmov s30;
	v8 =	vadd.s32 v0, v14;
	v19 =	vadd.f32 v54, v4  }
0x247: {  	s26 =	simm.s32 $0xC;
	s30 =	simm.s32 $0xF;
	v13 =	vmov s29;
	v7 =	vadd.s32 v37, v14;
	[tilespmem:v16+s15+$0x0] =	vst.idx.msk $0xffff, v18;
	v16 =	vadd.f32 v55, v3  }
0x248: {  	s28 =	simm.s32 $0xD;
	v14 =	vmov s26;
	s26 =	simm.s32 $0x10;
	v18 =	vmov s30;
	[tilespmem:v17+s15+$0x0] =	vst.idx.msk $0xffff, v19;
	v17 =	vadd.f32 v24, v4  }
.LBB2_15:
0x249: {  	p0 =	slt.u32 s26, $0x78;
	v19 =	vmov s28;
	s28 =	sadd.s32 $0x6, s25;
	v18 =	vshrl.u32 v18, $0x3;
	v15 =	vadd.f32 v15, v3;
	[tilespmem:v9+s15+$0x0] =	vst.idx.msk $0xffff, v16;
	s25 =	smov.u32 s26  }
0x24a: {  	v9 =	vshll.u32 v6, v1;
	s24 =	sadd.s32 $0x100, s24;
	v6 =	vmov s28;
	v16 =	vshll.u32 v18, v1;
	[tilespmem:v10+s15+$0x0] =	vst.idx.msk $0xffff, v17  }
0x24b: {  	v10 =	vshrl.u32 v11, $0x3;
	v11 =	vshrl.u32 v12, $0x3;
	v12 =	vld [tilespmem:s24+$0xFFFFFFF0];
	v16 =	vbroadcast v16, $0x0;
	[tilespmem:v8+s15+$0x0] =	vst.idx.msk $0xffff, v15  }
0x24c: {  	v8 =	vshrl.u32 v13, $0x3;
	v13 =	vshrl.u32 v14, $0x3;
	v14 =	vshrl.u32 v19, $0x3;
	v15 =	vld [tilespmem:s24+$0x0];
	[tilespmem:v7+s15+$0x0] =	vst.idx.msk $0xffff, v5  }
0x24d: {  	v6 =	vshrl.u32 v6, $0x3;
	v7 =	vshll.u32 v10, v1;
	v5 =	vld [tilespmem:s24+$0xFFFFFF20];
	v10 =	vadd.s32 v35, v16  }
0x24e: {  	v11 =	vshll.u32 v11, v1;
	v7 =	vbroadcast v7, $0x0;
	v16 =	vadd.s32 v36, v16;
	v17 =	vld [tilespmem:s24+$0xFFFFFF30]  }
0x24f: {  	v8 =	vshll.u32 v8, v1;
	v13 =	vshll.u32 v13, v1;
	v14 =	vshll.u32 v14, v1;
	v18 =	vld [tilespmem:s24+$0xFFFFFF40]  }
0x250: {  	v11 =	vbroadcast v11, $0x0;
	v19 =	vadd.s32 v38, v7;
	v20 =	vld [tilespmem:s24+$0xFFFFFF50];
	v12 =	vadd.f32 v12, v3  }
0x251: {  	v6 =	vshll.u32 v6, v1;
	v7 =	vadd.s32 v39, v7;
	v21 =	vld [tilespmem:s24+$0xFFFFFF60];
	v15 =	vadd.f32 v15, v4  }
0x252: {  	v8 =	vbroadcast v8, $0x0;
	v22 =	vadd.s32 v25, v11;
	v5 =	vadd.f32 v5, v4;
	v23 =	vld [tilespmem:s24+$0xFFFFFF70];
	[tilespmem:v10+s15+$0x0] =	vst.idx.msk $0xffff, v12  }
0x253: {  	v11 =	vadd.s32 v26, v11;
	v10 =	vadd.f32 v17, v3;
	v12 =	vld [tilespmem:s24+$0xFFFFFF80];
	[tilespmem:v16+s15+$0x0] =	vst.idx.msk $0xffff, v15  }
0x254: {  	v13 =	vbroadcast v13, $0x0;
	v16 =	vadd.s32 v27, v8;
	v15 =	vadd.f32 v18, v4;
	v17 =	vld [tilespmem:s24+$0xFFFFFF90]  }
0x255: {  	v8 =	vadd.s32 v28, v8;
	[tilespmem:v19+s15+$0x0] =	vst.idx.msk $0xffff, v10;
	v10 =	vadd.f32 v20, v3;
	v18 =	vld [tilespmem:s24+$0xFFFFFFA0]  }
0x256: {  	v14 =	vbroadcast v14, $0x0;
	v19 =	vadd.s32 v29, v13;
	[tilespmem:v7+s15+$0x0] =	vst.idx.msk $0xffff, v15;
	v7 =	vadd.f32 v21, v4;
	v20 =	vld [tilespmem:s24+$0xFFFFFFB0]  }
0x257: {  	v13 =	vadd.s32 v30, v13;
	v15 =	vmov s26;
	[tilespmem:v22+s15+$0x0] =	vst.idx.msk $0xffff, v10;
	v10 =	vadd.f32 v23, v3;
	v21 =	vld [tilespmem:s24+$0xFFFFFFC0]  }
0x258: {  	v22 =	vadd.s32 v31, v14;
	[tilespmem:v11+s15+$0x0] =	vst.idx.msk $0xffff, v7;
	v7 =	vadd.f32 v12, v4;
	v23 =	vld [tilespmem:s24+$0xFFFFFFD0];
	v12 =	vbroadcast v6, $0x0  }
0x259: {  	v6 =	vshrl.u32 v15, $0x3;
	[tilespmem:v16+s15+$0x0] =	vst.idx.msk $0xffff, v10;
	v10 =	vadd.f32 v17, v3;
	v17 =	vadd.s32 v32, v14;
	v24 =	vld [tilespmem:s24+$0xFFFFFFE0]  }
.Ltmp6:
0x25a: {  	s28 =	sadd.s32 $0x1, s26;
	v14 =	vbroadcast v9, $0x0;
	v15 =	vld [tilespmem:s24+$0xFFFFFF10];
	[tilespmem:v8+s15+$0x0] =	vst.idx.msk $0xffff, v7;
	v7 =	vadd.f32 v18, v4;
	v9 =	vadd.s32 v33, v12;
	(pc) =	sbr.rel @p0 .LBB2_15-.Ltmp6, $4  }
0x25b: {  	v11 =	vmov s28;
	s28 =	sadd.s32 $0x2, s26;
	[tilespmem:v19+s15+$0x0] =	vst.idx.msk $0xffff, v10;
	v16 =	vadd.f32 v20, v3;
	v10 =	vadd.s32 v34, v12  }
0x25c: {  	v12 =	vmov s28;
	s28 =	sadd.s32 $0x3, s26;
	v8 =	vadd.s32 v0, v14;
	[tilespmem:v13+s15+$0x0] =	vst.idx.msk $0xffff, v7;
	v19 =	vadd.f32 v21, v4  }
0x25d: {  	s29 =	sadd.s32 $0x7, s26;
	v13 =	vmov s28;
	s28 =	sadd.s32 $0x4, s26;
	v7 =	vadd.s32 v37, v14;
	[tilespmem:v22+s15+$0x0] =	vst.idx.msk $0xffff, v16;
	v16 =	vadd.f32 v23, v3  }
0x25e: {  	v18 =	vmov s29;
	s26 =	sadd.s32 $0x8, s26;
	v14 =	vmov s28;
	s28 =	sadd.s32 $0x5, s25;
	[tilespmem:v17+s15+$0x0] =	vst.idx.msk $0xffff, v19;
	v17 =	vadd.f32 v24, v4  }
0x25f: {  	v19 =	vmov s28;
	v18 =	vshrl.u32 v18, $0x3  }
0x260: {  	v15 =	vadd.f32 v15, v3;
	v6 =	vshll.u32 v6, v1;
	v11 =	vshrl.u32 v11, $0x3  }
0x261: {  	s25 =	sadd.s32 $0x6, s25;
	s24 =	sadd.s32 $0x100, s24;
	v12 =	vshrl.u32 v12, $0x3;
	v13 =	vshrl.u32 v13, $0x3;
	v18 =	vshll.u32 v18, v1  }
0x262: {  	v14 =	vshrl.u32 v14, $0x3;
	v20 =	vmov s25;
	v21 =	vld [tilespmem:s24+$0xFFFFFFF0];
	v18 =	vbroadcast v18, $0x0  }
0x263: {  	[tilespmem:v9+s15+$0x0] =	vst.idx.msk $0xffff, v16;
	v9 =	vshrl.u32 v19, $0x3;
	v16 =	vld [tilespmem:s24+$0x0];
	v11 =	vshll.u32 v11, v1;
	v12 =	vshll.u32 v12, v1  }
0x264: {  	[tilespmem:v10+s15+$0x0] =	vst.idx.msk $0xffff, v17;
	v17 =	vld [tilespmem:s24+$0xFFFFFF30];
	v13 =	vshll.u32 v13, v1;
	v11 =	vbroadcast v11, $0x0;
	v10 =	vadd.s32 v35, v18  }
0x265: {  	v14 =	vshll.u32 v14, v1;
	v19 =	vshrl.u32 v20, $0x3;
	v20 =	vld [tilespmem:s24+$0xFFFFFF40];
	v18 =	vadd.s32 v36, v18  }
0x266: {  	[tilespmem:v8+s15+$0x0] =	vst.idx.msk $0xffff, v15;
	v8 =	vshll.u32 v9, v1;
	v15 =	vld [tilespmem:s24+$0xFFFFFF50];
	v12 =	vbroadcast v12, $0x0;
	v9 =	vadd.s32 v38, v11  }
0x267: {  	v22 =	vld [tilespmem:s24+$0xFFFFFF60];
	v19 =	vshll.u32 v19, v1;
	v11 =	vadd.s32 v39, v11;
	v21 =	vadd.f32 v21, v3  }
0x268: {  	v13 =	vbroadcast v13, $0x0;
	[tilespmem:v7+s15+$0x0] =	vst.idx.msk $0xffff, v5;
	v7 =	vadd.s32 v25, v12;
	v5 =	vadd.f32 v16, v4;
	v16 =	vld [tilespmem:s24+$0xFFFFFF70]  }
0x269: {  	v12 =	vadd.s32 v26, v12;
	[tilespmem:v10+s15+$0x0] =	vst.idx.msk $0xffff, v21;
	v10 =	vadd.f32 v17, v3;
	v17 =	vld [tilespmem:s24+$0xFFFFFF80]  }
0x26a: {  	v14 =	vbroadcast v14, $0x0;
	[tilespmem:v18+s15+$0x0] =	vst.idx.msk $0xffff, v5;
	v5 =	vadd.f32 v20, v4;
	v18 =	vadd.s32 v27, v13;
	v20 =	vld [tilespmem:s24+$0xFFFFFF90]  }
0x26b: {  	[tilespmem:v9+s15+$0x0] =	vst.idx.msk $0xffff, v10;
	v9 =	vadd.f32 v15, v3;
	v10 =	vadd.s32 v28, v13;
	v13 =	vld [tilespmem:s24+$0xFFFFFFA0]  }
0x26c: {  	v8 =	vbroadcast v8, $0x0;
	v15 =	vld [tilespmem:s24+$0xFFFFFFB0];
	[tilespmem:v11+s15+$0x0] =	vst.idx.msk $0xffff, v5;
	v5 =	vadd.f32 v22, v4;
	v11 =	vadd.s32 v29, v14  }
0x26d: {  	[tilespmem:v7+s15+$0x0] =	vst.idx.msk $0xffff, v9;
	v7 =	vadd.f32 v16, v3;
	v9 =	vadd.s32 v30, v14;
	v14 =	vld [tilespmem:s24+$0xFFFFFFC0]  }
0x26e: {  	v16 =	vld [tilespmem:s24+$0xFFFFFFD0];
	[tilespmem:v12+s15+$0x0] =	vst.idx.msk $0xffff, v5;
	v5 =	vadd.f32 v17, v4;
	v12 =	vadd.s32 v31, v8;
	v17 =	vbroadcast v19, $0x0  }
0x26f: {  	v8 =	vadd.s32 v32, v8;
	[tilespmem:v18+s15+$0x0] =	vst.idx.msk $0xffff, v7;
	v7 =	vadd.f32 v20, v3;
	v18 =	vld [tilespmem:s24+$0xFFFFFFE0]  }
0x270: {  	v6 =	vbroadcast v6, $0x0;
	v19 =	vld [tilespmem:s24+$0xFFFFFF10];
	[tilespmem:v10+s15+$0x0] =	vst.idx.msk $0xffff, v5;
	v5 =	vadd.f32 v13, v4;
	v10 =	vadd.s32 v33, v17  }
0x271: {  	v13 =	vld [tilespmem:s24+$0xFFFFFF20];
	[tilespmem:v11+s15+$0x0] =	vst.idx.msk $0xffff, v7;
	v7 =	vadd.f32 v15, v3;
	v11 =	vadd.s32 v34, v17  }
0x272: {  	v15 =	vadd.s32 v0, v6;
	[tilespmem:v9+s15+$0x0] =	vst.idx.msk $0xffff, v5;
	v5 =	vadd.f32 v14, v4  }
0x273: {  	v6 =	vadd.s32 v37, v6;
	[tilespmem:v12+s15+$0x0] =	vst.idx.msk $0xffff, v7;
	v7 =	vadd.f32 v16, v3  }
0x274: {  	[tilespmem:v8+s15+$0x0] =	vst.idx.msk $0xffff, v5;
	v5 =	vadd.f32 v18, v4  }
0x275: {  	v3 =	vadd.f32 v19, v3;
	[tilespmem:v10+s15+$0x0] =	vst.idx.msk $0xffff, v7  }
0x276: {  	v4 =	vadd.f32 v13, v4;
	[tilespmem:v11+s15+$0x0] =	vst.idx.msk $0xffff, v5  }
0x277: {  	s23 =	sshll.u32 s23, $0x5;
	[tilespmem:v15+s15+$0x0] =	vst.idx.msk $0xffff, v3  }
0x278: {  	s23 =	sand.u32 $0x3FFFFFE0, s23;
	[tilespmem:v6+s15+$0x0] =	vst.idx.msk $0xffff, v4  }
0x279: {  	v4 =	vld [tilespmem:s23+$0x6400]  }
0x27a: {  	s30 =	simm.s32 $0xCD00;
	v3 =	vld [tilespmem:s23+$0x6410]  }
0x27b: {  	v15 =	vld [tilespmem:s30+$0xA0]  }
0x27c: {  	v5 =	vld [tilespmem:s30+$0x70]  }
0x27d: {  	v18 =	vld [tilespmem:s30+$0xD0]  }
0x27e: {  	v12 =	vld [tilespmem:s30+$0x50]  }
0x27f: {  	v25 =	vld [tilespmem:s30+$0x40]  }
0x280: {  	v16 =	vld [tilespmem:s30+$0x10]  }
0x281: {  	v11 =	vld [tilespmem:s30+$0x30]  }
0x282: {  	s23 =	simm.s32 $0x0;
	v23 =	vld [tilespmem:s30+$0xB0]  }
0x283: {  	v24 =	vld [tilespmem:s30+$0x20];
	v6 =	vmov s23  }
0x284: {  	v40 =	vld [tilespmem:$0x1FEC0];
	v6 =	vshrl.u32 v6, $0x3  }
0x285: {  	v26 =	vld [tilespmem:s30+$0xF0];
	v6 =	vshll.u32 v6, $0x3  }
0x286: {  	v54 =	vld [tilespmem:s30+$0x60];
	v6 =	vbroadcast v6, $0x0  }
0x287: {  	v28 =	vld [tilespmem:s30+$0xC0]  }
0x288: {  	v13 =	vld [tilespmem:s30+$0x80];
	v31 =	vadd.s32 v41, v6  }
0x289: {  	v29 =	vld [tilespmem:s30+$0xE0]  }
0x28a: {  	v55 =	vadd.f32 v24, v4;
	v24 =	vld [tilespmem:s30+$0x0]  }
0x28b: {  	v42 =	vmov v41;
	v41 =	vld [tilespmem:$0x1FED0]  }
0x28c: {  	v44 =	vmovc v43;
	v17 =	vadd.f32 v11, v3;
	v11 =	vadd.f32 v23, v3;
	v19 =	vadd.s32 v43, v6;
	v43 =	vld [tilespmem:$0x1FEF0]  }
0x28d: {  	v30 =	vadd.f32 v25, v4;
	v25 =	vadd.f32 v26, v3;
	v26 =	vld [tilespmem:s30+$0x90];
	[tilespmem:v31+s15+$0x0] =	vst.idx.msk $0xffff, v55  }
0x28e: {  	v18 =	vadd.f32 v18, v3;
	v8 =	vadd.s32 v40, v6;
	v20 =	vadd.s32 v45, v6;
	v48 =	vld [tilespmem:$0x1FF10]  }
0x28f: {  	v7 =	vadd.s32 v46, v6;
	v10 =	vadd.s32 v51, v6;
	v27 =	vadd.s32 v49, v6;
	v55 =	vld [tilespmem:$0x1FF60]  }
0x290: {  	v22 =	vadd.s32 v47, v6;
	v21 =	vadd.s32 v53, v6;
	v31 =	vadd.f32 v54, v4;
	v54 =	vld [tilespmem:$0x1FF40]  }
0x291: {  	s24 =	simm.s32 $0xCE00;
	v23 =	vadd.s32 v52, v6;
	v9 =	vadd.s32 v41, v6;
	v14 =	vadd.s32 v43, v6;
	v50 =	vld [tilespmem:$0x1FCA0]  }
.LBB2_17:
0x292: {  	s23 =	sadd.s32 $0x8, s23;
	v32 =	vld [tilespmem:s24+$0xA0];
	v33 =	vadd.f32 v16, v3;
	[tilespmem:v19+s15+$0x0] =	vst.idx.msk $0xffff, v30;
	v16 =	vadd.f32 v28, v4  }
0x293: {  	v30 =	vadd.f32 v5, v3;
	v15 =	vadd.f32 v15, v4;
	v19 =	vmov s23;
	p0 =	slt.u32 s23, $0x78;
	[tilespmem:v20+s15+$0x0] =	vst.idx.msk $0xffff, v31;
	v5 =	vld [tilespmem:s24+$0x70]  }
0x294: {  	v31 =	vadd.s32 v55, v6;
	v19 =	vshrl.u32 v19, $0x3;
	v34 =	vld [tilespmem:s24+$0xD0];
	[tilespmem:v27+s15+$0x0] =	vst.idx.msk $0xffff, v16;
	v16 =	vadd.f32 v29, v4  }
0x295: {  	v28 =	vadd.s32 v48, v6;
	v35 =	vadd.s32 v54, v6;
	v19 =	vshll.u32 v19, $0x3;
	v27 =	vld [tilespmem:s24+$0x50];
	[tilespmem:v22+s15+$0x0] =	vst.idx.msk $0xffff, v15  }
0x296: {  	v29 =	vadd.s32 v50, v6;
	v36 =	vld [tilespmem:s24+$0x40];
	v6 =	vbroadcast v19, $0x0;
	v26 =	vadd.f32 v26, v3;
	[tilespmem:v23+s15+$0x0] =	vst.idx.msk $0xffff, v16  }
0x297: {  	v37 =	vadd.f32 v12, v3;
	v22 =	vadd.f32 v24, v4;
	v16 =	vld [tilespmem:s24+$0x10];
	[tilespmem:v21+s15+$0x0] =	vst.idx.msk $0xffff, v25;
	v15 =	vmov v32  }
0x298: {  	v21 =	vadd.s32 v40, v6;
	v23 =	vld [tilespmem:s24+$0x30];
	v19 =	vadd.s32 v44, v6;
	[tilespmem:v14+s15+$0x0] =	vst.idx.msk $0xffff, v17  }
0x299: {  	v32 =	vadd.s32 v42, v6;
	v20 =	vadd.s32 v45, v6;
	v24 =	vld [tilespmem:s24+$0xB0];
	[tilespmem:v8+s15+$0x0] =	vst.idx.msk $0xffff, v22;
	v8 =	vmov v21  }
0x29a: {  	v17 =	vadd.s32 v41, v6;
	v14 =	vadd.s32 v43, v6;
	v25 =	vld [tilespmem:s24+$0x20];
	[tilespmem:v28+s15+$0x0] =	vst.idx.msk $0xffff, v37;
	v12 =	vmov v27  }
0x29b: {  	v21 =	vadd.s32 v51, v6;
	v37 =	vadd.s32 v46, v6;
	v38 =	vld [tilespmem:s24+$0xF0];
	[tilespmem:v9+s15+$0x0] =	vst.idx.msk $0xffff, v33;
	v9 =	vmov v17  }
0x29c: {  	v39 =	vadd.f32 v13, v4;
	v22 =	vadd.s32 v47, v6;
	v33 =	vld [tilespmem:s24+$0x60];
	[tilespmem:v10+s15+$0x0] =	vst.idx.msk $0xffff, v18;
	v10 =	vmov v21  }
.Ltmp7:
0x29d: {  	v21 =	vadd.s32 v53, v6;
	v17 =	vadd.f32 v23, v3;
	v28 =	vld [tilespmem:s24+$0xC0];
	[tilespmem:v29+s15+$0x0] =	vst.idx.msk $0xffff, v30;
	(pc) =	sbr.rel @p0 .LBB2_17-.Ltmp7, $4  }
0x29e: {  	v27 =	vadd.s32 v49, v6;
	v13 =	vld [tilespmem:s24+$0x80];
	v18 =	vadd.f32 v24, v3;
	[tilespmem:v7+s15+$0x0] =	vst.idx.msk $0xffff, v39;
	v7 =	vmov v37  }
0x29f: {  	v23 =	vadd.s32 v52, v6;
	v37 =	vadd.f32 v25, v4;
	v29 =	vld [tilespmem:s24+$0xE0];
	[tilespmem:v35+s15+$0x0] =	vst.idx.msk $0xffff, v26  }
0x2a0: {  	v30 =	vadd.f32 v36, v4;
	v24 =	vld [tilespmem:s24+$0x0];
	v25 =	vadd.f32 v38, v3;
	[tilespmem:v31+s15+$0x0] =	vst.idx.msk $0xffff, v11;
	v11 =	vmov v18  }
0x2a1: {  	v18 =	vadd.f32 v34, v3;
	[tilespmem:v32+s15+$0x0] =	vst.idx.msk $0xffff, v37;
	v31 =	vadd.f32 v33, v4;
	v26 =	vld [tilespmem:s24+$0x90];
	s24 =	sadd.s32 $0x100, s24  }
0x2a2: {  	_ =	sdelay $0x3  }
0x2a3: {  	[tilespmem:v19+s15+$0x0] =	vst.idx.msk $0xffff, v30  }
0x2a4: {  	v19 =	vadd.f32 v28, v4;
	[tilespmem:v14+s15+$0x0] =	vst.idx.msk $0xffff, v17  }
0x2a5: {  	v15 =	vadd.f32 v15, v4;
	[tilespmem:v20+s15+$0x0] =	vst.idx.msk $0xffff, v31  }
0x2a6: {  	[tilespmem:v27+s15+$0x0] =	vst.idx.msk $0xffff, v19  }
0x2a7: {  	v19 =	vadd.f32 v29, v4;
	[tilespmem:v22+s15+$0x0] =	vst.idx.msk $0xffff, v15  }
0x2a8: {  	v20 =	vadd.s32 v48, v6;
	[tilespmem:v10+s15+$0x0] =	vst.idx.msk $0xffff, v18  }
0x2a9: {  	v15 =	vadd.f32 v24, v4;
	[tilespmem:v23+s15+$0x0] =	vst.idx.msk $0xffff, v19  }
0x2aa: {  	v4 =	vadd.f32 v13, v4;
	v19 =	vadd.s32 v50, v6;
	[tilespmem:v21+s15+$0x0] =	vst.idx.msk $0xffff, v25  }
0x2ab: {  	v12 =	vadd.f32 v12, v3;
	[tilespmem:v8+s15+$0x0] =	vst.idx.msk $0xffff, v15;
	v8 =	vadd.s32 v54, v6  }
0x2ac: {  	v14 =	vadd.f32 v16, v3;
	v6 =	vadd.s32 v55, v6;
	[tilespmem:v7+s15+$0x0] =	vst.idx.msk $0xffff, v4  }
0x2ad: {  	v5 =	vadd.f32 v5, v3;
	[tilespmem:v20+s15+$0x0] =	vst.idx.msk $0xffff, v12  }
0x2ae: {  	v3 =	vadd.f32 v26, v3;
	[tilespmem:v9+s15+$0x0] =	vst.idx.msk $0xffff, v14  }
0x2af: {  	[tilespmem:v19+s15+$0x0] =	vst.idx.msk $0xffff, v5  }
0x2b0: {  	s22 =	sshll.u32 s22, $0x5;
	[tilespmem:v8+s15+$0x0] =	vst.idx.msk $0xffff, v3  }
0x2b1: {  	s22 =	sand.u32 $0x3FFFFFE0, s22;
	[tilespmem:v6+s15+$0x0] =	vst.idx.msk $0xffff, v11  }
0x2b2: {  	v4 =	vld [tilespmem:s22+$0x6400]  }
0x2b3: {  	s23 =	simm.s32 $0xDD00;
	v3 =	vld [tilespmem:s22+$0x6410]  }
0x2b4: {  	v15 =	vld [tilespmem:s23+$0xA0]  }
0x2b5: {  	v5 =	vld [tilespmem:s23+$0x70]  }
0x2b6: {  	v18 =	vld [tilespmem:s23+$0xD0]  }
0x2b7: {  	v12 =	vld [tilespmem:s23+$0x50]  }
0x2b8: {  	v25 =	vld [tilespmem:s23+$0x40]  }
0x2b9: {  	v16 =	vld [tilespmem:s23+$0x10]  }
0x2ba: {  	v11 =	vld [tilespmem:s23+$0x30]  }
0x2bb: {  	v23 =	vld [tilespmem:s23+$0xB0]  }
0x2bc: {  	v24 =	vld [tilespmem:s23+$0x20]  }
0x2bd: {  	v40 =	vld [tilespmem:$0x1FCB0]  }
0x2be: {  	v45 =	vld [tilespmem:$0x1FCF0]  }
0x2bf: {  	v26 =	vld [tilespmem:s23+$0xF0]  }
0x2c0: {  	v42 =	vld [tilespmem:$0x1FCD0]  }
0x2c1: {  	v46 =	vld [tilespmem:$0x1FD00]  }
0x2c2: {  	v41 =	vld [tilespmem:$0x1FCC0]  }
0x2c3: {  	v32 =	vld [tilespmem:s23+$0x60]  }
0x2c4: {  	s22 =	simm.s32 $0x0;
	v43 =	vld [tilespmem:$0x1FCE0]  }
0x2c5: {  	v50 =	vld [tilespmem:$0x1FD10];
	v6 =	vmov s22  }
0x2c6: {  	v44 =	vld [tilespmem:$0x1FD60];
	v6 =	vshrl.u32 v6, $0x3  }
0x2c7: {  	v28 =	vld [tilespmem:s23+$0xC0];
	v6 =	vshll.u32 v6, $0x3  }
0x2c8: {  	v51 =	vld [tilespmem:$0x1FD30];
	v6 =	vbroadcast v6, $0x0  }
0x2c9: {  	v49 =	vld [tilespmem:$0x1FD80]  }
0x2ca: {  	v13 =	vld [tilespmem:s23+$0x80];
	v31 =	vadd.s32 v42, v6  }
0x2cb: {  	v53 =	vld [tilespmem:$0x1FD50]  }
0x2cc: {  	v29 =	vld [tilespmem:s23+$0xE0]  }
0x2cd: {  	v47 =	vld [tilespmem:$0x1FD70];
	v17 =	vadd.f32 v11, v3;
	v33 =	vadd.f32 v24, v4  }
0x2ce: {  	v11 =	vadd.f32 v23, v3;
	v24 =	vld [tilespmem:s23+$0x0];
	v30 =	vadd.f32 v25, v4  }
0x2cf: {  	v25 =	vadd.f32 v26, v3;
	v26 =	vld [tilespmem:s23+$0x90];
	v19 =	vadd.s32 v45, v6;
	[tilespmem:v31+s15+$0x0] =	vst.idx.msk $0xffff, v33  }
0x2d0: {  	v18 =	vadd.f32 v18, v3;
	v8 =	vadd.s32 v40, v6;
	v20 =	vadd.s32 v46, v6;
	v54 =	vld [tilespmem:$0x1FFB0]  }
0x2d1: {  	v9 =	vadd.s32 v41, v6;
	v14 =	vadd.s32 v43, v6;
	v27 =	vadd.s32 v53, v6;
	v52 =	vld [tilespmem:$0x1FD40]  }
0x2d2: {  	v7 =	vadd.s32 v50, v6;
	v10 =	vadd.s32 v44, v6;
	v22 =	vadd.s32 v51, v6;
	v48 =	vld [tilespmem:$0x1FD20]  }
0x2d3: {  	s23 =	simm.s32 $0xDE00;
	v21 =	vadd.s32 v49, v6;
	v23 =	vadd.s32 v47, v6;
	v31 =	vadd.f32 v32, v4;
	v55 =	vld [tilespmem:$0x1FFC0]  }
.LBB2_19:
0x2d4: {  	s22 =	sadd.s32 $0x8, s22;
	v32 =	vld [tilespmem:s23+$0xA0];
	v33 =	vadd.f32 v16, v3;
	[tilespmem:v19+s15+$0x0] =	vst.idx.msk $0xffff, v30;
	v16 =	vadd.f32 v28, v4  }
0x2d5: {  	v30 =	vadd.f32 v5, v3;
	v15 =	vadd.f32 v15, v4;
	v19 =	vmov s22;
	p0 =	slt.u32 s22, $0x78;
	[tilespmem:v20+s15+$0x0] =	vst.idx.msk $0xffff, v31;
	v5 =	vld [tilespmem:s23+$0x70]  }
0x2d6: {  	v31 =	vadd.s32 v52, v6;
	v19 =	vshrl.u32 v19, $0x3;
	v34 =	vld [tilespmem:s23+$0xD0];
	[tilespmem:v27+s15+$0x0] =	vst.idx.msk $0xffff, v16;
	v16 =	vadd.f32 v29, v4  }
0x2d7: {  	v28 =	vadd.s32 v54, v6;
	v35 =	vadd.s32 v48, v6;
	v19 =	vshll.u32 v19, $0x3;
	v27 =	vld [tilespmem:s23+$0x50];
	[tilespmem:v22+s15+$0x0] =	vst.idx.msk $0xffff, v15  }
0x2d8: {  	v29 =	vadd.s32 v55, v6;
	v36 =	vld [tilespmem:s23+$0x40];
	v6 =	vbroadcast v19, $0x0;
	v26 =	vadd.f32 v26, v3;
	[tilespmem:v23+s15+$0x0] =	vst.idx.msk $0xffff, v16  }
0x2d9: {  	v37 =	vadd.f32 v12, v3;
	v22 =	vadd.f32 v24, v4;
	v16 =	vld [tilespmem:s23+$0x10];
	[tilespmem:v21+s15+$0x0] =	vst.idx.msk $0xffff, v25;
	v15 =	vmov v32  }
0x2da: {  	v21 =	vadd.s32 v40, v6;
	v23 =	vld [tilespmem:s23+$0x30];
	v19 =	vadd.s32 v45, v6;
	[tilespmem:v14+s15+$0x0] =	vst.idx.msk $0xffff, v17  }
0x2db: {  	v32 =	vadd.s32 v42, v6;
	v20 =	vadd.s32 v46, v6;
	v24 =	vld [tilespmem:s23+$0xB0];
	[tilespmem:v8+s15+$0x0] =	vst.idx.msk $0xffff, v22;
	v8 =	vmov v21  }
0x2dc: {  	v17 =	vadd.s32 v41, v6;
	v14 =	vadd.s32 v43, v6;
	v25 =	vld [tilespmem:s23+$0x20];
	[tilespmem:v28+s15+$0x0] =	vst.idx.msk $0xffff, v37;
	v12 =	vmov v27  }
0x2dd: {  	v21 =	vadd.s32 v44, v6;
	v37 =	vadd.s32 v50, v6;
	v38 =	vld [tilespmem:s23+$0xF0];
	[tilespmem:v9+s15+$0x0] =	vst.idx.msk $0xffff, v33;
	v9 =	vmov v17  }
0x2de: {  	v39 =	vadd.f32 v13, v4;
	v22 =	vadd.s32 v51, v6;
	v33 =	vld [tilespmem:s23+$0x60];
	[tilespmem:v10+s15+$0x0] =	vst.idx.msk $0xffff, v18;
	v10 =	vmov v21  }
.Ltmp8:
0x2df: {  	v21 =	vadd.s32 v49, v6;
	v17 =	vadd.f32 v23, v3;
	v28 =	vld [tilespmem:s23+$0xC0];
	[tilespmem:v29+s15+$0x0] =	vst.idx.msk $0xffff, v30;
	(pc) =	sbr.rel @p0 .LBB2_19-.Ltmp8, $4  }
0x2e0: {  	v27 =	vadd.s32 v53, v6;
	v13 =	vld [tilespmem:s23+$0x80];
	v18 =	vadd.f32 v24, v3;
	[tilespmem:v7+s15+$0x0] =	vst.idx.msk $0xffff, v39;
	v7 =	vmov v37  }
0x2e1: {  	v23 =	vadd.s32 v47, v6;
	v37 =	vadd.f32 v25, v4;
	v29 =	vld [tilespmem:s23+$0xE0];
	[tilespmem:v35+s15+$0x0] =	vst.idx.msk $0xffff, v26  }
0x2e2: {  	v30 =	vadd.f32 v36, v4;
	v24 =	vld [tilespmem:s23+$0x0];
	v25 =	vadd.f32 v38, v3;
	[tilespmem:v31+s15+$0x0] =	vst.idx.msk $0xffff, v11;
	v11 =	vmov v18  }
0x2e3: {  	v18 =	vadd.f32 v34, v3;
	[tilespmem:v32+s15+$0x0] =	vst.idx.msk $0xffff, v37;
	v31 =	vadd.f32 v33, v4;
	v26 =	vld [tilespmem:s23+$0x90];
	s23 =	sadd.s32 $0x100, s23  }
0x2e4: {  	_ =	sdelay $0x3  }
0x2e5: {  	[tilespmem:v19+s15+$0x0] =	vst.idx.msk $0xffff, v30  }
0x2e6: {  	v19 =	vadd.f32 v28, v4;
	[tilespmem:v14+s15+$0x0] =	vst.idx.msk $0xffff, v17  }
0x2e7: {  	v15 =	vadd.f32 v15, v4;
	[tilespmem:v20+s15+$0x0] =	vst.idx.msk $0xffff, v31  }
0x2e8: {  	[tilespmem:v27+s15+$0x0] =	vst.idx.msk $0xffff, v19  }
0x2e9: {  	v19 =	vadd.f32 v29, v4;
	[tilespmem:v22+s15+$0x0] =	vst.idx.msk $0xffff, v15  }
0x2ea: {  	v20 =	vadd.s32 v54, v6;
	[tilespmem:v10+s15+$0x0] =	vst.idx.msk $0xffff, v18  }
0x2eb: {  	v15 =	vadd.f32 v24, v4;
	[tilespmem:v23+s15+$0x0] =	vst.idx.msk $0xffff, v19  }
0x2ec: {  	v4 =	vadd.f32 v13, v4;
	v19 =	vadd.s32 v55, v6;
	[tilespmem:v21+s15+$0x0] =	vst.idx.msk $0xffff, v25  }
0x2ed: {  	v12 =	vadd.f32 v12, v3;
	[tilespmem:v8+s15+$0x0] =	vst.idx.msk $0xffff, v15;
	v8 =	vadd.s32 v48, v6  }
0x2ee: {  	v14 =	vadd.f32 v16, v3;
	v6 =	vadd.s32 v52, v6;
	[tilespmem:v7+s15+$0x0] =	vst.idx.msk $0xffff, v4  }
0x2ef: {  	v5 =	vadd.f32 v5, v3;
	[tilespmem:v20+s15+$0x0] =	vst.idx.msk $0xffff, v12  }
0x2f0: {  	v3 =	vadd.f32 v26, v3;
	[tilespmem:v9+s15+$0x0] =	vst.idx.msk $0xffff, v14  }
0x2f1: {  	[tilespmem:v19+s15+$0x0] =	vst.idx.msk $0xffff, v5  }
0x2f2: {  	s21 =	sshll.u32 s21, $0x5;
	[tilespmem:v8+s15+$0x0] =	vst.idx.msk $0xffff, v3  }
0x2f3: {  	s21 =	sand.u32 $0x3FFFFFE0, s21;
	[tilespmem:v6+s15+$0x0] =	vst.idx.msk $0xffff, v11  }
0x2f4: {  	v4 =	vld [tilespmem:s21+$0x6400]  }
0x2f5: {  	s22 =	simm.s32 $0xED00;
	v3 =	vld [tilespmem:s21+$0x6410]  }
0x2f6: {  	v15 =	vld [tilespmem:s22+$0xA0]  }
0x2f7: {  	v5 =	vld [tilespmem:s22+$0x70]  }
0x2f8: {  	v18 =	vld [tilespmem:s22+$0xD0]  }
0x2f9: {  	v12 =	vld [tilespmem:s22+$0x50]  }
0x2fa: {  	v25 =	vld [tilespmem:s22+$0x40]  }
0x2fb: {  	v16 =	vld [tilespmem:s22+$0x10]  }
0x2fc: {  	v10 =	vld [tilespmem:s22+$0x30]  }
0x2fd: {  	v23 =	vld [tilespmem:s22+$0xB0]  }
0x2fe: {  	v24 =	vld [tilespmem:s22+$0x20]  }
0x2ff: {  	v44 =	vld [tilespmem:$0x1FFD0]  }
0x300: {  	s21 =	simm.s32 $0x0;
	v41 =	vld [tilespmem:$0x1FDA0]  }
0x301: {  	v49 =	vld [tilespmem:$0x1FFF0];
	v6 =	vmov s21  }
0x302: {  	v26 =	vld [tilespmem:s22+$0xF0];
	v6 =	vshrl.u32 v6, $0x3  }
0x303: {  	v43 =	vld [tilespmem:$0x1FDC0];
	v6 =	vshll.u32 v6, $0x3  }
0x304: {  	v47 =	vld [tilespmem:$0x1FFE0];
	v6 =	vbroadcast v6, $0x0  }
0x305: {  	v32 =	vld [tilespmem:s22+$0x60]  }
0x306: {  	v40 =	vld [tilespmem:$0x1FD90];
	v31 =	vadd.s32 v49, v6  }
0x307: {  	v28 =	vld [tilespmem:s22+$0xC0]  }
0x308: {  	v13 =	vld [tilespmem:s22+$0x80]  }
0x309: {  	v29 =	vld [tilespmem:s22+$0xE0];
	v33 =	vadd.f32 v24, v4  }
0x30a: {  	v24 =	vld [tilespmem:s22+$0x0]  }
0x30b: {  	v30 =	vadd.f32 v25, v4;
	v25 =	vadd.f32 v26, v3;
	v26 =	vld [tilespmem:s22+$0x90];
	[tilespmem:v31+s15+$0x0] =	vst.idx.msk $0xffff, v33  }
0x30c: {  	v46 =	vld [tilespmem:$0x1FEE0]  }
0x30d: {  	v48 =	vld [tilespmem:$0x1FEF0]  }
0x30e: {  	v50 =	vld [tilespmem:$0x1FF20]  }
0x30f: {  	v17 =	vadd.f32 v10, v3;
	v10 =	vadd.f32 v23, v3;
	v19 =	vadd.s32 v41, v6;
	v52 =	vld [tilespmem:$0x1FF70]  }
0x310: {  	v18 =	vadd.f32 v18, v3;
	v8 =	vadd.s32 v44, v6;
	v20 =	vadd.s32 v43, v6;
	v53 =	vld [tilespmem:$0x1FF80]  }
0x311: {  	v9 =	vadd.s32 v47, v6;
	v14 =	vadd.s32 v40, v6;
	v27 =	vadd.s32 v61, v6;
	v45 =	vld [tilespmem:$0x1FF90]  }
0x312: {  	v7 =	vadd.s32 v57, v6;
	v11 =	vadd.s32 v62, v6;
	v22 =	vadd.s32 v59, v6;
	v42 =	vld [tilespmem:$0x1FDB0]  }
0x313: {  	s22 =	simm.s32 $0xEE00;
	v21 =	vadd.s32 v2, v6;
	v23 =	vadd.s32 v63, v6;
	v31 =	vadd.f32 v32, v4;
	v51 =	vld [tilespmem:$0x1FFA0]  }
.LBB2_21:
0x314: {  	s21 =	sadd.s32 $0x8, s21;
	v32 =	vld [tilespmem:s22+$0xA0];
	v33 =	vadd.f32 v16, v3;
	[tilespmem:v19+s15+$0x0] =	vst.idx.msk $0xffff, v30;
	v16 =	vadd.f32 v28, v4  }
0x315: {  	v30 =	vadd.f32 v5, v3;
	v15 =	vadd.f32 v15, v4;
	v19 =	vmov s21;
	p0 =	slt.u32 s21, $0x78;
	[tilespmem:v20+s15+$0x0] =	vst.idx.msk $0xffff, v31;
	v5 =	vld [tilespmem:s22+$0x70]  }
0x316: {  	v31 =	vadd.s32 v60, v6;
	v19 =	vshrl.u32 v19, $0x3;
	v34 =	vld [tilespmem:s22+$0xD0];
	[tilespmem:v27+s15+$0x0] =	vst.idx.msk $0xffff, v16;
	v16 =	vadd.f32 v29, v4  }
0x317: {  	v28 =	vadd.s32 v42, v6;
	v35 =	vadd.s32 v58, v6;
	v19 =	vshll.u32 v19, $0x3;
	v27 =	vld [tilespmem:s22+$0x50];
	[tilespmem:v22+s15+$0x0] =	vst.idx.msk $0xffff, v15  }
0x318: {  	v29 =	vadd.s32 v56, v6;
	v36 =	vld [tilespmem:s22+$0x40];
	v6 =	vbroadcast v19, $0x0;
	v26 =	vadd.f32 v26, v3;
	[tilespmem:v23+s15+$0x0] =	vst.idx.msk $0xffff, v16  }
0x319: {  	v37 =	vadd.f32 v12, v3;
	v22 =	vadd.f32 v24, v4;
	v16 =	vld [tilespmem:s22+$0x10];
	[tilespmem:v21+s15+$0x0] =	vst.idx.msk $0xffff, v25;
	v15 =	vmov v32  }
0x31a: {  	v21 =	vadd.s32 v44, v6;
	v23 =	vld [tilespmem:s22+$0x30];
	v19 =	vadd.s32 v41, v6;
	[tilespmem:v14+s15+$0x0] =	vst.idx.msk $0xffff, v17  }
0x31b: {  	v32 =	vadd.s32 v49, v6;
	v20 =	vadd.s32 v43, v6;
	v24 =	vld [tilespmem:s22+$0xB0];
	[tilespmem:v8+s15+$0x0] =	vst.idx.msk $0xffff, v22;
	v8 =	vmov v21  }
0x31c: {  	v17 =	vadd.s32 v47, v6;
	v14 =	vadd.s32 v40, v6;
	v25 =	vld [tilespmem:s22+$0x20];
	[tilespmem:v28+s15+$0x0] =	vst.idx.msk $0xffff, v37;
	v12 =	vmov v27  }
0x31d: {  	v21 =	vadd.s32 v62, v6;
	v37 =	vadd.s32 v57, v6;
	v38 =	vld [tilespmem:s22+$0xF0];
	[tilespmem:v9+s15+$0x0] =	vst.idx.msk $0xffff, v33;
	v9 =	vmov v17  }
0x31e: {  	v39 =	vadd.f32 v13, v4;
	v22 =	vadd.s32 v59, v6;
	v33 =	vld [tilespmem:s22+$0x60];
	[tilespmem:v11+s15+$0x0] =	vst.idx.msk $0xffff, v18;
	v11 =	vmov v21  }
.Ltmp9:
0x31f: {  	v21 =	vadd.s32 v2, v6;
	v17 =	vadd.f32 v23, v3;
	v28 =	vld [tilespmem:s22+$0xC0];
	[tilespmem:v29+s15+$0x0] =	vst.idx.msk $0xffff, v30;
	(pc) =	sbr.rel @p0 .LBB2_21-.Ltmp9, $4  }
0x320: {  	v27 =	vadd.s32 v61, v6;
	v13 =	vld [tilespmem:s22+$0x80];
	v18 =	vadd.f32 v24, v3;
	[tilespmem:v7+s15+$0x0] =	vst.idx.msk $0xffff, v39;
	v7 =	vmov v37  }
0x321: {  	v23 =	vadd.s32 v63, v6;
	v37 =	vadd.f32 v25, v4;
	v29 =	vld [tilespmem:s22+$0xE0];
	[tilespmem:v35+s15+$0x0] =	vst.idx.msk $0xffff, v26  }
0x322: {  	v30 =	vadd.f32 v36, v4;
	v24 =	vld [tilespmem:s22+$0x0];
	v25 =	vadd.f32 v38, v3;
	[tilespmem:v31+s15+$0x0] =	vst.idx.msk $0xffff, v10;
	v10 =	vmov v18  }
0x323: {  	v18 =	vadd.f32 v34, v3;
	[tilespmem:v32+s15+$0x0] =	vst.idx.msk $0xffff, v37;
	v31 =	vadd.f32 v33, v4;
	v26 =	vld [tilespmem:s22+$0x90];
	s22 =	sadd.s32 $0x100, s22  }
0x324: {  	_ =	sdelay $0x3  }
0x325: {  	[tilespmem:v19+s15+$0x0] =	vst.idx.msk $0xffff, v30  }
0x326: {  	v2 =	vadd.f32 v28, v4;
	[tilespmem:v14+s15+$0x0] =	vst.idx.msk $0xffff, v17  }
0x327: {  	v15 =	vadd.f32 v15, v4;
	[tilespmem:v20+s15+$0x0] =	vst.idx.msk $0xffff, v31  }
0x328: {  	[tilespmem:v27+s15+$0x0] =	vst.idx.msk $0xffff, v2  }
0x329: {  	v63 =	vadd.f32 v13, v4;
	[tilespmem:v22+s15+$0x0] =	vst.idx.msk $0xffff, v15  }
0x32a: {  	v49 =	vadd.s32 v42, v6;
	v2 =	vadd.f32 v29, v4;
	[tilespmem:v11+s15+$0x0] =	vst.idx.msk $0xffff, v18  }
0x32b: {  	v54 =	vadd.s32 v56, v6;
	[tilespmem:v7+s15+$0x0] =	vst.idx.msk $0xffff, v63  }
0x32c: {  	v62 =	vadd.s32 v60, v6;
	[tilespmem:v23+s15+$0x0] =	vst.idx.msk $0xffff, v2;
	v2 =	vadd.f32 v24, v4  }
0x32d: {  	v12 =	vadd.f32 v12, v3;
	[tilespmem:v21+s15+$0x0] =	vst.idx.msk $0xffff, v25  }
0x32e: {  	v5 =	vadd.f32 v5, v3;
	[tilespmem:v8+s15+$0x0] =	vst.idx.msk $0xffff, v2;
	v2 =	vadd.s32 v58, v6  }
0x32f: {  	[tilespmem:v49+s15+$0x0] =	vst.idx.msk $0xffff, v12  }
0x330: {  	v55 =	vadd.f32 v16, v3;
	s20 =	sshll.u32 s20, $0x11;
	[tilespmem:v54+s15+$0x0] =	vst.idx.msk $0xffff, v5  }
0x331: {  	s20 =	sor.u32 s4, s20;
	v3 =	vadd.f32 v26, v3;
	[tilespmem:v62+s15+$0x0] =	vst.idx.msk $0xffff, v10  }
0x332: {  	s20 =	sshrl.u32 s20, $0x3;
	[tilespmem:v9+s15+$0x0] =	vst.idx.msk $0xffff, v55  }
0x333: {  	s26 =	simm.s32 $0x14100;
	s21 =	sadd.s32 s2, s20;
	[tilespmem:v2+s15+$0x0] =	vst.idx.msk $0xffff, v3  }
0x334: {  	[hbm4b:s21+s3] =	stream.linear.scatter [tilespmem:s26], [sflag:$0x4], $0x80, $0x38;
	[tilespmem:$0x18500] =	vst v63  }
0x335: {  	s28 =	simm.s32 $0x14188;
	s22 =	sadd.s32 $0x10, s21  }
0x336: {  	[hbm4b:s22+s3] =	stream.linear.scatter [tilespmem:s28], [sflag:$0x4], $0x80, $0x38;
	[tilespmem:$0x18500] =	vst v63  }
0x337: {  	s29 =	simm.s32 $0x14210;
	s24 =	simm.s32 $0x14320;
	s30 =	sadd.s32 $0x20, s21  }
0x338: {  	[hbm4b:s30+s3] =	stream.linear.scatter [tilespmem:s29], [sflag:$0x4], $0x80, $0x38;
	[tilespmem:$0x18500] =	vst v63  }
0x339: {  	s20 =	simm.s32 $0x440;
	s23 =	sadd.s32 $0x30, s21;
	s22 =	simm.s32 $0x14298  }
0x33a: {  	[hbm4b:s23+s3] =	stream.linear.scatter [tilespmem:s22], [sflag:$0x4], $0x80, $0x38;
	[tilespmem:$0x18500] =	vst v63  }
0x33b: {  	s25 =	sadd.s32 $0x40, s21;
	s26 =	simm.s32 $0x143A8;
	v37 =	vld [tilespmem:$0x1FDD0];
	s28 =	sadd.s32 $0x50, s21  }
0x33c: {  	v38 =	vld [tilespmem:$0x1FDE0];
	[hbm4b:s25+s3] =	stream.linear.scatter [tilespmem:s24], [sflag:$0x4], $0x80, $0x38  }
0x33d: {  	v39 =	vld [tilespmem:$0x1FDF0];
	s29 =	simm.s32 $0x14430;
	s30 =	sadd.s32 $0x60, s21;
	s22 =	simm.s32 $0x2200  }
0x33e: {  	v33 =	vld [tilespmem:$0x1FE90];
	[hbm4b:s28+s3] =	stream.linear.scatter [tilespmem:s26], [sflag:$0x4], $0x80, $0x38  }
0x33f: {  	v34 =	vld [tilespmem:$0x1FEA0];
	s23 =	simm.s32 $0x144B8;
	s24 =	sadd.s32 $0x70, s21;
	s21 =	sadd.s32 $0x1000, s21  }
0x340: {  	v35 =	vld [tilespmem:$0x1FEB0];
	[hbm4b:s30+s3] =	stream.linear.scatter [tilespmem:s29], [sflag:$0x4], $0x80, $0x38  }
.LBB2_23:
0x341: {  	[hbm4b:s24+s3] =	stream.linear.scatter [tilespmem:s23], [sflag:$0x4], $0x80, $0x38;
	[tilespmem:$0x18500] =	vst v63  }
0x342: {  	s23 =	smov.u32 s20;
	s20 =	smov.u32 s22  }
0x343: {  	s25 =	sadd.s32 $0x1100, s22;
	s20 =	sshra.s32 s20, $0x2;
	s24 =	sadd.s32 $0x14100, s23  }
0x344: {  	[hbm4b:s21+s3] =	stream.linear.scatter [tilespmem:s24], [sflag:$0x4], $0x80, $0x38;
	[tilespmem:$0x18500] =	vst v63  }
0x345: {  	p0 =	sne.s32 s22, $0xFF00;
	s22 =	sadd.s32 $0x14188, s23;
	s24 =	sadd.s32 $0x10, s21  }
0x346: {  	[hbm4b:s24+s3] =	stream.linear.scatter [tilespmem:s22], [sflag:$0x4], $0x80, $0x38;
	[tilespmem:$0x18500] =	vst v63  }
0x347: {  	s22 =	sadd.s32 $0x14210, s23;
	s24 =	sadd.s32 $0x20, s21  }
0x348: {  	[hbm4b:s24+s3] =	stream.linear.scatter [tilespmem:s22], [sflag:$0x4], $0x80, $0x38;
	[tilespmem:$0x18500] =	vst v63  }
0x349: {  	s22 =	sadd.s32 $0x14298, s23;
	s24 =	sadd.s32 $0x30, s21  }
0x34a: {  	[hbm4b:s24+s3] =	stream.linear.scatter [tilespmem:s22], [sflag:$0x4], $0x80, $0x38;
	[tilespmem:$0x18500] =	vst v63  }
0x34b: {  	s22 =	sadd.s32 $0x14320, s23;
	s24 =	sadd.s32 $0x40, s21  }
0x34c: {  	[hbm4b:s24+s3] =	stream.linear.scatter [tilespmem:s22], [sflag:$0x4], $0x80, $0x38;
	[tilespmem:$0x18500] =	vst v63  }
.Ltmp10:
0x34d: {  	s22 =	sadd.s32 $0x143A8, s23;
	s24 =	sadd.s32 $0x50, s21;
	(pc) =	sbr.rel @p0 .LBB2_23-.Ltmp10, $4  }
0x34e: {  	[hbm4b:s24+s3] =	stream.linear.scatter [tilespmem:s22], [sflag:$0x4], $0x80, $0x38;
	[tilespmem:$0x18500] =	vst v63  }
0x34f: {  	s22 =	sadd.s32 $0x14430, s23;
	s24 =	sadd.s32 $0x60, s21;
	s23 =	sadd.s32 $0x144B8, s23  }
0x350: {  	[hbm4b:s24+s3] =	stream.linear.scatter [tilespmem:s22], [sflag:$0x4], $0x80, $0x38;
	[tilespmem:$0x18500] =	vst v63  }
0x351: {  	s24 =	sadd.s32 $0x70, s21;
	s21 =	sadd.s32 $0x1000, s21;
	s22 =	smov.u32 s25  }
0x352: {  	[hbm4b:s24+s3] =	stream.linear.scatter [tilespmem:s23], [sflag:$0x4], $0x80, $0x38;
	[tilespmem:$0x18500] =	vst v63  }
0x353: {  	s22 =	sadd.s32 $0x14100, s20  }
0x354: {  	[hbm4b:s21+s3] =	stream.linear.scatter [tilespmem:s22], [sflag:$0x4], $0x80, $0x38;
	[tilespmem:$0x18500] =	vst v63  }
0x355: {  	s29 =	sadd.s32 $0x14188, s20;
	s30 =	sadd.s32 $0x10, s21  }
0x356: {  	v24 =	vld [tilespmem:$0x1FE00];
	[hbm4b:s30+s3] =	stream.linear.scatter [tilespmem:s29], [sflag:$0x4], $0x80, $0x38  }
0x357: {  	s24 =	sadd.s32 $0x14210, s20;
	s25 =	sadd.s32 $0x20, s21;
	v25 =	vld [tilespmem:$0x1FE10]  }
0x358: {  	v26 =	vld [tilespmem:$0x1FE20];
	[hbm4b:s25+s3] =	stream.linear.scatter [tilespmem:s24], [sflag:$0x4], $0x80, $0x38  }
0x359: {  	s26 =	sadd.s32 $0x14298, s20;
	s28 =	sadd.s32 $0x30, s21;
	v27 =	vld [tilespmem:$0x1FE30]  }
0x35a: {  	v28 =	vld [tilespmem:$0x1FE40];
	[hbm4b:s28+s3] =	stream.linear.scatter [tilespmem:s26], [sflag:$0x4], $0x80, $0x38  }
0x35b: {  	s19 =	sadd.s32 $0x1, s19;
	v29 =	vld [tilespmem:$0x1FE50];
	s29 =	sadd.s32 $0x14320, s20;
	s30 =	sadd.s32 $0x40, s21  }
0x35c: {  	v30 =	vld [tilespmem:$0x1FE60];
	[hbm4b:s30+s3] =	stream.linear.scatter [tilespmem:s29], [sflag:$0x4], $0x80, $0x38  }
0x35d: {  	v31 =	vld [tilespmem:$0x1FE70];
	p0 =	sne.s32 s19, $0x19;
	s24 =	sadd.s32 $0x143A8, s20;
	s25 =	sadd.s32 $0x50, s21  }
0x35e: {  	v32 =	vld [tilespmem:$0x1FE80];
	[hbm4b:s25+s3] =	stream.linear.scatter [tilespmem:s24], [sflag:$0x4], $0x80, $0x38  }
.Ltmp11:
0x35f: {  	v36 =	vld [tilespmem:$0x1FEC0];
	(pc) =	sbr.rel @p0 .LBB2_4-.Ltmp11, $4  }
0x360: {  	v41 =	vld [tilespmem:$0x1FED0];
	s26 =	sadd.s32 $0x14430, s20;
	s28 =	sadd.s32 $0x60, s21  }
0x361: {  	v40 =	vld [tilespmem:$0x1FF00];
	[hbm4b:s28+s3] =	stream.linear.scatter [tilespmem:s26], [sflag:$0x4], $0x80, $0x38  }
0x362: {  	v43 =	vmov v48;
	v48 =	vld [tilespmem:$0x1FF30];
	s29 =	sadd.s32 $0x144B8, s20;
	s30 =	sadd.s32 $0x70, s21  }
0x363: {  	v42 =	vmov v46;
	v46 =	vmov v50;
	v50 =	vld [tilespmem:$0x1FF50];
	[hbm4b:s30+s3] =	stream.linear.scatter [tilespmem:s29], [sflag:$0x4], $0x80, $0x38  }
0x364: {  	s17 =	sadd.s32 $0x1, s17  }
0x365: {  	p0 =	sne.s32 s17, s0  }
.Ltmp12:
0x366: {  	_ = 	snop;
	(pc) =	sbr.rel @p0 .LBB2_1-.Ltmp12, $4  }
0x367: {  	_ = 	snop  }
0x368: {  	_ =	swait.ge [sflag:s16], $0x4000  }
0x369: {  	[sflag:s16] =	ssyncset.done $0x0  }
0x36a: {  	[sflag:s16] =	ssyncadd.s32 $0xFFFFC000  }
0x36b: {  	_ =	sfence.sel $0x180000  }
0x36c: {  	[bflag:$0x0] =	sbarrier.arrive $0xFFFF  }
0x36d: {  	_ =	strace $0x90000047  }
0x36e: {  	s0 =	stileid.u32;
	[bflag:$0x2] =	sbarrier.arrive $0xFFFF  }
0x36f: {  	p0 =	sne.s32 s0, $0x0;
	s0 =	rddreg [dreg:$0x2]  }
0x370: {  	s0 =	sadd.s32 @!p0 $0x100000, s0  }
0x371: {  	[sflag:s0] =	ssyncadd.tile.s32 @!p0 $0x1;
	_ =	shalt  }
.Lfunc_end2:
_tile_overlayer_lowered:
.L_overlay_start_2:
0x372: {  	(tag) =	ssettag $0x2  }
0x373: {  	s0 =	rddreg [dreg:$0x0];
	s2 =	stileid.u32  }
0x374: {  	s1 =	rddreg [dreg:$0x1];
	p0 =	sne.s32 s2, $0x0  }
0x375: {  	s3 =	rddreg [dreg:$0x2];
	[bflag:$0x3] =	sbarrier.arrive $0xFFFF;
	s2 =	simm.s32 @!p0 $0x1C05  }
0x376: {  	[timem:s3], [sflag:s2] =	dma.local @!p0 [hbm:s0], s1  }
0x377: {  	s0 =	simm.s32 @!p0 $0x5  }
0x378: {  	_ =	swait.ge @!p0 [sflag:s0], s1  }
0x379: {  	s1 =	ssub.s32 @!p0 $0x0, s1;
	[sflag:s0] =	ssyncset.done @!p0 $0x0  }
0x37a: {  	[sflag:s0] =	ssyncadd.s32 @!p0 s1  }
0x37b: {  	[bflag:$0x3] =	sbarrier.arrive $0xFFFF  }
0x37c: {  	_ =	shalt  }

</sc_bundles>
